<compile_context>
chip_gen: v7x
topology: tpu7x:2x2x1
jax: 0.10.2.dev20260603
libtpu: 0.0.44.dev20260713+nightly
codegen_flags: <defaults>
</compile_context>

<pallas_src>
import functools

import jax
import jax.numpy as jnp
from jax import lax
from jax.experimental import pallas as pl
from jax.experimental.pallas import tpu as pltpu
from jax.experimental.pallas import tpu_sc as plsc

NC = 2
NS = 16
CHUNK = 64
WSC = 72
HALF = 64
SEGC = 8
NBUF = 8
LAG = NBUF // 2
NSTEP = 2 * SEGC
SEGE = SEGC * CHUNK


def _sc_scatter_body(n, ept, rpt, x_hbm, ei_hbm, zeros_hbm, ones_hbm, out_hbm,
                     idx_a, idx_b, tidx_a, tidx_b, rows_v, tbl_sh, acc_sh,
                     sem_st, *sems):
    cid = lax.axis_index("c")
    sid = lax.axis_index("s")
    sem_g = sems[:NBUF]
    sem_s = sems[NBUF:]
    nfull = (ept // CHUNK // SEGC) * SEGC
    tail = ept - nfull * CHUNK
    nseg = nfull // SEGC
    idx = (idx_a, idx_b)

    def start_gather(j, p, b, q):
        pltpu.async_copy(tbl_sh.at[idx[p].at[q, pl.ds(j * CHUNK, CHUNK)]],
                         rows_v.at[b], sem_g[b])

    def wait_gather(j, p, b, q):
        pltpu.make_async_copy(tbl_sh.at[idx[p].at[q, pl.ds(j * CHUNK, CHUNK)]],
                              rows_v.at[b], sem_g[b]).wait()

    def start_scatter(j, p, b, q):
        pltpu.async_copy(rows_v.at[b],
                         acc_sh.at[idx[1 - p].at[q, pl.ds(j * CHUNK, CHUNK)]],
                         sem_s[b], add=True)

    def wait_scatter(b):
        pltpu.make_async_copy(rows_v.at[b],
                              acc_sh.at[idx_a.at[0, pl.ds(0, CHUNK)]],
                              sem_s[b]).wait()

    row0 = sid * rpt
    short = n - (NS - 1) * rpt

    @pl.when(row0 + rpt <= n)
    def _():
        pltpu.sync_copy(x_hbm.at[pl.ds(row0, rpt), pl.ds(cid * HALF, HALF)],
                        tbl_sh.at[pl.ds(row0, rpt), pl.ds(0, HALF)])
        pltpu.sync_copy(ones_hbm, tbl_sh.at[pl.ds(row0, rpt), pl.ds(HALF, 8)])
        pltpu.sync_copy(zeros_hbm, acc_sh.at[pl.ds(row0, rpt)])

    @pl.when(row0 + rpt > n)
    def _():
        pltpu.sync_copy(x_hbm.at[pl.ds(row0, short), pl.ds(cid * HALF, HALF)],
                        tbl_sh.at[pl.ds(row0, short), pl.ds(0, HALF)])
        pltpu.sync_copy(ones_hbm.at[pl.ds(0, short)],
                        tbl_sh.at[pl.ds(row0, short), pl.ds(HALF, 8)])
        pltpu.sync_copy(zeros_hbm.at[pl.ds(0, short)],
                        acc_sh.at[pl.ds(row0, short)])

    ebase = sid * ept

    def stage(s, q):
        off = ebase + s * SEGE
        pltpu.async_copy(ei_hbm.at[0, pl.ds(off, SEGE)], idx_a.at[q], sem_st)
        pltpu.async_copy(ei_hbm.at[1, pl.ds(off, SEGE)], idx_b.at[q], sem_st)

    def wait_stage():
        pltpu.make_async_copy(ei_hbm.at[0, pl.ds(0, SEGE)], idx_a.at[0],
                              sem_st).wait()
        pltpu.make_async_copy(ei_hbm.at[1, pl.ds(0, SEGE)], idx_b.at[0],
                              sem_st).wait()

    stage(0, 0)
    wait_stage()
    plsc.subcore_barrier()
    for k in range(LAG):
        start_gather(k // 2, k % 2, k % NBUF, 0)

    def seg_body(s, carry):
        q = s % 2
        qn = (s + 1) % 2
        for k in range(NSTEP):
            b = k % NBUF
            if k >= LAG:
                wait_scatter((k - LAG) % NBUF)
            else:
                @pl.when(s > 0)
                def _():
                    wait_scatter((k - LAG) % NBUF)

            if k == LAG:
                @pl.when(s + 1 < nseg)
                def _():
                    stage(s + 1, qn)

            kk = k + LAG
            if kk < NSTEP:
                start_gather(kk // 2, kk % 2, kk % NBUF, q)
            else:
                if kk == NSTEP:
                    @pl.when(s + 1 < nseg)
                    def _():
                        wait_stage()

                @pl.when(s + 1 < nseg)
                def _():
                    start_gather((kk - NSTEP) // 2, kk % 2, kk % NBUF, qn)

            wait_gather(k // 2, k % 2, b, q)
            start_scatter(k // 2, k % 2, b, q)
        return carry

    lax.fori_loop(0, nseg, seg_body, 0)
    for k in range(NSTEP - LAG, NSTEP):
        wait_scatter(k % NBUF)

    if tail:
        toff = ebase + nfull * CHUNK
        pltpu.sync_copy(ei_hbm.at[0, pl.ds(toff, tail)], tidx_a)
        pltpu.sync_copy(ei_hbm.at[1, pl.ds(toff, tail)], tidx_b)
        tidx = (tidx_a, tidx_b)
        for p in range(2):
            pltpu.async_copy(tbl_sh.at[tidx[p]],
                             rows_v.at[p, pl.ds(0, tail)], sem_g[p])
        for p in range(2):
            pltpu.make_async_copy(tbl_sh.at[tidx[p]],
                                  rows_v.at[p, pl.ds(0, tail)],
                                  sem_g[p]).wait()
            pltpu.async_copy(rows_v.at[p, pl.ds(0, tail)],
                             acc_sh.at[tidx[1 - p]], sem_s[p], add=True)
        for p in range(2):
            pltpu.make_async_copy(rows_v.at[p, pl.ds(0, tail)],
                                  acc_sh.at[tidx[1 - p]], sem_s[p]).wait()

    plsc.subcore_barrier()
    @pl.when(row0 + rpt <= n)
    def _():
        pltpu.sync_copy(acc_sh.at[pl.ds(row0, rpt)],
                        out_hbm.at[cid, pl.ds(row0, rpt)])

    @pl.when(row0 + rpt > n)
    def _():
        pltpu.sync_copy(acc_sh.at[pl.ds(row0, short)],
                        out_hbm.at[cid, pl.ds(row0, short)])


def _tc_matmul_body(h, acc_ref, x_ref, w_ref, o_ref):
    a0 = acc_ref[0]
    a1 = acc_ref[1]
    g_lo = a0[:, :HALF]
    deg = a0[:, HALF:HALF + 1]
    g_hi = a1[:, :HALF]
    o_ref[...] = (
        jnp.dot(g_lo, w_ref[:HALF], preferred_element_type=jnp.float32)
        + jnp.dot(g_hi, w_ref[HALF:h], preferred_element_type=jnp.float32)
        + jnp.dot(deg * x_ref[...], w_ref[h:], preferred_element_type=jnp.float32)
    )


def kernel(x, edge_index, W):
    n, h = x.shape
    e = edge_index.shape[1]

    rpt = (-(-n // NS) + 7) // 8 * 8
    ept = e // NS
    assert ept * NS == e and ept % 16 == 0
    tail = ept - (ept // CHUNK // SEGC) * SEGC * CHUNK
    assert 0 < tail <= 128 and tail % 8 == 0

    ei = edge_index.astype(jnp.int32)
    zeros_blk = jnp.zeros((rpt, WSC), jnp.float32)
    ones_col = jnp.ones((rpt, 8), jnp.float32)

    sc_scatter = pl.kernel(
        functools.partial(_sc_scatter_body, n, ept, rpt),
        out_type=jax.ShapeDtypeStruct((NC, n, WSC), jnp.float32),
        mesh=plsc.VectorSubcoreMesh(core_axis_name="c", subcore_axis_name="s",
                                    num_cores=NC, num_subcores=NS),
        scratch_types=[
            pltpu.VMEM((2, SEGE), jnp.int32),
            pltpu.VMEM((2, SEGE), jnp.int32),
            pltpu.VMEM((max(tail, 8),), jnp.int32),
            pltpu.VMEM((max(tail, 8),), jnp.int32),
            pltpu.VMEM((NBUF, CHUNK, WSC), jnp.float32),
            pltpu.VMEM_SHARED((n, WSC), jnp.float32),
            pltpu.VMEM_SHARED((n, WSC), jnp.float32),
            pltpu.SemaphoreType.DMA,
        ] + [pltpu.SemaphoreType.DMA] * (2 * NBUF),
        compiler_params=pltpu.CompilerParams(use_tc_tiling_on_sc=False),
    )
    acc = sc_scatter(x, ei, zeros_blk, ones_col)

    blk = 4 * rpt
    out = pl.pallas_call(
        functools.partial(_tc_matmul_body, h),
        grid=(NS // 4,),
        in_specs=[
            pl.BlockSpec((NC, blk, WSC), lambda i: (0, i, 0)),
            pl.BlockSpec((blk, h), lambda i: (i, 0)),
            pl.BlockSpec((2 * h, h), lambda i: (0, 0)),
        ],
        out_specs=pl.BlockSpec((blk, h), lambda i: (i, 0)),
        out_shape=jax.ShapeDtypeStruct((n, h), jnp.float32),
    )(acc, x, W)
    return out

# --- scband reference (transcript-rebuilt; emitter-appended) ---
"""Pipeline reference for scband-symmetric-message-network-90443421319354 (READ-ONLY COPY).

The authoritative reference and input builder live on the scoring server;
editing this copy changes nothing except your own understanding.
"""

import jax, jax.numpy as jnp
import numpy as np

N_NODES = 10000
N_EDGES = 320000
HIDDEN = 128


def setup_inputs(seed: int = 0) -> dict:
    key = jax.random.key(seed)
    k1, k2, k3 = jax.random.split(key, 3)
    x = jax.random.normal(k1, (N_NODES, HIDDEN), dtype=jnp.float32)
    edge_index = jax.random.randint(k2, (2, N_EDGES), 0, N_NODES, dtype=jnp.int64)
    # Linear(2*hidden_dim, hidden_dim, bias=False): torch weight is [H, 2H];
    # we store W as [2H, H] so that y = h @ W matches h @ weight.T
    W = jax.random.normal(k3, (2 * HIDDEN, HIDDEN), dtype=jnp.float32) * (1.0 / np.sqrt(2 * HIDDEN))
    return {"x": x, "edge_index": edge_index, "W": W}


def reference(x, edge_index, W):
    # symmetrize edges: cat([edge_idx, [dst, src]], dim=1)
    rev = jnp.stack([edge_index[1], edge_index[0]], axis=0)
    ei = jnp.concatenate([edge_index, rev], axis=1)
    # gather src/dst features and concat along feature dim
    h = jnp.concatenate([x[ei[0]], x[ei[1]]], axis=1)
    # linear (no bias)
    m = h @ W
    # scatter_sum over dst index with dim_size = num_vars (= N_NODES)
    r = jax.ops.segment_sum(m, ei[1], num_segments=x.shape[0])
    return r

if __name__ == "__main__":
    import jax
    _d = setup_inputs()
    print(jax.jit(kernel)(*tuple(_d.values())))

</pallas_src>

<mosaic_0001>
#map = affine_map<(d0, d1) -> (0, 0)>
#map1 = affine_map<(d0, d1) -> (0, 0, 0)>
module attributes {stable_mosaic.version = 14 : i64} {
  func.func @_sc_scatter_body(%arg0: i32, %arg1: i32, %arg2: memref<10000x128xf32, #tpu.memory_space<hbm>>, %arg3: memref<2x320000xi32, #tpu.memory_space<hbm>>, %arg4: memref<632x72xf32, #tpu.memory_space<hbm>>, %arg5: memref<632x8xf32, #tpu.memory_space<hbm>>, %arg6: memref<2x10000x72xf32, #tpu.memory_space<hbm>>, %arg7: memref<2x512xi32, #tpu.memory_space<vmem>>, %arg8: memref<2x512xi32, #tpu.memory_space<vmem>>, %arg9: memref<32xi32, #tpu.memory_space<vmem>>, %arg10: memref<32xi32, #tpu.memory_space<vmem>>, %arg11: memref<8x64x72xf32, #tpu.memory_space<vmem>>, %arg12: memref<10000x72xf32, #tpu.memory_space<vmem_shared>>, %arg13: memref<10000x72xf32, #tpu.memory_space<vmem_shared>>, %arg14: memref<!tpu.dma_semaphore, #tpu.memory_space<semaphore_mem>>, %arg15: memref<!tpu.dma_semaphore, #tpu.memory_space<semaphore_mem>>, %arg16: memref<!tpu.dma_semaphore, #tpu.memory_space<semaphore_mem>>, %arg17: memref<!tpu.dma_semaphore, #tpu.memory_space<semaphore_mem>>, %arg18: memref<!tpu.dma_semaphore, #tpu.memory_space<semaphore_mem>>, %arg19: memref<!tpu.dma_semaphore, #tpu.memory_space<semaphore_mem>>, %arg20: memref<!tpu.dma_semaphore, #tpu.memory_space<semaphore_mem>>, %arg21: memref<!tpu.dma_semaphore, #tpu.memory_space<semaphore_mem>>, %arg22: memref<!tpu.dma_semaphore, #tpu.memory_space<semaphore_mem>>, %arg23: memref<!tpu.dma_semaphore, #tpu.memory_space<semaphore_mem>>, %arg24: memref<!tpu.dma_semaphore, #tpu.memory_space<semaphore_mem>>, %arg25: memref<!tpu.dma_semaphore, #tpu.memory_space<semaphore_mem>>, %arg26: memref<!tpu.dma_semaphore, #tpu.memory_space<semaphore_mem>>, %arg27: memref<!tpu.dma_semaphore, #tpu.memory_space<semaphore_mem>>, %arg28: memref<!tpu.dma_semaphore, #tpu.memory_space<semaphore_mem>>, %arg29: memref<!tpu.dma_semaphore, #tpu.memory_space<semaphore_mem>>, %arg30: memref<!tpu.dma_semaphore, #tpu.memory_space<semaphore_mem>>) attributes {dimension_semantics = [#tpu.dimension_semantics<core_parallel>, #tpu.dimension_semantics<subcore_parallel>], iteration_bounds = array<i64: 2, 16>, scalar_prefetch = 0 : i64, scratch_operands = 24 : i64, tpu.core_type = #tpu.core_type<sc_vector_subcore>, window_params = [{transform_indices = #map}, {transform_indices = #map}, {transform_indices = #map}, {transform_indices = #map}, {transform_indices = #map1}]} {
    %mul3A = arith.constant 632 : i32
    %mul3A_0 = arith.muli %arg1, %mul3A : i32
    %add3A = arith.constant 632 : i32
    %add3A_1 = arith.addi %mul3A_0, %add3A : i32
    %le3A = arith.constant 10000 : i32
    %le3A_2 = arith.cmpi sle, %add3A_1, %le3A : i32
    %convert_element_type3A = arith.extui %le3A_2 : i1 to i32
    %cond3A = arith.constant 0 : i32
    %cond3A_3 = arith.cmpi ne, %convert_element_type3A, %cond3A : i32
    scf.if %cond3A_3 {
      %mul3A_247 = arith.constant 64 : i32
      %mul3A_248 = arith.muli %arg0, %mul3A_247 : i32
      "tpu.region"() ({
        %run_scoped3A_249 = tpu.sem_alloc : memref<!tpu.dma_semaphore, #tpu.memory_space<semaphore_mem>>
        %dma_start3A_250 = arith.constant 0 : i32
        %dma_start3A_251 = tpu.memref_slice %arg12[%mul3A_0, %dma_start3A_250] : memref<10000x72xf32, #tpu.memory_space<vmem_shared>> -> memref<632x64xf32, #tpu.memory_space<vmem_shared>>
        %dma_start3A_252 = tpu.memref_slice %arg2[%mul3A_0, %mul3A_248] : memref<10000x128xf32, #tpu.memory_space<hbm>> -> memref<632x64xf32, #tpu.memory_space<hbm>>
        tpu.enqueue_dma source(%dma_start3A_252 : memref<632x64xf32, #tpu.memory_space<hbm>>) target(%dma_start3A_251 : memref<632x64xf32, #tpu.memory_space<vmem_shared>>) target_semaphore(%run_scoped3A_249 : memref<!tpu.dma_semaphore, #tpu.memory_space<semaphore_mem>>)
        %dma_wait3A_253 = arith.constant 0 : i32
        %dma_wait3A_254 = tpu.memref_slice %arg12[%mul3A_0, %dma_wait3A_253] : memref<10000x72xf32, #tpu.memory_space<vmem_shared>> -> memref<632x64xf32, #tpu.memory_space<vmem_shared>>
        %dma_wait3A_255 = tpu.memref_slice %arg2[%mul3A_0, %mul3A_248] : memref<10000x128xf32, #tpu.memory_space<hbm>> -> memref<632x64xf32, #tpu.memory_space<hbm>>
        tpu.wait_dma2 semaphore(%run_scoped3A_249 : memref<!tpu.dma_semaphore, #tpu.memory_space<semaphore_mem>>) src(%dma_wait3A_255 : memref<632x64xf32, #tpu.memory_space<hbm>>) dst(%dma_wait3A_254 : memref<632x64xf32, #tpu.memory_space<vmem_shared>>)
        tpu.yield
      }) : () -> ()
      "tpu.region"() ({
        %run_scoped3A_249 = tpu.sem_alloc : memref<!tpu.dma_semaphore, #tpu.memory_space<semaphore_mem>>
        %dma_start3A_250 = arith.constant 64 : i32
        %dma_start3A_251 = tpu.memref_slice %arg12[%mul3A_0, %dma_start3A_250] : memref<10000x72xf32, #tpu.memory_space<vmem_shared>> -> memref<632x8xf32, #tpu.memory_space<vmem_shared>>
        tpu.enqueue_dma source(%arg5 : memref<632x8xf32, #tpu.memory_space<hbm>>) target(%dma_start3A_251 : memref<632x8xf32, #tpu.memory_space<vmem_shared>>) target_semaphore(%run_scoped3A_249 : memref<!tpu.dma_semaphore, #tpu.memory_space<semaphore_mem>>)
        %dma_wait3A_252 = arith.constant 64 : i32
        %dma_wait3A_253 = tpu.memref_slice %arg12[%mul3A_0, %dma_wait3A_252] : memref<10000x72xf32, #tpu.memory_space<vmem_shared>> -> memref<632x8xf32, #tpu.memory_space<vmem_shared>>
        tpu.wait_dma2 semaphore(%run_scoped3A_249 : memref<!tpu.dma_semaphore, #tpu.memory_space<semaphore_mem>>) src(%arg5 : memref<632x8xf32, #tpu.memory_space<hbm>>) dst(%dma_wait3A_253 : memref<632x8xf32, #tpu.memory_space<vmem_shared>>)
        tpu.yield
      }) : () -> ()
      "tpu.region"() ({
        %run_scoped3A_249 = tpu.sem_alloc : memref<!tpu.dma_semaphore, #tpu.memory_space<semaphore_mem>>
        %dma_start3A_250 = arith.constant 0 : i32
        %dma_start3A_251 = tpu.memref_slice %arg13[%mul3A_0, %dma_start3A_250] : memref<10000x72xf32, #tpu.memory_space<vmem_shared>> -> memref<632x72xf32, #tpu.memory_space<vmem_shared>>
        tpu.enqueue_dma source(%arg4 : memref<632x72xf32, #tpu.memory_space<hbm>>) target(%dma_start3A_251 : memref<632x72xf32, #tpu.memory_space<vmem_shared>>) target_semaphore(%run_scoped3A_249 : memref<!tpu.dma_semaphore, #tpu.memory_space<semaphore_mem>>)
        %dma_wait3A_252 = arith.constant 0 : i32
        %dma_wait3A_253 = tpu.memref_slice %arg13[%mul3A_0, %dma_wait3A_252] : memref<10000x72xf32, #tpu.memory_space<vmem_shared>> -> memref<632x72xf32, #tpu.memory_space<vmem_shared>>
        tpu.wait_dma2 semaphore(%run_scoped3A_249 : memref<!tpu.dma_semaphore, #tpu.memory_space<semaphore_mem>>) src(%arg4 : memref<632x72xf32, #tpu.memory_space<hbm>>) dst(%dma_wait3A_253 : memref<632x72xf32, #tpu.memory_space<vmem_shared>>)
        tpu.yield
      }) : () -> ()
    } else {
    }
    %add3A_4 = arith.constant 632 : i32
    %add3A_5 = arith.addi %mul3A_0, %add3A_4 : i32
    %gt3A = arith.constant 10000 : i32
    %gt3A_6 = arith.cmpi sgt, %add3A_5, %gt3A : i32
    %convert_element_type3A_7 = arith.extui %gt3A_6 : i1 to i32
    %cond3A_8 = arith.constant 0 : i32
    %cond3A_9 = arith.cmpi ne, %convert_element_type3A_7, %cond3A_8 : i32
    scf.if %cond3A_9 {
      %mul3A_247 = arith.constant 64 : i32
      %mul3A_248 = arith.muli %arg0, %mul3A_247 : i32
      "tpu.region"() ({
        %run_scoped3A_249 = tpu.sem_alloc : memref<!tpu.dma_semaphore, #tpu.memory_space<semaphore_mem>>
        %dma_start3A_250 = arith.constant 0 : i32
        %dma_start3A_251 = tpu.memref_slice %arg12[%mul3A_0, %dma_start3A_250] : memref<10000x72xf32, #tpu.memory_space<vmem_shared>> -> memref<520x64xf32, #tpu.memory_space<vmem_shared>>
        %dma_start3A_252 = tpu.memref_slice %arg2[%mul3A_0, %mul3A_248] : memref<10000x128xf32, #tpu.memory_space<hbm>> -> memref<520x64xf32, #tpu.memory_space<hbm>>
        tpu.enqueue_dma source(%dma_start3A_252 : memref<520x64xf32, #tpu.memory_space<hbm>>) target(%dma_start3A_251 : memref<520x64xf32, #tpu.memory_space<vmem_shared>>) target_semaphore(%run_scoped3A_249 : memref<!tpu.dma_semaphore, #tpu.memory_space<semaphore_mem>>)
        %dma_wait3A_253 = arith.constant 0 : i32
        %dma_wait3A_254 = tpu.memref_slice %arg12[%mul3A_0, %dma_wait3A_253] : memref<10000x72xf32, #tpu.memory_space<vmem_shared>> -> memref<520x64xf32, #tpu.memory_space<vmem_shared>>
        %dma_wait3A_255 = tpu.memref_slice %arg2[%mul3A_0, %mul3A_248] : memref<10000x128xf32, #tpu.memory_space<hbm>> -> memref<520x64xf32, #tpu.memory_space<hbm>>
        tpu.wait_dma2 semaphore(%run_scoped3A_249 : memref<!tpu.dma_semaphore, #tpu.memory_space<semaphore_mem>>) src(%dma_wait3A_255 : memref<520x64xf32, #tpu.memory_space<hbm>>) dst(%dma_wait3A_254 : memref<520x64xf32, #tpu.memory_space<vmem_shared>>)
        tpu.yield
      }) : () -> ()
      "tpu.region"() ({
        %run_scoped3A_249 = tpu.sem_alloc : memref<!tpu.dma_semaphore, #tpu.memory_space<semaphore_mem>>
        %dma_start3A_250 = arith.constant 64 : i32
        %dma_start3A_251 = tpu.memref_slice %arg12[%mul3A_0, %dma_start3A_250] : memref<10000x72xf32, #tpu.memory_space<vmem_shared>> -> memref<520x8xf32, #tpu.memory_space<vmem_shared>>
        %dma_start3A_252 = arith.constant 0 : i32
        %dma_start3A_253 = arith.constant 0 : i32
        %dma_start3A_254 = tpu.memref_slice %arg5[%dma_start3A_252, %dma_start3A_253] : memref<632x8xf32, #tpu.memory_space<hbm>> -> memref<520x8xf32, #tpu.memory_space<hbm>>
        tpu.enqueue_dma source(%dma_start3A_254 : memref<520x8xf32, #tpu.memory_space<hbm>>) target(%dma_start3A_251 : memref<520x8xf32, #tpu.memory_space<vmem_shared>>) target_semaphore(%run_scoped3A_249 : memref<!tpu.dma_semaphore, #tpu.memory_space<semaphore_mem>>)
        %dma_wait3A_255 = arith.constant 64 : i32
        %dma_wait3A_256 = tpu.memref_slice %arg12[%mul3A_0, %dma_wait3A_255] : memref<10000x72xf32, #tpu.memory_space<vmem_shared>> -> memref<520x8xf32, #tpu.memory_space<vmem_shared>>
        %dma_wait3A_257 = arith.constant 0 : i32
        %dma_wait3A_258 = arith.constant 0 : i32
        %dma_wait3A_259 = tpu.memref_slice %arg5[%dma_wait3A_257, %dma_wait3A_258] : memref<632x8xf32, #tpu.memory_space<hbm>> -> memref<520x8xf32, #tpu.memory_space<hbm>>
        tpu.wait_dma2 semaphore(%run_scoped3A_249 : memref<!tpu.dma_semaphore, #tpu.memory_space<semaphore_mem>>) src(%dma_wait3A_259 : memref<520x8xf32, #tpu.memory_space<hbm>>) dst(%dma_wait3A_256 : memref<520x8xf32, #tpu.memory_space<vmem_shared>>)
        tpu.yield
      }) : () -> ()
      "tpu.region"() ({
        %run_scoped3A_249 = tpu.sem_alloc : memref<!tpu.dma_semaphore, #tpu.memory_space<semaphore_mem>>
        %dma_start3A_250 = arith.constant 0 : i32
        %dma_start3A_251 = tpu.memref_slice %arg13[%mul3A_0, %dma_start3A_250] : memref<10000x72xf32, #tpu.memory_space<vmem_shared>> -> memref<520x72xf32, #tpu.memory_space<vmem_shared>>
        %dma_start3A_252 = arith.constant 0 : i32
        %dma_start3A_253 = arith.constant 0 : i32
        %dma_start3A_254 = tpu.memref_slice %arg4[%dma_start3A_252, %dma_start3A_253] : memref<632x72xf32, #tpu.memory_space<hbm>> -> memref<520x72xf32, #tpu.memory_space<hbm>>
        tpu.enqueue_dma source(%dma_start3A_254 : memref<520x72xf32, #tpu.memory_space<hbm>>) target(%dma_start3A_251 : memref<520x72xf32, #tpu.memory_space<vmem_shared>>) target_semaphore(%run_scoped3A_249 : memref<!tpu.dma_semaphore, #tpu.memory_space<semaphore_mem>>)
        %dma_wait3A_255 = arith.constant 0 : i32
        %dma_wait3A_256 = tpu.memref_slice %arg13[%mul3A_0, %dma_wait3A_255] : memref<10000x72xf32, #tpu.memory_space<vmem_shared>> -> memref<520x72xf32, #tpu.memory_space<vmem_shared>>
        %dma_wait3A_257 = arith.constant 0 : i32
        %dma_wait3A_258 = arith.constant 0 : i32
        %dma_wait3A_259 = tpu.memref_slice %arg4[%dma_wait3A_257, %dma_wait3A_258] : memref<632x72xf32, #tpu.memory_space<hbm>> -> memref<520x72xf32, #tpu.memory_space<hbm>>
        tpu.wait_dma2 semaphore(%run_scoped3A_249 : memref<!tpu.dma_semaphore, #tpu.memory_space<semaphore_mem>>) src(%dma_wait3A_259 : memref<520x72xf32, #tpu.memory_space<hbm>>) dst(%dma_wait3A_256 : memref<520x72xf32, #tpu.memory_space<vmem_shared>>)
        tpu.yield
      }) : () -> ()
    } else {
    }
    %mul3A_10 = arith.constant 20000 : i32
    %mul3A_11 = arith.muli %arg1, %mul3A_10 : i32
    %add3A_12 = arith.constant 0 : i32
    %add3A_13 = arith.addi %mul3A_11, %add3A_12 : i32
    %dma_start3A = arith.constant 0 : i32
    %dma_start3A_14 = arith.constant 0 : i32
    %dma_start3A_15 = arith.constant 0 : i32
    %dma_start3A_16 = tpu.memref_slice %arg7[%dma_start3A_14, %dma_start3A_15] : memref<2x512xi32, #tpu.memory_space<vmem>> -> memref<1x512xi32, #tpu.memory_space<vmem>>
    %dma_start3A_17 = tpu.memref_squeeze %dma_start3A_16 : memref<1x512xi32, #tpu.memory_space<vmem>> -> memref<512xi32, #tpu.memory_space<vmem>>
    %dma_start3A_18 = tpu.memref_slice %arg3[%dma_start3A, %add3A_13] : memref<2x320000xi32, #tpu.memory_space<hbm>> -> memref<1x512xi32, #tpu.memory_space<hbm>>
    %dma_start3A_19 = tpu.memref_squeeze %dma_start3A_18 : memref<1x512xi32, #tpu.memory_space<hbm>> -> memref<512xi32, #tpu.memory_space<hbm>>
    %dma_start3A_20 = arith.constant 0 : i32
    %dma_start3A_21 = tpu.memref_slice %arg7[%dma_start3A_14, %dma_start3A_20] : memref<2x512xi32, #tpu.memory_space<vmem>> -> memref<1x512xi32, #tpu.memory_space<vmem>>
    %dma_start3A_22 = tpu.memref_squeeze %dma_start3A_21 : memref<1x512xi32, #tpu.memory_space<vmem>> -> memref<512xi32, #tpu.memory_space<vmem>>
    %dma_start3A_23 = tpu.memref_slice %arg3[%dma_start3A, %add3A_13] : memref<2x320000xi32, #tpu.memory_space<hbm>> -> memref<1x512xi32, #tpu.memory_space<hbm>>
    %dma_start3A_24 = tpu.memref_squeeze %dma_start3A_23 : memref<1x512xi32, #tpu.memory_space<hbm>> -> memref<512xi32, #tpu.memory_space<hbm>>
    tpu.enqueue_dma source(%dma_start3A_24 : memref<512xi32, #tpu.memory_space<hbm>>) target(%dma_start3A_22 : memref<512xi32, #tpu.memory_space<vmem>>) target_semaphore(%arg14 : memref<!tpu.dma_semaphore, #tpu.memory_space<semaphore_mem>>)
    %dma_start3A_25 = arith.constant 1 : i32
    %dma_start3A_26 = arith.constant 0 : i32
    %dma_start3A_27 = arith.constant 0 : i32
    %dma_start3A_28 = tpu.memref_slice %arg8[%dma_start3A_26, %dma_start3A_27] : memref<2x512xi32, #tpu.memory_space<vmem>> -> memref<1x512xi32, #tpu.memory_space<vmem>>
    %dma_start3A_29 = tpu.memref_squeeze %dma_start3A_28 : memref<1x512xi32, #tpu.memory_space<vmem>> -> memref<512xi32, #tpu.memory_space<vmem>>
    %dma_start3A_30 = tpu.memref_slice %arg3[%dma_start3A_25, %add3A_13] : memref<2x320000xi32, #tpu.memory_space<hbm>> -> memref<1x512xi32, #tpu.memory_space<hbm>>
    %dma_start3A_31 = tpu.memref_squeeze %dma_start3A_30 : memref<1x512xi32, #tpu.memory_space<hbm>> -> memref<512xi32, #tpu.memory_space<hbm>>
    %dma_start3A_32 = arith.constant 0 : i32
    %dma_start3A_33 = tpu.memref_slice %arg8[%dma_start3A_26, %dma_start3A_32] : memref<2x512xi32, #tpu.memory_space<vmem>> -> memref<1x512xi32, #tpu.memory_space<vmem>>
    %dma_start3A_34 = tpu.memref_squeeze %dma_start3A_33 : memref<1x512xi32, #tpu.memory_space<vmem>> -> memref<512xi32, #tpu.memory_space<vmem>>
    %dma_start3A_35 = tpu.memref_slice %arg3[%dma_start3A_25, %add3A_13] : memref<2x320000xi32, #tpu.memory_space<hbm>> -> memref<1x512xi32, #tpu.memory_space<hbm>>
    %dma_start3A_36 = tpu.memref_squeeze %dma_start3A_35 : memref<1x512xi32, #tpu.memory_space<hbm>> -> memref<512xi32, #tpu.memory_space<hbm>>
    tpu.enqueue_dma source(%dma_start3A_36 : memref<512xi32, #tpu.memory_space<hbm>>) target(%dma_start3A_34 : memref<512xi32, #tpu.memory_space<vmem>>) target_semaphore(%arg14 : memref<!tpu.dma_semaphore, #tpu.memory_space<semaphore_mem>>)
    %dma_wait3A = arith.constant 0 : i32
    %dma_wait3A_37 = arith.constant 0 : i32
    %dma_wait3A_38 = arith.constant 0 : i32
    %dma_wait3A_39 = tpu.memref_slice %arg7[%dma_wait3A_37, %dma_wait3A_38] : memref<2x512xi32, #tpu.memory_space<vmem>> -> memref<1x512xi32, #tpu.memory_space<vmem>>
    %dma_wait3A_40 = tpu.memref_squeeze %dma_wait3A_39 : memref<1x512xi32, #tpu.memory_space<vmem>> -> memref<512xi32, #tpu.memory_space<vmem>>
    %dma_wait3A_41 = arith.constant 0 : i32
    %dma_wait3A_42 = tpu.memref_slice %arg3[%dma_wait3A, %dma_wait3A_41] : memref<2x320000xi32, #tpu.memory_space<hbm>> -> memref<1x512xi32, #tpu.memory_space<hbm>>
    %dma_wait3A_43 = tpu.memref_squeeze %dma_wait3A_42 : memref<1x512xi32, #tpu.memory_space<hbm>> -> memref<512xi32, #tpu.memory_space<hbm>>
    %dma_wait3A_44 = arith.constant 0 : i32
    %dma_wait3A_45 = tpu.memref_slice %arg7[%dma_wait3A_37, %dma_wait3A_44] : memref<2x512xi32, #tpu.memory_space<vmem>> -> memref<1x512xi32, #tpu.memory_space<vmem>>
    %dma_wait3A_46 = tpu.memref_squeeze %dma_wait3A_45 : memref<1x512xi32, #tpu.memory_space<vmem>> -> memref<512xi32, #tpu.memory_space<vmem>>
    %dma_wait3A_47 = arith.constant 0 : i32
    %dma_wait3A_48 = tpu.memref_slice %arg3[%dma_wait3A, %dma_wait3A_47] : memref<2x320000xi32, #tpu.memory_space<hbm>> -> memref<1x512xi32, #tpu.memory_space<hbm>>
    %dma_wait3A_49 = tpu.memref_squeeze %dma_wait3A_48 : memref<1x512xi32, #tpu.memory_space<hbm>> -> memref<512xi32, #tpu.memory_space<hbm>>
    tpu.wait_dma2 semaphore(%arg14 : memref<!tpu.dma_semaphore, #tpu.memory_space<semaphore_mem>>) src(%dma_wait3A_49 : memref<512xi32, #tpu.memory_space<hbm>>) dst(%dma_wait3A_46 : memref<512xi32, #tpu.memory_space<vmem>>)
    %dma_wait3A_50 = arith.constant 1 : i32
    %dma_wait3A_51 = arith.constant 0 : i32
    %dma_wait3A_52 = arith.constant 0 : i32
    %dma_wait3A_53 = tpu.memref_slice %arg8[%dma_wait3A_51, %dma_wait3A_52] : memref<2x512xi32, #tpu.memory_space<vmem>> -> memref<1x512xi32, #tpu.memory_space<vmem>>
    %dma_wait3A_54 = tpu.memref_squeeze %dma_wait3A_53 : memref<1x512xi32, #tpu.memory_space<vmem>> -> memref<512xi32, #tpu.memory_space<vmem>>
    %dma_wait3A_55 = arith.constant 0 : i32
    %dma_wait3A_56 = tpu.memref_slice %arg3[%dma_wait3A_50, %dma_wait3A_55] : memref<2x320000xi32, #tpu.memory_space<hbm>> -> memref<1x512xi32, #tpu.memory_space<hbm>>
    %dma_wait3A_57 = tpu.memref_squeeze %dma_wait3A_56 : memref<1x512xi32, #tpu.memory_space<hbm>> -> memref<512xi32, #tpu.memory_space<hbm>>
    %dma_wait3A_58 = arith.constant 0 : i32
    %dma_wait3A_59 = tpu.memref_slice %arg8[%dma_wait3A_51, %dma_wait3A_58] : memref<2x512xi32, #tpu.memory_space<vmem>> -> memref<1x512xi32, #tpu.memory_space<vmem>>
    %dma_wait3A_60 = tpu.memref_squeeze %dma_wait3A_59 : memref<1x512xi32, #tpu.memory_space<vmem>> -> memref<512xi32, #tpu.memory_space<vmem>>
    %dma_wait3A_61 = arith.constant 0 : i32
    %dma_wait3A_62 = tpu.memref_slice %arg3[%dma_wait3A_50, %dma_wait3A_61] : memref<2x320000xi32, #tpu.memory_space<hbm>> -> memref<1x512xi32, #tpu.memory_space<hbm>>
    %dma_wait3A_63 = tpu.memref_squeeze %dma_wait3A_62 : memref<1x512xi32, #tpu.memory_space<hbm>> -> memref<512xi32, #tpu.memory_space<hbm>>
    tpu.wait_dma2 semaphore(%arg14 : memref<!tpu.dma_semaphore, #tpu.memory_space<semaphore_mem>>) src(%dma_wait3A_63 : memref<512xi32, #tpu.memory_space<hbm>>) dst(%dma_wait3A_60 : memref<512xi32, #tpu.memory_space<vmem>>)
    %barrier3A = arith.constant 0 : index
    tpu.barrier barrier_id(%barrier3A)
    %dma_start3A_64 = arith.constant 0 : i32
    %dma_start3A_65 = arith.constant 0 : i32
    %dma_start3A_66 = arith.constant 0 : i32
    %dma_start3A_67 = arith.constant 0 : i32
    %dma_start3A_68 = tpu.memref_slice %arg11[%dma_start3A_65, %dma_start3A_66, %dma_start3A_67] : memref<8x64x72xf32, #tpu.memory_space<vmem>> -> memref<1x64x72xf32, #tpu.memory_space<vmem>>
    %dma_start3A_69 = tpu.memref_squeeze %dma_start3A_68 : memref<1x64x72xf32, #tpu.memory_space<vmem>> -> memref<64x72xf32, #tpu.memory_space<vmem>>
    %dma_start3A_70 = arith.constant 0 : i32
    %dma_start3A_71 = tpu.memref_slice %arg7[%dma_start3A_64, %dma_start3A_70] : memref<2x512xi32, #tpu.memory_space<vmem>> -> memref<1x64xi32, #tpu.memory_space<vmem>>
    %dma_start3A_72 = tpu.memref_squeeze %dma_start3A_71 : memref<1x64xi32, #tpu.memory_space<vmem>> -> memref<64xi32, #tpu.memory_space<vmem>>
    %dma_start3A_73 = arith.constant 0 : i32
    %dma_start3A_74 = arith.constant 0 : i32
    %dma_start3A_75 = tpu.memref_slice %arg12[%dma_start3A_73, %dma_start3A_74] : memref<10000x72xf32, #tpu.memory_space<vmem_shared>> -> memref<10000x72xf32, #tpu.memory_space<vmem_shared>>
    tpu.enqueue_indirect_dma source(%dma_start3A_75 : memref<10000x72xf32, #tpu.memory_space<vmem_shared>>) target(%dma_start3A_69 : memref<64x72xf32, #tpu.memory_space<vmem>>) offsets(%dma_start3A_72 : memref<64xi32, #tpu.memory_space<vmem>>) semaphore(%arg15 : memref<!tpu.dma_semaphore, #tpu.memory_space<semaphore_mem>>)
    %dma_start3A_76 = arith.constant 0 : i32
    %dma_start3A_77 = arith.constant 1 : i32
    %dma_start3A_78 = arith.constant 0 : i32
    %dma_start3A_79 = arith.constant 0 : i32
    %dma_start3A_80 = tpu.memref_slice %arg11[%dma_start3A_77, %dma_start3A_78, %dma_start3A_79] : memref<8x64x72xf32, #tpu.memory_space<vmem>> -> memref<1x64x72xf32, #tpu.memory_space<vmem>>
    %dma_start3A_81 = tpu.memref_squeeze %dma_start3A_80 : memref<1x64x72xf32, #tpu.memory_space<vmem>> -> memref<64x72xf32, #tpu.memory_space<vmem>>
    %dma_start3A_82 = arith.constant 0 : i32
    %dma_start3A_83 = tpu.memref_slice %arg8[%dma_start3A_76, %dma_start3A_82] : memref<2x512xi32, #tpu.memory_space<vmem>> -> memref<1x64xi32, #tpu.memory_space<vmem>>
    %dma_start3A_84 = tpu.memref_squeeze %dma_start3A_83 : memref<1x64xi32, #tpu.memory_space<vmem>> -> memref<64xi32, #tpu.memory_space<vmem>>
    %dma_start3A_85 = arith.constant 0 : i32
    %dma_start3A_86 = arith.constant 0 : i32
    %dma_start3A_87 = tpu.memref_slice %arg12[%dma_start3A_85, %dma_start3A_86] : memref<10000x72xf32, #tpu.memory_space<vmem_shared>> -> memref<10000x72xf32, #tpu.memory_space<vmem_shared>>
    tpu.enqueue_indirect_dma source(%dma_start3A_87 : memref<10000x72xf32, #tpu.memory_space<vmem_shared>>) target(%dma_start3A_81 : memref<64x72xf32, #tpu.memory_space<vmem>>) offsets(%dma_start3A_84 : memref<64xi32, #tpu.memory_space<vmem>>) semaphore(%arg16 : memref<!tpu.dma_semaphore, #tpu.memory_space<semaphore_mem>>)
    %dma_start3A_88 = arith.constant 0 : i32
    %dma_start3A_89 = arith.constant 2 : i32
    %dma_start3A_90 = arith.constant 0 : i32
    %dma_start3A_91 = arith.constant 0 : i32
    %dma_start3A_92 = tpu.memref_slice %arg11[%dma_start3A_89, %dma_start3A_90, %dma_start3A_91] : memref<8x64x72xf32, #tpu.memory_space<vmem>> -> memref<1x64x72xf32, #tpu.memory_space<vmem>>
    %dma_start3A_93 = tpu.memref_squeeze %dma_start3A_92 : memref<1x64x72xf32, #tpu.memory_space<vmem>> -> memref<64x72xf32, #tpu.memory_space<vmem>>
    %dma_start3A_94 = arith.constant 64 : i32
    %dma_start3A_95 = tpu.memref_slice %arg7[%dma_start3A_88, %dma_start3A_94] : memref<2x512xi32, #tpu.memory_space<vmem>> -> memref<1x64xi32, #tpu.memory_space<vmem>>
    %dma_start3A_96 = tpu.memref_squeeze %dma_start3A_95 : memref<1x64xi32, #tpu.memory_space<vmem>> -> memref<64xi32, #tpu.memory_space<vmem>>
    %dma_start3A_97 = arith.constant 0 : i32
    %dma_start3A_98 = arith.constant 0 : i32
    %dma_start3A_99 = tpu.memref_slice %arg12[%dma_start3A_97, %dma_start3A_98] : memref<10000x72xf32, #tpu.memory_space<vmem_shared>> -> memref<10000x72xf32, #tpu.memory_space<vmem_shared>>
    tpu.enqueue_indirect_dma source(%dma_start3A_99 : memref<10000x72xf32, #tpu.memory_space<vmem_shared>>) target(%dma_start3A_93 : memref<64x72xf32, #tpu.memory_space<vmem>>) offsets(%dma_start3A_96 : memref<64xi32, #tpu.memory_space<vmem>>) semaphore(%arg17 : memref<!tpu.dma_semaphore, #tpu.memory_space<semaphore_mem>>)
    %dma_start3A_100 = arith.constant 0 : i32
    %dma_start3A_101 = arith.constant 3 : i32
    %dma_start3A_102 = arith.constant 0 : i32
    %dma_start3A_103 = arith.constant 0 : i32
    %dma_start3A_104 = tpu.memref_slice %arg11[%dma_start3A_101, %dma_start3A_102, %dma_start3A_103] : memref<8x64x72xf32, #tpu.memory_space<vmem>> -> memref<1x64x72xf32, #tpu.memory_space<vmem>>
    %dma_start3A_105 = tpu.memref_squeeze %dma_start3A_104 : memref<1x64x72xf32, #tpu.memory_space<vmem>> -> memref<64x72xf32, #tpu.memory_space<vmem>>
    %dma_start3A_106 = arith.constant 64 : i32
    %dma_start3A_107 = tpu.memref_slice %arg8[%dma_start3A_100, %dma_start3A_106] : memref<2x512xi32, #tpu.memory_space<vmem>> -> memref<1x64xi32, #tpu.memory_space<vmem>>
    %dma_start3A_108 = tpu.memref_squeeze %dma_start3A_107 : memref<1x64xi32, #tpu.memory_space<vmem>> -> memref<64xi32, #tpu.memory_space<vmem>>
    %dma_start3A_109 = arith.constant 0 : i32
    %dma_start3A_110 = arith.constant 0 : i32
    %dma_start3A_111 = tpu.memref_slice %arg12[%dma_start3A_109, %dma_start3A_110] : memref<10000x72xf32, #tpu.memory_space<vmem_shared>> -> memref<10000x72xf32, #tpu.memory_space<vmem_shared>>
    tpu.enqueue_indirect_dma source(%dma_start3A_111 : memref<10000x72xf32, #tpu.memory_space<vmem_shared>>) target(%dma_start3A_105 : memref<64x72xf32, #tpu.memory_space<vmem>>) offsets(%dma_start3A_108 : memref<64xi32, #tpu.memory_space<vmem>>) semaphore(%arg18 : memref<!tpu.dma_semaphore, #tpu.memory_space<semaphore_mem>>)
    %scan3A = arith.constant 0 : i32
    %scan3A_112 = arith.constant 0 : i32
    %scan3A_113 = arith.constant 39 : i32
    %scan3A_114 = arith.addi %scan3A_112, %scan3A_113 : i32
    %scan3A_115 = arith.constant 1 : i32
    scf.for %scan3A_247 = %scan3A_112 to %scan3A_114 step %scan3A_115  : i32 {
      %jit3A = arith.constant 2 : i32
      %eq3A = arith.constant 0 : i32
      %eq3A_248 = arith.cmpi eq, %jit3A, %eq3A : i32
      %jit3A_249 = arith.constant 1 : i32
      %select_n3A = arith.select %eq3A_248, %jit3A_249, %jit3A : i32
      %rem3A = arith.remsi %scan3A_247, %select_n3A : i32
      %ne3A = arith.constant 0 : i32
      %ne3A_250 = arith.cmpi ne, %rem3A, %ne3A : i32
      %lt3A = arith.constant 0 : i32
      %lt3A_251 = arith.cmpi slt, %rem3A, %lt3A : i32
      %lt3A_252 = arith.constant 0 : i32
      %lt3A_253 = arith.cmpi slt, %select_n3A, %lt3A_252 : i32
      %ne3A_254 = arith.xori %lt3A_251, %lt3A_253 : i1
      %and3A = arith.andi %ne3A_254, %ne3A_250 : i1
      %add3A_255 = arith.addi %rem3A, %select_n3A : i32
      %select_n3A_256 = arith.select %and3A, %add3A_255, %rem3A : i32
      %add3A_257 = arith.constant 1 : i32
      %add3A_258 = arith.addi %scan3A_247, %add3A_257 : i32
      %jit3A_259 = arith.constant 2 : i32
      %eq3A_260 = arith.constant 0 : i32
      %eq3A_261 = arith.cmpi eq, %jit3A_259, %eq3A_260 : i32
      %jit3A_262 = arith.constant 1 : i32
      %select_n3A_263 = arith.select %eq3A_261, %jit3A_262, %jit3A_259 : i32
      %rem3A_264 = arith.remsi %add3A_258, %select_n3A_263 : i32
      %ne3A_265 = arith.constant 0 : i32
      %ne3A_266 = arith.cmpi ne, %rem3A_264, %ne3A_265 : i32
      %lt3A_267 = arith.constant 0 : i32
      %lt3A_268 = arith.cmpi slt, %rem3A_264, %lt3A_267 : i32
      %lt3A_269 = arith.constant 0 : i32
      %lt3A_270 = arith.cmpi slt, %select_n3A_263, %lt3A_269 : i32
      %ne3A_271 = arith.xori %lt3A_268, %lt3A_270 : i1
      %and3A_272 = arith.andi %ne3A_271, %ne3A_266 : i1
      %add3A_273 = arith.addi %rem3A_264, %select_n3A_263 : i32
      %select_n3A_274 = arith.select %and3A_272, %add3A_273, %rem3A_264 : i32
      %gt3A_275 = arith.constant 0 : i32
      %gt3A_276 = arith.cmpi sgt, %scan3A_247, %gt3A_275 : i32
      %convert_element_type3A_277 = arith.extui %gt3A_276 : i1 to i32
      %cond3A_278 = arith.constant 0 : i32
      %cond3A_279 = arith.cmpi ne, %convert_element_type3A_277, %cond3A_278 : i32
      scf.if %cond3A_279 {
        %dma_wait3A_965 = arith.constant 4 : i32
        %dma_wait3A_966 = arith.constant 0 : i32
        %dma_wait3A_967 = arith.constant 0 : i32
        %dma_wait3A_968 = arith.constant 0 : i32
        %dma_wait3A_969 = tpu.memref_slice %arg11[%dma_wait3A_965, %dma_wait3A_967, %dma_wait3A_968] : memref<8x64x72xf32, #tpu.memory_space<vmem>> -> memref<1x64x72xf32, #tpu.memory_space<vmem>>
        %dma_wait3A_970 = tpu.memref_squeeze %dma_wait3A_969 : memref<1x64x72xf32, #tpu.memory_space<vmem>> -> memref<64x72xf32, #tpu.memory_space<vmem>>
        %dma_wait3A_971 = arith.constant 0 : i32
        %dma_wait3A_972 = tpu.memref_slice %arg7[%dma_wait3A_966, %dma_wait3A_971] : memref<2x512xi32, #tpu.memory_space<vmem>> -> memref<1x64xi32, #tpu.memory_space<vmem>>
        %dma_wait3A_973 = tpu.memref_squeeze %dma_wait3A_972 : memref<1x64xi32, #tpu.memory_space<vmem>> -> memref<64xi32, #tpu.memory_space<vmem>>
        %dma_wait3A_974 = arith.constant 0 : i32
        %dma_wait3A_975 = arith.constant 0 : i32
        %dma_wait3A_976 = tpu.memref_slice %arg13[%dma_wait3A_974, %dma_wait3A_975] : memref<10000x72xf32, #tpu.memory_space<vmem_shared>> -> memref<10000x72xf32, #tpu.memory_space<vmem_shared>>
        tpu.wait_indirect_dma semaphore(%arg27 : memref<!tpu.dma_semaphore, #tpu.memory_space<semaphore_mem>>) src(%dma_wait3A_970 : memref<64x72xf32, #tpu.memory_space<vmem>>) dst(%dma_wait3A_976 : memref<10000x72xf32, #tpu.memory_space<vmem_shared>>)
      } else {
      }
      %dma_start3A_280 = arith.constant 4 : i32
      %dma_start3A_281 = arith.constant 0 : i32
      %dma_start3A_282 = arith.constant 0 : i32
      %dma_start3A_283 = tpu.memref_slice %arg11[%dma_start3A_280, %dma_start3A_281, %dma_start3A_282] : memref<8x64x72xf32, #tpu.memory_space<vmem>> -> memref<1x64x72xf32, #tpu.memory_space<vmem>>
      %dma_start3A_284 = tpu.memref_squeeze %dma_start3A_283 : memref<1x64x72xf32, #tpu.memory_space<vmem>> -> memref<64x72xf32, #tpu.memory_space<vmem>>
      %dma_start3A_285 = arith.constant 128 : i32
      %dma_start3A_286 = tpu.memref_slice %arg7[%select_n3A_256, %dma_start3A_285] : memref<2x512xi32, #tpu.memory_space<vmem>> -> memref<1x64xi32, #tpu.memory_space<vmem>>
      %dma_start3A_287 = tpu.memref_squeeze %dma_start3A_286 : memref<1x64xi32, #tpu.memory_space<vmem>> -> memref<64xi32, #tpu.memory_space<vmem>>
      %dma_start3A_288 = arith.constant 0 : i32
      %dma_start3A_289 = arith.constant 0 : i32
      %dma_start3A_290 = tpu.memref_slice %arg12[%dma_start3A_288, %dma_start3A_289] : memref<10000x72xf32, #tpu.memory_space<vmem_shared>> -> memref<10000x72xf32, #tpu.memory_space<vmem_shared>>
      tpu.enqueue_indirect_dma source(%dma_start3A_290 : memref<10000x72xf32, #tpu.memory_space<vmem_shared>>) target(%dma_start3A_284 : memref<64x72xf32, #tpu.memory_space<vmem>>) offsets(%dma_start3A_287 : memref<64xi32, #tpu.memory_space<vmem>>) semaphore(%arg19 : memref<!tpu.dma_semaphore, #tpu.memory_space<semaphore_mem>>)
      %dma_wait3A_291 = arith.constant 0 : i32
      %dma_wait3A_292 = arith.constant 0 : i32
      %dma_wait3A_293 = arith.constant 0 : i32
      %dma_wait3A_294 = tpu.memref_slice %arg11[%dma_wait3A_291, %dma_wait3A_292, %dma_wait3A_293] : memref<8x64x72xf32, #tpu.memory_space<vmem>> -> memref<1x64x72xf32, #tpu.memory_space<vmem>>
      %dma_wait3A_295 = tpu.memref_squeeze %dma_wait3A_294 : memref<1x64x72xf32, #tpu.memory_space<vmem>> -> memref<64x72xf32, #tpu.memory_space<vmem>>
      %dma_wait3A_296 = arith.constant 0 : i32
      %dma_wait3A_297 = tpu.memref_slice %arg7[%select_n3A_256, %dma_wait3A_296] : memref<2x512xi32, #tpu.memory_space<vmem>> -> memref<1x64xi32, #tpu.memory_space<vmem>>
      %dma_wait3A_298 = tpu.memref_squeeze %dma_wait3A_297 : memref<1x64xi32, #tpu.memory_space<vmem>> -> memref<64xi32, #tpu.memory_space<vmem>>
      %dma_wait3A_299 = arith.constant 0 : i32
      %dma_wait3A_300 = arith.constant 0 : i32
      %dma_wait3A_301 = tpu.memref_slice %arg12[%dma_wait3A_299, %dma_wait3A_300] : memref<10000x72xf32, #tpu.memory_space<vmem_shared>> -> memref<10000x72xf32, #tpu.memory_space<vmem_shared>>
      tpu.wait_indirect_dma semaphore(%arg15 : memref<!tpu.dma_semaphore, #tpu.memory_space<semaphore_mem>>) src(%dma_wait3A_301 : memref<10000x72xf32, #tpu.memory_space<vmem_shared>>) dst(%dma_wait3A_295 : memref<64x72xf32, #tpu.memory_space<vmem>>)
      %dma_start3A_302 = arith.constant 0 : i32
      %dma_start3A_303 = arith.constant 0 : i32
      %dma_start3A_304 = arith.constant 0 : i32
      %dma_start3A_305 = tpu.memref_slice %arg11[%dma_start3A_302, %dma_start3A_303, %dma_start3A_304] : memref<8x64x72xf32, #tpu.memory_space<vmem>> -> memref<1x64x72xf32, #tpu.memory_space<vmem>>
      %dma_start3A_306 = tpu.memref_squeeze %dma_start3A_305 : memref<1x64x72xf32, #tpu.memory_space<vmem>> -> memref<64x72xf32, #tpu.memory_space<vmem>>
      %dma_start3A_307 = arith.constant 0 : i32
      %dma_start3A_308 = tpu.memref_slice %arg8[%select_n3A_256, %dma_start3A_307] : memref<2x512xi32, #tpu.memory_space<vmem>> -> memref<1x64xi32, #tpu.memory_space<vmem>>
      %dma_start3A_309 = tpu.memref_squeeze %dma_start3A_308 : memref<1x64xi32, #tpu.memory_space<vmem>> -> memref<64xi32, #tpu.memory_space<vmem>>
      %dma_start3A_310 = arith.constant 0 : i32
      %dma_start3A_311 = arith.constant 0 : i32
      %dma_start3A_312 = tpu.memref_slice %arg13[%dma_start3A_310, %dma_start3A_311] : memref<10000x72xf32, #tpu.memory_space<vmem_shared>> -> memref<10000x72xf32, #tpu.memory_space<vmem_shared>>
      tpu.enqueue_indirect_dma source(%dma_start3A_306 : memref<64x72xf32, #tpu.memory_space<vmem>>) target(%dma_start3A_312 : memref<10000x72xf32, #tpu.memory_space<vmem_shared>>) offsets(%dma_start3A_309 : memref<64xi32, #tpu.memory_space<vmem>>) semaphore(%arg23 : memref<!tpu.dma_semaphore, #tpu.memory_space<semaphore_mem>>) {add = true}
      %gt3A_313 = arith.constant 0 : i32
      %gt3A_314 = arith.cmpi sgt, %scan3A_247, %gt3A_313 : i32
      %convert_element_type3A_315 = arith.extui %gt3A_314 : i1 to i32
      %cond3A_316 = arith.constant 0 : i32
      %cond3A_317 = arith.cmpi ne, %convert_element_type3A_315, %cond3A_316 : i32
      scf.if %cond3A_317 {
        %dma_wait3A_965 = arith.constant 5 : i32
        %dma_wait3A_966 = arith.constant 0 : i32
        %dma_wait3A_967 = arith.constant 0 : i32
        %dma_wait3A_968 = arith.constant 0 : i32
        %dma_wait3A_969 = tpu.memref_slice %arg11[%dma_wait3A_965, %dma_wait3A_967, %dma_wait3A_968] : memref<8x64x72xf32, #tpu.memory_space<vmem>> -> memref<1x64x72xf32, #tpu.memory_space<vmem>>
        %dma_wait3A_970 = tpu.memref_squeeze %dma_wait3A_969 : memref<1x64x72xf32, #tpu.memory_space<vmem>> -> memref<64x72xf32, #tpu.memory_space<vmem>>
        %dma_wait3A_971 = arith.constant 0 : i32
        %dma_wait3A_972 = tpu.memref_slice %arg7[%dma_wait3A_966, %dma_wait3A_971] : memref<2x512xi32, #tpu.memory_space<vmem>> -> memref<1x64xi32, #tpu.memory_space<vmem>>
        %dma_wait3A_973 = tpu.memref_squeeze %dma_wait3A_972 : memref<1x64xi32, #tpu.memory_space<vmem>> -> memref<64xi32, #tpu.memory_space<vmem>>
        %dma_wait3A_974 = arith.constant 0 : i32
        %dma_wait3A_975 = arith.constant 0 : i32
        %dma_wait3A_976 = tpu.memref_slice %arg13[%dma_wait3A_974, %dma_wait3A_975] : memref<10000x72xf32, #tpu.memory_space<vmem_shared>> -> memref<10000x72xf32, #tpu.memory_space<vmem_shared>>
        tpu.wait_indirect_dma semaphore(%arg28 : memref<!tpu.dma_semaphore, #tpu.memory_space<semaphore_mem>>) src(%dma_wait3A_970 : memref<64x72xf32, #tpu.memory_space<vmem>>) dst(%dma_wait3A_976 : memref<10000x72xf32, #tpu.memory_space<vmem_shared>>)
      } else {
      }
      %dma_start3A_318 = arith.constant 5 : i32
      %dma_start3A_319 = arith.constant 0 : i32
      %dma_start3A_320 = arith.constant 0 : i32
      %dma_start3A_321 = tpu.memref_slice %arg11[%dma_start3A_318, %dma_start3A_319, %dma_start3A_320] : memref<8x64x72xf32, #tpu.memory_space<vmem>> -> memref<1x64x72xf32, #tpu.memory_space<vmem>>
      %dma_start3A_322 = tpu.memref_squeeze %dma_start3A_321 : memref<1x64x72xf32, #tpu.memory_space<vmem>> -> memref<64x72xf32, #tpu.memory_space<vmem>>
      %dma_start3A_323 = arith.constant 128 : i32
      %dma_start3A_324 = tpu.memref_slice %arg8[%select_n3A_256, %dma_start3A_323] : memref<2x512xi32, #tpu.memory_space<vmem>> -> memref<1x64xi32, #tpu.memory_space<vmem>>
      %dma_start3A_325 = tpu.memref_squeeze %dma_start3A_324 : memref<1x64xi32, #tpu.memory_space<vmem>> -> memref<64xi32, #tpu.memory_space<vmem>>
      %dma_start3A_326 = arith.constant 0 : i32
      %dma_start3A_327 = arith.constant 0 : i32
      %dma_start3A_328 = tpu.memref_slice %arg12[%dma_start3A_326, %dma_start3A_327] : memref<10000x72xf32, #tpu.memory_space<vmem_shared>> -> memref<10000x72xf32, #tpu.memory_space<vmem_shared>>
      tpu.enqueue_indirect_dma source(%dma_start3A_328 : memref<10000x72xf32, #tpu.memory_space<vmem_shared>>) target(%dma_start3A_322 : memref<64x72xf32, #tpu.memory_space<vmem>>) offsets(%dma_start3A_325 : memref<64xi32, #tpu.memory_space<vmem>>) semaphore(%arg20 : memref<!tpu.dma_semaphore, #tpu.memory_space<semaphore_mem>>)
      %dma_wait3A_329 = arith.constant 1 : i32
      %dma_wait3A_330 = arith.constant 0 : i32
      %dma_wait3A_331 = arith.constant 0 : i32
      %dma_wait3A_332 = tpu.memref_slice %arg11[%dma_wait3A_329, %dma_wait3A_330, %dma_wait3A_331] : memref<8x64x72xf32, #tpu.memory_space<vmem>> -> memref<1x64x72xf32, #tpu.memory_space<vmem>>
      %dma_wait3A_333 = tpu.memref_squeeze %dma_wait3A_332 : memref<1x64x72xf32, #tpu.memory_space<vmem>> -> memref<64x72xf32, #tpu.memory_space<vmem>>
      %dma_wait3A_334 = arith.constant 0 : i32
      %dma_wait3A_335 = tpu.memref_slice %arg8[%select_n3A_256, %dma_wait3A_334] : memref<2x512xi32, #tpu.memory_space<vmem>> -> memref<1x64xi32, #tpu.memory_space<vmem>>
      %dma_wait3A_336 = tpu.memref_squeeze %dma_wait3A_335 : memref<1x64xi32, #tpu.memory_space<vmem>> -> memref<64xi32, #tpu.memory_space<vmem>>
      %dma_wait3A_337 = arith.constant 0 : i32
      %dma_wait3A_338 = arith.constant 0 : i32
      %dma_wait3A_339 = tpu.memref_slice %arg12[%dma_wait3A_337, %dma_wait3A_338] : memref<10000x72xf32, #tpu.memory_space<vmem_shared>> -> memref<10000x72xf32, #tpu.memory_space<vmem_shared>>
      tpu.wait_indirect_dma semaphore(%arg16 : memref<!tpu.dma_semaphore, #tpu.memory_space<semaphore_mem>>) src(%dma_wait3A_339 : memref<10000x72xf32, #tpu.memory_space<vmem_shared>>) dst(%dma_wait3A_333 : memref<64x72xf32, #tpu.memory_space<vmem>>)
      %dma_start3A_340 = arith.constant 1 : i32
      %dma_start3A_341 = arith.constant 0 : i32
      %dma_start3A_342 = arith.constant 0 : i32
      %dma_start3A_343 = tpu.memref_slice %arg11[%dma_start3A_340, %dma_start3A_341, %dma_start3A_342] : memref<8x64x72xf32, #tpu.memory_space<vmem>> -> memref<1x64x72xf32, #tpu.memory_space<vmem>>
      %dma_start3A_344 = tpu.memref_squeeze %dma_start3A_343 : memref<1x64x72xf32, #tpu.memory_space<vmem>> -> memref<64x72xf32, #tpu.memory_space<vmem>>
      %dma_start3A_345 = arith.constant 0 : i32
      %dma_start3A_346 = tpu.memref_slice %arg7[%select_n3A_256, %dma_start3A_345] : memref<2x512xi32, #tpu.memory_space<vmem>> -> memref<1x64xi32, #tpu.memory_space<vmem>>
      %dma_start3A_347 = tpu.memref_squeeze %dma_start3A_346 : memref<1x64xi32, #tpu.memory_space<vmem>> -> memref<64xi32, #tpu.memory_space<vmem>>
      %dma_start3A_348 = arith.constant 0 : i32
      %dma_start3A_349 = arith.constant 0 : i32
      %dma_start3A_350 = tpu.memref_slice %arg13[%dma_start3A_348, %dma_start3A_349] : memref<10000x72xf32, #tpu.memory_space<vmem_shared>> -> memref<10000x72xf32, #tpu.memory_space<vmem_shared>>
      tpu.enqueue_indirect_dma source(%dma_start3A_344 : memref<64x72xf32, #tpu.memory_space<vmem>>) target(%dma_start3A_350 : memref<10000x72xf32, #tpu.memory_space<vmem_shared>>) offsets(%dma_start3A_347 : memref<64xi32, #tpu.memory_space<vmem>>) semaphore(%arg24 : memref<!tpu.dma_semaphore, #tpu.memory_space<semaphore_mem>>) {add = true}
      %gt3A_351 = arith.constant 0 : i32
      %gt3A_352 = arith.cmpi sgt, %scan3A_247, %gt3A_351 : i32
      %convert_element_type3A_353 = arith.extui %gt3A_352 : i1 to i32
      %cond3A_354 = arith.constant 0 : i32
      %cond3A_355 = arith.cmpi ne, %convert_element_type3A_353, %cond3A_354 : i32
      scf.if %cond3A_355 {
        %dma_wait3A_965 = arith.constant 6 : i32
        %dma_wait3A_966 = arith.constant 0 : i32
        %dma_wait3A_967 = arith.constant 0 : i32
        %dma_wait3A_968 = arith.constant 0 : i32
        %dma_wait3A_969 = tpu.memref_slice %arg11[%dma_wait3A_965, %dma_wait3A_967, %dma_wait3A_968] : memref<8x64x72xf32, #tpu.memory_space<vmem>> -> memref<1x64x72xf32, #tpu.memory_space<vmem>>
        %dma_wait3A_970 = tpu.memref_squeeze %dma_wait3A_969 : memref<1x64x72xf32, #tpu.memory_space<vmem>> -> memref<64x72xf32, #tpu.memory_space<vmem>>
        %dma_wait3A_971 = arith.constant 0 : i32
        %dma_wait3A_972 = tpu.memref_slice %arg7[%dma_wait3A_966, %dma_wait3A_971] : memref<2x512xi32, #tpu.memory_space<vmem>> -> memref<1x64xi32, #tpu.memory_space<vmem>>
        %dma_wait3A_973 = tpu.memref_squeeze %dma_wait3A_972 : memref<1x64xi32, #tpu.memory_space<vmem>> -> memref<64xi32, #tpu.memory_space<vmem>>
        %dma_wait3A_974 = arith.constant 0 : i32
        %dma_wait3A_975 = arith.constant 0 : i32
        %dma_wait3A_976 = tpu.memref_slice %arg13[%dma_wait3A_974, %dma_wait3A_975] : memref<10000x72xf32, #tpu.memory_space<vmem_shared>> -> memref<10000x72xf32, #tpu.memory_space<vmem_shared>>
        tpu.wait_indirect_dma semaphore(%arg29 : memref<!tpu.dma_semaphore, #tpu.memory_space<semaphore_mem>>) src(%dma_wait3A_970 : memref<64x72xf32, #tpu.memory_space<vmem>>) dst(%dma_wait3A_976 : memref<10000x72xf32, #tpu.memory_space<vmem_shared>>)
      } else {
      }
      %dma_start3A_356 = arith.constant 6 : i32
      %dma_start3A_357 = arith.constant 0 : i32
      %dma_start3A_358 = arith.constant 0 : i32
      %dma_start3A_359 = tpu.memref_slice %arg11[%dma_start3A_356, %dma_start3A_357, %dma_start3A_358] : memref<8x64x72xf32, #tpu.memory_space<vmem>> -> memref<1x64x72xf32, #tpu.memory_space<vmem>>
      %dma_start3A_360 = tpu.memref_squeeze %dma_start3A_359 : memref<1x64x72xf32, #tpu.memory_space<vmem>> -> memref<64x72xf32, #tpu.memory_space<vmem>>
      %dma_start3A_361 = arith.constant 192 : i32
      %dma_start3A_362 = tpu.memref_slice %arg7[%select_n3A_256, %dma_start3A_361] : memref<2x512xi32, #tpu.memory_space<vmem>> -> memref<1x64xi32, #tpu.memory_space<vmem>>
      %dma_start3A_363 = tpu.memref_squeeze %dma_start3A_362 : memref<1x64xi32, #tpu.memory_space<vmem>> -> memref<64xi32, #tpu.memory_space<vmem>>
      %dma_start3A_364 = arith.constant 0 : i32
      %dma_start3A_365 = arith.constant 0 : i32
      %dma_start3A_366 = tpu.memref_slice %arg12[%dma_start3A_364, %dma_start3A_365] : memref<10000x72xf32, #tpu.memory_space<vmem_shared>> -> memref<10000x72xf32, #tpu.memory_space<vmem_shared>>
      tpu.enqueue_indirect_dma source(%dma_start3A_366 : memref<10000x72xf32, #tpu.memory_space<vmem_shared>>) target(%dma_start3A_360 : memref<64x72xf32, #tpu.memory_space<vmem>>) offsets(%dma_start3A_363 : memref<64xi32, #tpu.memory_space<vmem>>) semaphore(%arg21 : memref<!tpu.dma_semaphore, #tpu.memory_space<semaphore_mem>>)
      %dma_wait3A_367 = arith.constant 2 : i32
      %dma_wait3A_368 = arith.constant 0 : i32
      %dma_wait3A_369 = arith.constant 0 : i32
      %dma_wait3A_370 = tpu.memref_slice %arg11[%dma_wait3A_367, %dma_wait3A_368, %dma_wait3A_369] : memref<8x64x72xf32, #tpu.memory_space<vmem>> -> memref<1x64x72xf32, #tpu.memory_space<vmem>>
      %dma_wait3A_371 = tpu.memref_squeeze %dma_wait3A_370 : memref<1x64x72xf32, #tpu.memory_space<vmem>> -> memref<64x72xf32, #tpu.memory_space<vmem>>
      %dma_wait3A_372 = arith.constant 64 : i32
      %dma_wait3A_373 = tpu.memref_slice %arg7[%select_n3A_256, %dma_wait3A_372] : memref<2x512xi32, #tpu.memory_space<vmem>> -> memref<1x64xi32, #tpu.memory_space<vmem>>
      %dma_wait3A_374 = tpu.memref_squeeze %dma_wait3A_373 : memref<1x64xi32, #tpu.memory_space<vmem>> -> memref<64xi32, #tpu.memory_space<vmem>>
      %dma_wait3A_375 = arith.constant 0 : i32
      %dma_wait3A_376 = arith.constant 0 : i32
      %dma_wait3A_377 = tpu.memref_slice %arg12[%dma_wait3A_375, %dma_wait3A_376] : memref<10000x72xf32, #tpu.memory_space<vmem_shared>> -> memref<10000x72xf32, #tpu.memory_space<vmem_shared>>
      tpu.wait_indirect_dma semaphore(%arg17 : memref<!tpu.dma_semaphore, #tpu.memory_space<semaphore_mem>>) src(%dma_wait3A_377 : memref<10000x72xf32, #tpu.memory_space<vmem_shared>>) dst(%dma_wait3A_371 : memref<64x72xf32, #tpu.memory_space<vmem>>)
      %dma_start3A_378 = arith.constant 2 : i32
      %dma_start3A_379 = arith.constant 0 : i32
      %dma_start3A_380 = arith.constant 0 : i32
      %dma_start3A_381 = tpu.memref_slice %arg11[%dma_start3A_378, %dma_start3A_379, %dma_start3A_380] : memref<8x64x72xf32, #tpu.memory_space<vmem>> -> memref<1x64x72xf32, #tpu.memory_space<vmem>>
      %dma_start3A_382 = tpu.memref_squeeze %dma_start3A_381 : memref<1x64x72xf32, #tpu.memory_space<vmem>> -> memref<64x72xf32, #tpu.memory_space<vmem>>
      %dma_start3A_383 = arith.constant 64 : i32
      %dma_start3A_384 = tpu.memref_slice %arg8[%select_n3A_256, %dma_start3A_383] : memref<2x512xi32, #tpu.memory_space<vmem>> -> memref<1x64xi32, #tpu.memory_space<vmem>>
      %dma_start3A_385 = tpu.memref_squeeze %dma_start3A_384 : memref<1x64xi32, #tpu.memory_space<vmem>> -> memref<64xi32, #tpu.memory_space<vmem>>
      %dma_start3A_386 = arith.constant 0 : i32
      %dma_start3A_387 = arith.constant 0 : i32
      %dma_start3A_388 = tpu.memref_slice %arg13[%dma_start3A_386, %dma_start3A_387] : memref<10000x72xf32, #tpu.memory_space<vmem_shared>> -> memref<10000x72xf32, #tpu.memory_space<vmem_shared>>
      tpu.enqueue_indirect_dma source(%dma_start3A_382 : memref<64x72xf32, #tpu.memory_space<vmem>>) target(%dma_start3A_388 : memref<10000x72xf32, #tpu.memory_space<vmem_shared>>) offsets(%dma_start3A_385 : memref<64xi32, #tpu.memory_space<vmem>>) semaphore(%arg25 : memref<!tpu.dma_semaphore, #tpu.memory_space<semaphore_mem>>) {add = true}
      %gt3A_389 = arith.constant 0 : i32
      %gt3A_390 = arith.cmpi sgt, %scan3A_247, %gt3A_389 : i32
      %convert_element_type3A_391 = arith.extui %gt3A_390 : i1 to i32
      %cond3A_392 = arith.constant 0 : i32
      %cond3A_393 = arith.cmpi ne, %convert_element_type3A_391, %cond3A_392 : i32
      scf.if %cond3A_393 {
        %dma_wait3A_965 = arith.constant 7 : i32
        %dma_wait3A_966 = arith.constant 0 : i32
        %dma_wait3A_967 = arith.constant 0 : i32
        %dma_wait3A_968 = arith.constant 0 : i32
        %dma_wait3A_969 = tpu.memref_slice %arg11[%dma_wait3A_965, %dma_wait3A_967, %dma_wait3A_968] : memref<8x64x72xf32, #tpu.memory_space<vmem>> -> memref<1x64x72xf32, #tpu.memory_space<vmem>>
        %dma_wait3A_970 = tpu.memref_squeeze %dma_wait3A_969 : memref<1x64x72xf32, #tpu.memory_space<vmem>> -> memref<64x72xf32, #tpu.memory_space<vmem>>
        %dma_wait3A_971 = arith.constant 0 : i32
        %dma_wait3A_972 = tpu.memref_slice %arg7[%dma_wait3A_966, %dma_wait3A_971] : memref<2x512xi32, #tpu.memory_space<vmem>> -> memref<1x64xi32, #tpu.memory_space<vmem>>
        %dma_wait3A_973 = tpu.memref_squeeze %dma_wait3A_972 : memref<1x64xi32, #tpu.memory_space<vmem>> -> memref<64xi32, #tpu.memory_space<vmem>>
        %dma_wait3A_974 = arith.constant 0 : i32
        %dma_wait3A_975 = arith.constant 0 : i32
        %dma_wait3A_976 = tpu.memref_slice %arg13[%dma_wait3A_974, %dma_wait3A_975] : memref<10000x72xf32, #tpu.memory_space<vmem_shared>> -> memref<10000x72xf32, #tpu.memory_space<vmem_shared>>
        tpu.wait_indirect_dma semaphore(%arg30 : memref<!tpu.dma_semaphore, #tpu.memory_space<semaphore_mem>>) src(%dma_wait3A_970 : memref<64x72xf32, #tpu.memory_space<vmem>>) dst(%dma_wait3A_976 : memref<10000x72xf32, #tpu.memory_space<vmem_shared>>)
      } else {
      }
      %dma_start3A_394 = arith.constant 7 : i32
      %dma_start3A_395 = arith.constant 0 : i32
      %dma_start3A_396 = arith.constant 0 : i32
      %dma_start3A_397 = tpu.memref_slice %arg11[%dma_start3A_394, %dma_start3A_395, %dma_start3A_396] : memref<8x64x72xf32, #tpu.memory_space<vmem>> -> memref<1x64x72xf32, #tpu.memory_space<vmem>>
      %dma_start3A_398 = tpu.memref_squeeze %dma_start3A_397 : memref<1x64x72xf32, #tpu.memory_space<vmem>> -> memref<64x72xf32, #tpu.memory_space<vmem>>
      %dma_start3A_399 = arith.constant 192 : i32
      %dma_start3A_400 = tpu.memref_slice %arg8[%select_n3A_256, %dma_start3A_399] : memref<2x512xi32, #tpu.memory_space<vmem>> -> memref<1x64xi32, #tpu.memory_space<vmem>>
      %dma_start3A_401 = tpu.memref_squeeze %dma_start3A_400 : memref<1x64xi32, #tpu.memory_space<vmem>> -> memref<64xi32, #tpu.memory_space<vmem>>
      %dma_start3A_402 = arith.constant 0 : i32
      %dma_start3A_403 = arith.constant 0 : i32
      %dma_start3A_404 = tpu.memref_slice %arg12[%dma_start3A_402, %dma_start3A_403] : memref<10000x72xf32, #tpu.memory_space<vmem_shared>> -> memref<10000x72xf32, #tpu.memory_space<vmem_shared>>
      tpu.enqueue_indirect_dma source(%dma_start3A_404 : memref<10000x72xf32, #tpu.memory_space<vmem_shared>>) target(%dma_start3A_398 : memref<64x72xf32, #tpu.memory_space<vmem>>) offsets(%dma_start3A_401 : memref<64xi32, #tpu.memory_space<vmem>>) semaphore(%arg22 : memref<!tpu.dma_semaphore, #tpu.memory_space<semaphore_mem>>)
      %dma_wait3A_405 = arith.constant 3 : i32
      %dma_wait3A_406 = arith.constant 0 : i32
      %dma_wait3A_407 = arith.constant 0 : i32
      %dma_wait3A_408 = tpu.memref_slice %arg11[%dma_wait3A_405, %dma_wait3A_406, %dma_wait3A_407] : memref<8x64x72xf32, #tpu.memory_space<vmem>> -> memref<1x64x72xf32, #tpu.memory_space<vmem>>
      %dma_wait3A_409 = tpu.memref_squeeze %dma_wait3A_408 : memref<1x64x72xf32, #tpu.memory_space<vmem>> -> memref<64x72xf32, #tpu.memory_space<vmem>>
      %dma_wait3A_410 = arith.constant 64 : i32
      %dma_wait3A_411 = tpu.memref_slice %arg8[%select_n3A_256, %dma_wait3A_410] : memref<2x512xi32, #tpu.memory_space<vmem>> -> memref<1x64xi32, #tpu.memory_space<vmem>>
      %dma_wait3A_412 = tpu.memref_squeeze %dma_wait3A_411 : memref<1x64xi32, #tpu.memory_space<vmem>> -> memref<64xi32, #tpu.memory_space<vmem>>
      %dma_wait3A_413 = arith.constant 0 : i32
      %dma_wait3A_414 = arith.constant 0 : i32
      %dma_wait3A_415 = tpu.memref_slice %arg12[%dma_wait3A_413, %dma_wait3A_414] : memref<10000x72xf32, #tpu.memory_space<vmem_shared>> -> memref<10000x72xf32, #tpu.memory_space<vmem_shared>>
      tpu.wait_indirect_dma semaphore(%arg18 : memref<!tpu.dma_semaphore, #tpu.memory_space<semaphore_mem>>) src(%dma_wait3A_415 : memref<10000x72xf32, #tpu.memory_space<vmem_shared>>) dst(%dma_wait3A_409 : memref<64x72xf32, #tpu.memory_space<vmem>>)
      %dma_start3A_416 = arith.constant 3 : i32
      %dma_start3A_417 = arith.constant 0 : i32
      %dma_start3A_418 = arith.constant 0 : i32
      %dma_start3A_419 = tpu.memref_slice %arg11[%dma_start3A_416, %dma_start3A_417, %dma_start3A_418] : memref<8x64x72xf32, #tpu.memory_space<vmem>> -> memref<1x64x72xf32, #tpu.memory_space<vmem>>
      %dma_start3A_420 = tpu.memref_squeeze %dma_start3A_419 : memref<1x64x72xf32, #tpu.memory_space<vmem>> -> memref<64x72xf32, #tpu.memory_space<vmem>>
      %dma_start3A_421 = arith.constant 64 : i32
      %dma_start3A_422 = tpu.memref_slice %arg7[%select_n3A_256, %dma_start3A_421] : memref<2x512xi32, #tpu.memory_space<vmem>> -> memref<1x64xi32, #tpu.memory_space<vmem>>
      %dma_start3A_423 = tpu.memref_squeeze %dma_start3A_422 : memref<1x64xi32, #tpu.memory_space<vmem>> -> memref<64xi32, #tpu.memory_space<vmem>>
      %dma_start3A_424 = arith.constant 0 : i32
      %dma_start3A_425 = arith.constant 0 : i32
      %dma_start3A_426 = tpu.memref_slice %arg13[%dma_start3A_424, %dma_start3A_425] : memref<10000x72xf32, #tpu.memory_space<vmem_shared>> -> memref<10000x72xf32, #tpu.memory_space<vmem_shared>>
      tpu.enqueue_indirect_dma source(%dma_start3A_420 : memref<64x72xf32, #tpu.memory_space<vmem>>) target(%dma_start3A_426 : memref<10000x72xf32, #tpu.memory_space<vmem_shared>>) offsets(%dma_start3A_423 : memref<64xi32, #tpu.memory_space<vmem>>) semaphore(%arg26 : memref<!tpu.dma_semaphore, #tpu.memory_space<semaphore_mem>>) {add = true}
      %dma_wait3A_427 = arith.constant 0 : i32
      %dma_wait3A_428 = arith.constant 0 : i32
      %dma_wait3A_429 = arith.constant 0 : i32
      %dma_wait3A_430 = arith.constant 0 : i32
      %dma_wait3A_431 = tpu.memref_slice %arg11[%dma_wait3A_427, %dma_wait3A_429, %dma_wait3A_430] : memref<8x64x72xf32, #tpu.memory_space<vmem>> -> memref<1x64x72xf32, #tpu.memory_space<vmem>>
      %dma_wait3A_432 = tpu.memref_squeeze %dma_wait3A_431 : memref<1x64x72xf32, #tpu.memory_space<vmem>> -> memref<64x72xf32, #tpu.memory_space<vmem>>
      %dma_wait3A_433 = arith.constant 0 : i32
      %dma_wait3A_434 = tpu.memref_slice %arg7[%dma_wait3A_428, %dma_wait3A_433] : memref<2x512xi32, #tpu.memory_space<vmem>> -> memref<1x64xi32, #tpu.memory_space<vmem>>
      %dma_wait3A_435 = tpu.memref_squeeze %dma_wait3A_434 : memref<1x64xi32, #tpu.memory_space<vmem>> -> memref<64xi32, #tpu.memory_space<vmem>>
      %dma_wait3A_436 = arith.constant 0 : i32
      %dma_wait3A_437 = arith.constant 0 : i32
      %dma_wait3A_438 = tpu.memref_slice %arg13[%dma_wait3A_436, %dma_wait3A_437] : memref<10000x72xf32, #tpu.memory_space<vmem_shared>> -> memref<10000x72xf32, #tpu.memory_space<vmem_shared>>
      tpu.wait_indirect_dma semaphore(%arg23 : memref<!tpu.dma_semaphore, #tpu.memory_space<semaphore_mem>>) src(%dma_wait3A_432 : memref<64x72xf32, #tpu.memory_space<vmem>>) dst(%dma_wait3A_438 : memref<10000x72xf32, #tpu.memory_space<vmem_shared>>)
      %add3A_439 = arith.constant 1 : i32
      %add3A_440 = arith.addi %scan3A_247, %add3A_439 : i32
      %lt3A_441 = arith.constant 39 : i32
      %lt3A_442 = arith.cmpi slt, %add3A_440, %lt3A_441 : i32
      %convert_element_type3A_443 = arith.extui %lt3A_442 : i1 to i32
      %cond3A_444 = arith.constant 0 : i32
      %cond3A_445 = arith.cmpi ne, %convert_element_type3A_443, %cond3A_444 : i32
      scf.if %cond3A_445 {
        %add3A_965 = arith.constant 1 : i32
        %add3A_966 = arith.addi %scan3A_247, %add3A_965 : i32
        %mul3A_967 = arith.constant 512 : i32
        %mul3A_968 = arith.muli %add3A_966, %mul3A_967 : i32
        %add3A_969 = arith.addi %mul3A_11, %mul3A_968 : i32
        %dma_start3A_970 = arith.constant 0 : i32
        %dma_start3A_971 = arith.constant 0 : i32
        %dma_start3A_972 = tpu.memref_slice %arg7[%select_n3A_274, %dma_start3A_971] : memref<2x512xi32, #tpu.memory_space<vmem>> -> memref<1x512xi32, #tpu.memory_space<vmem>>
        %dma_start3A_973 = tpu.memref_squeeze %dma_start3A_972 : memref<1x512xi32, #tpu.memory_space<vmem>> -> memref<512xi32, #tpu.memory_space<vmem>>
        %dma_start3A_974 = tpu.memref_slice %arg3[%dma_start3A_970, %add3A_969] : memref<2x320000xi32, #tpu.memory_space<hbm>> -> memref<1x512xi32, #tpu.memory_space<hbm>>
        %dma_start3A_975 = tpu.memref_squeeze %dma_start3A_974 : memref<1x512xi32, #tpu.memory_space<hbm>> -> memref<512xi32, #tpu.memory_space<hbm>>
        %dma_start3A_976 = arith.constant 0 : i32
        %dma_start3A_977 = tpu.memref_slice %arg7[%select_n3A_274, %dma_start3A_976] : memref<2x512xi32, #tpu.memory_space<vmem>> -> memref<1x512xi32, #tpu.memory_space<vmem>>
        %dma_start3A_978 = tpu.memref_squeeze %dma_start3A_977 : memref<1x512xi32, #tpu.memory_space<vmem>> -> memref<512xi32, #tpu.memory_space<vmem>>
        %dma_start3A_979 = tpu.memref_slice %arg3[%dma_start3A_970, %add3A_969] : memref<2x320000xi32, #tpu.memory_space<hbm>> -> memref<1x512xi32, #tpu.memory_space<hbm>>
        %dma_start3A_980 = tpu.memref_squeeze %dma_start3A_979 : memref<1x512xi32, #tpu.memory_space<hbm>> -> memref<512xi32, #tpu.memory_space<hbm>>
        tpu.enqueue_dma source(%dma_start3A_980 : memref<512xi32, #tpu.memory_space<hbm>>) target(%dma_start3A_978 : memref<512xi32, #tpu.memory_space<vmem>>) target_semaphore(%arg14 : memref<!tpu.dma_semaphore, #tpu.memory_space<semaphore_mem>>)
        %dma_start3A_981 = arith.constant 1 : i32
        %dma_start3A_982 = arith.constant 0 : i32
        %dma_start3A_983 = tpu.memref_slice %arg8[%select_n3A_274, %dma_start3A_982] : memref<2x512xi32, #tpu.memory_space<vmem>> -> memref<1x512xi32, #tpu.memory_space<vmem>>
        %dma_start3A_984 = tpu.memref_squeeze %dma_start3A_983 : memref<1x512xi32, #tpu.memory_space<vmem>> -> memref<512xi32, #tpu.memory_space<vmem>>
        %dma_start3A_985 = tpu.memref_slice %arg3[%dma_start3A_981, %add3A_969] : memref<2x320000xi32, #tpu.memory_space<hbm>> -> memref<1x512xi32, #tpu.memory_space<hbm>>
        %dma_start3A_986 = tpu.memref_squeeze %dma_start3A_985 : memref<1x512xi32, #tpu.memory_space<hbm>> -> memref<512xi32, #tpu.memory_space<hbm>>
        %dma_start3A_987 = arith.constant 0 : i32
        %dma_start3A_988 = tpu.memref_slice %arg8[%select_n3A_274, %dma_start3A_987] : memref<2x512xi32, #tpu.memory_space<vmem>> -> memref<1x512xi32, #tpu.memory_space<vmem>>
        %dma_start3A_989 = tpu.memref_squeeze %dma_start3A_988 : memref<1x512xi32, #tpu.memory_space<vmem>> -> memref<512xi32, #tpu.memory_space<vmem>>
        %dma_start3A_990 = tpu.memref_slice %arg3[%dma_start3A_981, %add3A_969] : memref<2x320000xi32, #tpu.memory_space<hbm>> -> memref<1x512xi32, #tpu.memory_space<hbm>>
        %dma_start3A_991 = tpu.memref_squeeze %dma_start3A_990 : memref<1x512xi32, #tpu.memory_space<hbm>> -> memref<512xi32, #tpu.memory_space<hbm>>
        tpu.enqueue_dma source(%dma_start3A_991 : memref<512xi32, #tpu.memory_space<hbm>>) target(%dma_start3A_989 : memref<512xi32, #tpu.memory_space<vmem>>) target_semaphore(%arg14 : memref<!tpu.dma_semaphore, #tpu.memory_space<semaphore_mem>>)
      } else {
      }
      %dma_start3A_446 = arith.constant 0 : i32
      %dma_start3A_447 = arith.constant 0 : i32
      %dma_start3A_448 = arith.constant 0 : i32
      %dma_start3A_449 = tpu.memref_slice %arg11[%dma_start3A_446, %dma_start3A_447, %dma_start3A_448] : memref<8x64x72xf32, #tpu.memory_space<vmem>> -> memref<1x64x72xf32, #tpu.memory_space<vmem>>
      %dma_start3A_450 = tpu.memref_squeeze %dma_start3A_449 : memref<1x64x72xf32, #tpu.memory_space<vmem>> -> memref<64x72xf32, #tpu.memory_space<vmem>>
      %dma_start3A_451 = arith.constant 256 : i32
      %dma_start3A_452 = tpu.memref_slice %arg7[%select_n3A_256, %dma_start3A_451] : memref<2x512xi32, #tpu.memory_space<vmem>> -> memref<1x64xi32, #tpu.memory_space<vmem>>
      %dma_start3A_453 = tpu.memref_squeeze %dma_start3A_452 : memref<1x64xi32, #tpu.memory_space<vmem>> -> memref<64xi32, #tpu.memory_space<vmem>>
      %dma_start3A_454 = arith.constant 0 : i32
      %dma_start3A_455 = arith.constant 0 : i32
      %dma_start3A_456 = tpu.memref_slice %arg12[%dma_start3A_454, %dma_start3A_455] : memref<10000x72xf32, #tpu.memory_space<vmem_shared>> -> memref<10000x72xf32, #tpu.memory_space<vmem_shared>>
      tpu.enqueue_indirect_dma source(%dma_start3A_456 : memref<10000x72xf32, #tpu.memory_space<vmem_shared>>) target(%dma_start3A_450 : memref<64x72xf32, #tpu.memory_space<vmem>>) offsets(%dma_start3A_453 : memref<64xi32, #tpu.memory_space<vmem>>) semaphore(%arg15 : memref<!tpu.dma_semaphore, #tpu.memory_space<semaphore_mem>>)
      %dma_wait3A_457 = arith.constant 4 : i32
      %dma_wait3A_458 = arith.constant 0 : i32
      %dma_wait3A_459 = arith.constant 0 : i32
      %dma_wait3A_460 = tpu.memref_slice %arg11[%dma_wait3A_457, %dma_wait3A_458, %dma_wait3A_459] : memref<8x64x72xf32, #tpu.memory_space<vmem>> -> memref<1x64x72xf32, #tpu.memory_space<vmem>>
      %dma_wait3A_461 = tpu.memref_squeeze %dma_wait3A_460 : memref<1x64x72xf32, #tpu.memory_space<vmem>> -> memref<64x72xf32, #tpu.memory_space<vmem>>
      %dma_wait3A_462 = arith.constant 128 : i32
      %dma_wait3A_463 = tpu.memref_slice %arg7[%select_n3A_256, %dma_wait3A_462] : memref<2x512xi32, #tpu.memory_space<vmem>> -> memref<1x64xi32, #tpu.memory_space<vmem>>
      %dma_wait3A_464 = tpu.memref_squeeze %dma_wait3A_463 : memref<1x64xi32, #tpu.memory_space<vmem>> -> memref<64xi32, #tpu.memory_space<vmem>>
      %dma_wait3A_465 = arith.constant 0 : i32
      %dma_wait3A_466 = arith.constant 0 : i32
      %dma_wait3A_467 = tpu.memref_slice %arg12[%dma_wait3A_465, %dma_wait3A_466] : memref<10000x72xf32, #tpu.memory_space<vmem_shared>> -> memref<10000x72xf32, #tpu.memory_space<vmem_shared>>
      tpu.wait_indirect_dma semaphore(%arg19 : memref<!tpu.dma_semaphore, #tpu.memory_space<semaphore_mem>>) src(%dma_wait3A_467 : memref<10000x72xf32, #tpu.memory_space<vmem_shared>>) dst(%dma_wait3A_461 : memref<64x72xf32, #tpu.memory_space<vmem>>)
      %dma_start3A_468 = arith.constant 4 : i32
      %dma_start3A_469 = arith.constant 0 : i32
      %dma_start3A_470 = arith.constant 0 : i32
      %dma_start3A_471 = tpu.memref_slice %arg11[%dma_start3A_468, %dma_start3A_469, %dma_start3A_470] : memref<8x64x72xf32, #tpu.memory_space<vmem>> -> memref<1x64x72xf32, #tpu.memory_space<vmem>>
      %dma_start3A_472 = tpu.memref_squeeze %dma_start3A_471 : memref<1x64x72xf32, #tpu.memory_space<vmem>> -> memref<64x72xf32, #tpu.memory_space<vmem>>
      %dma_start3A_473 = arith.constant 128 : i32
      %dma_start3A_474 = tpu.memref_slice %arg8[%select_n3A_256, %dma_start3A_473] : memref<2x512xi32, #tpu.memory_space<vmem>> -> memref<1x64xi32, #tpu.memory_space<vmem>>
      %dma_start3A_475 = tpu.memref_squeeze %dma_start3A_474 : memref<1x64xi32, #tpu.memory_space<vmem>> -> memref<64xi32, #tpu.memory_space<vmem>>
      %dma_start3A_476 = arith.constant 0 : i32
      %dma_start3A_477 = arith.constant 0 : i32
      %dma_start3A_478 = tpu.memref_slice %arg13[%dma_start3A_476, %dma_start3A_477] : memref<10000x72xf32, #tpu.memory_space<vmem_shared>> -> memref<10000x72xf32, #tpu.memory_space<vmem_shared>>
      tpu.enqueue_indirect_dma source(%dma_start3A_472 : memref<64x72xf32, #tpu.memory_space<vmem>>) target(%dma_start3A_478 : memref<10000x72xf32, #tpu.memory_space<vmem_shared>>) offsets(%dma_start3A_475 : memref<64xi32, #tpu.memory_space<vmem>>) semaphore(%arg27 : memref<!tpu.dma_semaphore, #tpu.memory_space<semaphore_mem>>) {add = true}
      %dma_wait3A_479 = arith.constant 1 : i32
      %dma_wait3A_480 = arith.constant 0 : i32
      %dma_wait3A_481 = arith.constant 0 : i32
      %dma_wait3A_482 = arith.constant 0 : i32
      %dma_wait3A_483 = tpu.memref_slice %arg11[%dma_wait3A_479, %dma_wait3A_481, %dma_wait3A_482] : memref<8x64x72xf32, #tpu.memory_space<vmem>> -> memref<1x64x72xf32, #tpu.memory_space<vmem>>
      %dma_wait3A_484 = tpu.memref_squeeze %dma_wait3A_483 : memref<1x64x72xf32, #tpu.memory_space<vmem>> -> memref<64x72xf32, #tpu.memory_space<vmem>>
      %dma_wait3A_485 = arith.constant 0 : i32
      %dma_wait3A_486 = tpu.memref_slice %arg7[%dma_wait3A_480, %dma_wait3A_485] : memref<2x512xi32, #tpu.memory_space<vmem>> -> memref<1x64xi32, #tpu.memory_space<vmem>>
      %dma_wait3A_487 = tpu.memref_squeeze %dma_wait3A_486 : memref<1x64xi32, #tpu.memory_space<vmem>> -> memref<64xi32, #tpu.memory_space<vmem>>
      %dma_wait3A_488 = arith.constant 0 : i32
      %dma_wait3A_489 = arith.constant 0 : i32
      %dma_wait3A_490 = tpu.memref_slice %arg13[%dma_wait3A_488, %dma_wait3A_489] : memref<10000x72xf32, #tpu.memory_space<vmem_shared>> -> memref<10000x72xf32, #tpu.memory_space<vmem_shared>>
      tpu.wait_indirect_dma semaphore(%arg24 : memref<!tpu.dma_semaphore, #tpu.memory_space<semaphore_mem>>) src(%dma_wait3A_484 : memref<64x72xf32, #tpu.memory_space<vmem>>) dst(%dma_wait3A_490 : memref<10000x72xf32, #tpu.memory_space<vmem_shared>>)
      %dma_start3A_491 = arith.constant 1 : i32
      %dma_start3A_492 = arith.constant 0 : i32
      %dma_start3A_493 = arith.constant 0 : i32
      %dma_start3A_494 = tpu.memref_slice %arg11[%dma_start3A_491, %dma_start3A_492, %dma_start3A_493] : memref<8x64x72xf32, #tpu.memory_space<vmem>> -> memref<1x64x72xf32, #tpu.memory_space<vmem>>
      %dma_start3A_495 = tpu.memref_squeeze %dma_start3A_494 : memref<1x64x72xf32, #tpu.memory_space<vmem>> -> memref<64x72xf32, #tpu.memory_space<vmem>>
      %dma_start3A_496 = arith.constant 256 : i32
      %dma_start3A_497 = tpu.memref_slice %arg8[%select_n3A_256, %dma_start3A_496] : memref<2x512xi32, #tpu.memory_space<vmem>> -> memref<1x64xi32, #tpu.memory_space<vmem>>
      %dma_start3A_498 = tpu.memref_squeeze %dma_start3A_497 : memref<1x64xi32, #tpu.memory_space<vmem>> -> memref<64xi32, #tpu.memory_space<vmem>>
      %dma_start3A_499 = arith.constant 0 : i32
      %dma_start3A_500 = arith.constant 0 : i32
      %dma_start3A_501 = tpu.memref_slice %arg12[%dma_start3A_499, %dma_start3A_500] : memref<10000x72xf32, #tpu.memory_space<vmem_shared>> -> memref<10000x72xf32, #tpu.memory_space<vmem_shared>>
      tpu.enqueue_indirect_dma source(%dma_start3A_501 : memref<10000x72xf32, #tpu.memory_space<vmem_shared>>) target(%dma_start3A_495 : memref<64x72xf32, #tpu.memory_space<vmem>>) offsets(%dma_start3A_498 : memref<64xi32, #tpu.memory_space<vmem>>) semaphore(%arg16 : memref<!tpu.dma_semaphore, #tpu.memory_space<semaphore_mem>>)
      %dma_wait3A_502 = arith.constant 5 : i32
      %dma_wait3A_503 = arith.constant 0 : i32
      %dma_wait3A_504 = arith.constant 0 : i32
      %dma_wait3A_505 = tpu.memref_slice %arg11[%dma_wait3A_502, %dma_wait3A_503, %dma_wait3A_504] : memref<8x64x72xf32, #tpu.memory_space<vmem>> -> memref<1x64x72xf32, #tpu.memory_space<vmem>>
      %dma_wait3A_506 = tpu.memref_squeeze %dma_wait3A_505 : memref<1x64x72xf32, #tpu.memory_space<vmem>> -> memref<64x72xf32, #tpu.memory_space<vmem>>
      %dma_wait3A_507 = arith.constant 128 : i32
      %dma_wait3A_508 = tpu.memref_slice %arg8[%select_n3A_256, %dma_wait3A_507] : memref<2x512xi32, #tpu.memory_space<vmem>> -> memref<1x64xi32, #tpu.memory_space<vmem>>
      %dma_wait3A_509 = tpu.memref_squeeze %dma_wait3A_508 : memref<1x64xi32, #tpu.memory_space<vmem>> -> memref<64xi32, #tpu.memory_space<vmem>>
      %dma_wait3A_510 = arith.constant 0 : i32
      %dma_wait3A_511 = arith.constant 0 : i32
      %dma_wait3A_512 = tpu.memref_slice %arg12[%dma_wait3A_510, %dma_wait3A_511] : memref<10000x72xf32, #tpu.memory_space<vmem_shared>> -> memref<10000x72xf32, #tpu.memory_space<vmem_shared>>
      tpu.wait_indirect_dma semaphore(%arg20 : memref<!tpu.dma_semaphore, #tpu.memory_space<semaphore_mem>>) src(%dma_wait3A_512 : memref<10000x72xf32, #tpu.memory_space<vmem_shared>>) dst(%dma_wait3A_506 : memref<64x72xf32, #tpu.memory_space<vmem>>)
      %dma_start3A_513 = arith.constant 5 : i32
      %dma_start3A_514 = arith.constant 0 : i32
      %dma_start3A_515 = arith.constant 0 : i32
      %dma_start3A_516 = tpu.memref_slice %arg11[%dma_start3A_513, %dma_start3A_514, %dma_start3A_515] : memref<8x64x72xf32, #tpu.memory_space<vmem>> -> memref<1x64x72xf32, #tpu.memory_space<vmem>>
      %dma_start3A_517 = tpu.memref_squeeze %dma_start3A_516 : memref<1x64x72xf32, #tpu.memory_space<vmem>> -> memref<64x72xf32, #tpu.memory_space<vmem>>
      %dma_start3A_518 = arith.constant 128 : i32
      %dma_start3A_519 = tpu.memref_slice %arg7[%select_n3A_256, %dma_start3A_518] : memref<2x512xi32, #tpu.memory_space<vmem>> -> memref<1x64xi32, #tpu.memory_space<vmem>>
      %dma_start3A_520 = tpu.memref_squeeze %dma_start3A_519 : memref<1x64xi32, #tpu.memory_space<vmem>> -> memref<64xi32, #tpu.memory_space<vmem>>
      %dma_start3A_521 = arith.constant 0 : i32
      %dma_start3A_522 = arith.constant 0 : i32
      %dma_start3A_523 = tpu.memref_slice %arg13[%dma_start3A_521, %dma_start3A_522] : memref<10000x72xf32, #tpu.memory_space<vmem_shared>> -> memref<10000x72xf32, #tpu.memory_space<vmem_shared>>
      tpu.enqueue_indirect_dma source(%dma_start3A_517 : memref<64x72xf32, #tpu.memory_space<vmem>>) target(%dma_start3A_523 : memref<10000x72xf32, #tpu.memory_space<vmem_shared>>) offsets(%dma_start3A_520 : memref<64xi32, #tpu.memory_space<vmem>>) semaphore(%arg28 : memref<!tpu.dma_semaphore, #tpu.memory_space<semaphore_mem>>) {add = true}
      %dma_wait3A_524 = arith.constant 2 : i32
      %dma_wait3A_525 = arith.constant 0 : i32
      %dma_wait3A_526 = arith.constant 0 : i32
      %dma_wait3A_527 = arith.constant 0 : i32
      %dma_wait3A_528 = tpu.memref_slice %arg11[%dma_wait3A_524, %dma_wait3A_526, %dma_wait3A_527] : memref<8x64x72xf32, #tpu.memory_space<vmem>> -> memref<1x64x72xf32, #tpu.memory_space<vmem>>
      %dma_wait3A_529 = tpu.memref_squeeze %dma_wait3A_528 : memref<1x64x72xf32, #tpu.memory_space<vmem>> -> memref<64x72xf32, #tpu.memory_space<vmem>>
      %dma_wait3A_530 = arith.constant 0 : i32
      %dma_wait3A_531 = tpu.memref_slice %arg7[%dma_wait3A_525, %dma_wait3A_530] : memref<2x512xi32, #tpu.memory_space<vmem>> -> memref<1x64xi32, #tpu.memory_space<vmem>>
      %dma_wait3A_532 = tpu.memref_squeeze %dma_wait3A_531 : memref<1x64xi32, #tpu.memory_space<vmem>> -> memref<64xi32, #tpu.memory_space<vmem>>
      %dma_wait3A_533 = arith.constant 0 : i32
      %dma_wait3A_534 = arith.constant 0 : i32
      %dma_wait3A_535 = tpu.memref_slice %arg13[%dma_wait3A_533, %dma_wait3A_534] : memref<10000x72xf32, #tpu.memory_space<vmem_shared>> -> memref<10000x72xf32, #tpu.memory_space<vmem_shared>>
      tpu.wait_indirect_dma semaphore(%arg25 : memref<!tpu.dma_semaphore, #tpu.memory_space<semaphore_mem>>) src(%dma_wait3A_529 : memref<64x72xf32, #tpu.memory_space<vmem>>) dst(%dma_wait3A_535 : memref<10000x72xf32, #tpu.memory_space<vmem_shared>>)
      %dma_start3A_536 = arith.constant 2 : i32
      %dma_start3A_537 = arith.constant 0 : i32
      %dma_start3A_538 = arith.constant 0 : i32
      %dma_start3A_539 = tpu.memref_slice %arg11[%dma_start3A_536, %dma_start3A_537, %dma_start3A_538] : memref<8x64x72xf32, #tpu.memory_space<vmem>> -> memref<1x64x72xf32, #tpu.memory_space<vmem>>
      %dma_start3A_540 = tpu.memref_squeeze %dma_start3A_539 : memref<1x64x72xf32, #tpu.memory_space<vmem>> -> memref<64x72xf32, #tpu.memory_space<vmem>>
      %dma_start3A_541 = arith.constant 320 : i32
      %dma_start3A_542 = tpu.memref_slice %arg7[%select_n3A_256, %dma_start3A_541] : memref<2x512xi32, #tpu.memory_space<vmem>> -> memref<1x64xi32, #tpu.memory_space<vmem>>
      %dma_start3A_543 = tpu.memref_squeeze %dma_start3A_542 : memref<1x64xi32, #tpu.memory_space<vmem>> -> memref<64xi32, #tpu.memory_space<vmem>>
      %dma_start3A_544 = arith.constant 0 : i32
      %dma_start3A_545 = arith.constant 0 : i32
      %dma_start3A_546 = tpu.memref_slice %arg12[%dma_start3A_544, %dma_start3A_545] : memref<10000x72xf32, #tpu.memory_space<vmem_shared>> -> memref<10000x72xf32, #tpu.memory_space<vmem_shared>>
      tpu.enqueue_indirect_dma source(%dma_start3A_546 : memref<10000x72xf32, #tpu.memory_space<vmem_shared>>) target(%dma_start3A_540 : memref<64x72xf32, #tpu.memory_space<vmem>>) offsets(%dma_start3A_543 : memref<64xi32, #tpu.memory_space<vmem>>) semaphore(%arg17 : memref<!tpu.dma_semaphore, #tpu.memory_space<semaphore_mem>>)
      %dma_wait3A_547 = arith.constant 6 : i32
      %dma_wait3A_548 = arith.constant 0 : i32
      %dma_wait3A_549 = arith.constant 0 : i32
      %dma_wait3A_550 = tpu.memref_slice %arg11[%dma_wait3A_547, %dma_wait3A_548, %dma_wait3A_549] : memref<8x64x72xf32, #tpu.memory_space<vmem>> -> memref<1x64x72xf32, #tpu.memory_space<vmem>>
      %dma_wait3A_551 = tpu.memref_squeeze %dma_wait3A_550 : memref<1x64x72xf32, #tpu.memory_space<vmem>> -> memref<64x72xf32, #tpu.memory_space<vmem>>
      %dma_wait3A_552 = arith.constant 192 : i32
      %dma_wait3A_553 = tpu.memref_slice %arg7[%select_n3A_256, %dma_wait3A_552] : memref<2x512xi32, #tpu.memory_space<vmem>> -> memref<1x64xi32, #tpu.memory_space<vmem>>
      %dma_wait3A_554 = tpu.memref_squeeze %dma_wait3A_553 : memref<1x64xi32, #tpu.memory_space<vmem>> -> memref<64xi32, #tpu.memory_space<vmem>>
      %dma_wait3A_555 = arith.constant 0 : i32
      %dma_wait3A_556 = arith.constant 0 : i32
      %dma_wait3A_557 = tpu.memref_slice %arg12[%dma_wait3A_555, %dma_wait3A_556] : memref<10000x72xf32, #tpu.memory_space<vmem_shared>> -> memref<10000x72xf32, #tpu.memory_space<vmem_shared>>
      tpu.wait_indirect_dma semaphore(%arg21 : memref<!tpu.dma_semaphore, #tpu.memory_space<semaphore_mem>>) src(%dma_wait3A_557 : memref<10000x72xf32, #tpu.memory_space<vmem_shared>>) dst(%dma_wait3A_551 : memref<64x72xf32, #tpu.memory_space<vmem>>)
      %dma_start3A_558 = arith.constant 6 : i32
      %dma_start3A_559 = arith.constant 0 : i32
      %dma_start3A_560 = arith.constant 0 : i32
      %dma_start3A_561 = tpu.memref_slice %arg11[%dma_start3A_558, %dma_start3A_559, %dma_start3A_560] : memref<8x64x72xf32, #tpu.memory_space<vmem>> -> memref<1x64x72xf32, #tpu.memory_space<vmem>>
      %dma_start3A_562 = tpu.memref_squeeze %dma_start3A_561 : memref<1x64x72xf32, #tpu.memory_space<vmem>> -> memref<64x72xf32, #tpu.memory_space<vmem>>
      %dma_start3A_563 = arith.constant 192 : i32
      %dma_start3A_564 = tpu.memref_slice %arg8[%select_n3A_256, %dma_start3A_563] : memref<2x512xi32, #tpu.memory_space<vmem>> -> memref<1x64xi32, #tpu.memory_space<vmem>>
      %dma_start3A_565 = tpu.memref_squeeze %dma_start3A_564 : memref<1x64xi32, #tpu.memory_space<vmem>> -> memref<64xi32, #tpu.memory_space<vmem>>
      %dma_start3A_566 = arith.constant 0 : i32
      %dma_start3A_567 = arith.constant 0 : i32
      %dma_start3A_568 = tpu.memref_slice %arg13[%dma_start3A_566, %dma_start3A_567] : memref<10000x72xf32, #tpu.memory_space<vmem_shared>> -> memref<10000x72xf32, #tpu.memory_space<vmem_shared>>
      tpu.enqueue_indirect_dma source(%dma_start3A_562 : memref<64x72xf32, #tpu.memory_space<vmem>>) target(%dma_start3A_568 : memref<10000x72xf32, #tpu.memory_space<vmem_shared>>) offsets(%dma_start3A_565 : memref<64xi32, #tpu.memory_space<vmem>>) semaphore(%arg29 : memref<!tpu.dma_semaphore, #tpu.memory_space<semaphore_mem>>) {add = true}
      %dma_wait3A_569 = arith.constant 3 : i32
      %dma_wait3A_570 = arith.constant 0 : i32
      %dma_wait3A_571 = arith.constant 0 : i32
      %dma_wait3A_572 = arith.constant 0 : i32
      %dma_wait3A_573 = tpu.memref_slice %arg11[%dma_wait3A_569, %dma_wait3A_571, %dma_wait3A_572] : memref<8x64x72xf32, #tpu.memory_space<vmem>> -> memref<1x64x72xf32, #tpu.memory_space<vmem>>
      %dma_wait3A_574 = tpu.memref_squeeze %dma_wait3A_573 : memref<1x64x72xf32, #tpu.memory_space<vmem>> -> memref<64x72xf32, #tpu.memory_space<vmem>>
      %dma_wait3A_575 = arith.constant 0 : i32
      %dma_wait3A_576 = tpu.memref_slice %arg7[%dma_wait3A_570, %dma_wait3A_575] : memref<2x512xi32, #tpu.memory_space<vmem>> -> memref<1x64xi32, #tpu.memory_space<vmem>>
      %dma_wait3A_577 = tpu.memref_squeeze %dma_wait3A_576 : memref<1x64xi32, #tpu.memory_space<vmem>> -> memref<64xi32, #tpu.memory_space<vmem>>
      %dma_wait3A_578 = arith.constant 0 : i32
      %dma_wait3A_579 = arith.constant 0 : i32
      %dma_wait3A_580 = tpu.memref_slice %arg13[%dma_wait3A_578, %dma_wait3A_579] : memref<10000x72xf32, #tpu.memory_space<vmem_shared>> -> memref<10000x72xf32, #tpu.memory_space<vmem_shared>>
      tpu.wait_indirect_dma semaphore(%arg26 : memref<!tpu.dma_semaphore, #tpu.memory_space<semaphore_mem>>) src(%dma_wait3A_574 : memref<64x72xf32, #tpu.memory_space<vmem>>) dst(%dma_wait3A_580 : memref<10000x72xf32, #tpu.memory_space<vmem_shared>>)
      %dma_start3A_581 = arith.constant 3 : i32
      %dma_start3A_582 = arith.constant 0 : i32
      %dma_start3A_583 = arith.constant 0 : i32
      %dma_start3A_584 = tpu.memref_slice %arg11[%dma_start3A_581, %dma_start3A_582, %dma_start3A_583] : memref<8x64x72xf32, #tpu.memory_space<vmem>> -> memref<1x64x72xf32, #tpu.memory_space<vmem>>
      %dma_start3A_585 = tpu.memref_squeeze %dma_start3A_584 : memref<1x64x72xf32, #tpu.memory_space<vmem>> -> memref<64x72xf32, #tpu.memory_space<vmem>>
      %dma_start3A_586 = arith.constant 320 : i32
      %dma_start3A_587 = tpu.memref_slice %arg8[%select_n3A_256, %dma_start3A_586] : memref<2x512xi32, #tpu.memory_space<vmem>> -> memref<1x64xi32, #tpu.memory_space<vmem>>
      %dma_start3A_588 = tpu.memref_squeeze %dma_start3A_587 : memref<1x64xi32, #tpu.memory_space<vmem>> -> memref<64xi32, #tpu.memory_space<vmem>>
      %dma_start3A_589 = arith.constant 0 : i32
      %dma_start3A_590 = arith.constant 0 : i32
      %dma_start3A_591 = tpu.memref_slice %arg12[%dma_start3A_589, %dma_start3A_590] : memref<10000x72xf32, #tpu.memory_space<vmem_shared>> -> memref<10000x72xf32, #tpu.memory_space<vmem_shared>>
      tpu.enqueue_indirect_dma source(%dma_start3A_591 : memref<10000x72xf32, #tpu.memory_space<vmem_shared>>) target(%dma_start3A_585 : memref<64x72xf32, #tpu.memory_space<vmem>>) offsets(%dma_start3A_588 : memref<64xi32, #tpu.memory_space<vmem>>) semaphore(%arg18 : memref<!tpu.dma_semaphore, #tpu.memory_space<semaphore_mem>>)
      %dma_wait3A_592 = arith.constant 7 : i32
      %dma_wait3A_593 = arith.constant 0 : i32
      %dma_wait3A_594 = arith.constant 0 : i32
      %dma_wait3A_595 = tpu.memref_slice %arg11[%dma_wait3A_592, %dma_wait3A_593, %dma_wait3A_594] : memref<8x64x72xf32, #tpu.memory_space<vmem>> -> memref<1x64x72xf32, #tpu.memory_space<vmem>>
      %dma_wait3A_596 = tpu.memref_squeeze %dma_wait3A_595 : memref<1x64x72xf32, #tpu.memory_space<vmem>> -> memref<64x72xf32, #tpu.memory_space<vmem>>
      %dma_wait3A_597 = arith.constant 192 : i32
      %dma_wait3A_598 = tpu.memref_slice %arg8[%select_n3A_256, %dma_wait3A_597] : memref<2x512xi32, #tpu.memory_space<vmem>> -> memref<1x64xi32, #tpu.memory_space<vmem>>
      %dma_wait3A_599 = tpu.memref_squeeze %dma_wait3A_598 : memref<1x64xi32, #tpu.memory_space<vmem>> -> memref<64xi32, #tpu.memory_space<vmem>>
      %dma_wait3A_600 = arith.constant 0 : i32
      %dma_wait3A_601 = arith.constant 0 : i32
      %dma_wait3A_602 = tpu.memref_slice %arg12[%dma_wait3A_600, %dma_wait3A_601] : memref<10000x72xf32, #tpu.memory_space<vmem_shared>> -> memref<10000x72xf32, #tpu.memory_space<vmem_shared>>
      tpu.wait_indirect_dma semaphore(%arg22 : memref<!tpu.dma_semaphore, #tpu.memory_space<semaphore_mem>>) src(%dma_wait3A_602 : memref<10000x72xf32, #tpu.memory_space<vmem_shared>>) dst(%dma_wait3A_596 : memref<64x72xf32, #tpu.memory_space<vmem>>)
      %dma_start3A_603 = arith.constant 7 : i32
      %dma_start3A_604 = arith.constant 0 : i32
      %dma_start3A_605 = arith.constant 0 : i32
      %dma_start3A_606 = tpu.memref_slice %arg11[%dma_start3A_603, %dma_start3A_604, %dma_start3A_605] : memref<8x64x72xf32, #tpu.memory_space<vmem>> -> memref<1x64x72xf32, #tpu.memory_space<vmem>>
      %dma_start3A_607 = tpu.memref_squeeze %dma_start3A_606 : memref<1x64x72xf32, #tpu.memory_space<vmem>> -> memref<64x72xf32, #tpu.memory_space<vmem>>
      %dma_start3A_608 = arith.constant 192 : i32
      %dma_start3A_609 = tpu.memref_slice %arg7[%select_n3A_256, %dma_start3A_608] : memref<2x512xi32, #tpu.memory_space<vmem>> -> memref<1x64xi32, #tpu.memory_space<vmem>>
      %dma_start3A_610 = tpu.memref_squeeze %dma_start3A_609 : memref<1x64xi32, #tpu.memory_space<vmem>> -> memref<64xi32, #tpu.memory_space<vmem>>
      %dma_start3A_611 = arith.constant 0 : i32
      %dma_start3A_612 = arith.constant 0 : i32
      %dma_start3A_613 = tpu.memref_slice %arg13[%dma_start3A_611, %dma_start3A_612] : memref<10000x72xf32, #tpu.memory_space<vmem_shared>> -> memref<10000x72xf32, #tpu.memory_space<vmem_shared>>
      tpu.enqueue_indirect_dma source(%dma_start3A_607 : memref<64x72xf32, #tpu.memory_space<vmem>>) target(%dma_start3A_613 : memref<10000x72xf32, #tpu.memory_space<vmem_shared>>) offsets(%dma_start3A_610 : memref<64xi32, #tpu.memory_space<vmem>>) semaphore(%arg30 : memref<!tpu.dma_semaphore, #tpu.memory_space<semaphore_mem>>) {add = true}
      %dma_wait3A_614 = arith.constant 4 : i32
      %dma_wait3A_615 = arith.constant 0 : i32
      %dma_wait3A_616 = arith.constant 0 : i32
      %dma_wait3A_617 = arith.constant 0 : i32
      %dma_wait3A_618 = tpu.memref_slice %arg11[%dma_wait3A_614, %dma_wait3A_616, %dma_wait3A_617] : memref<8x64x72xf32, #tpu.memory_space<vmem>> -> memref<1x64x72xf32, #tpu.memory_space<vmem>>
      %dma_wait3A_619 = tpu.memref_squeeze %dma_wait3A_618 : memref<1x64x72xf32, #tpu.memory_space<vmem>> -> memref<64x72xf32, #tpu.memory_space<vmem>>
      %dma_wait3A_620 = arith.constant 0 : i32
      %dma_wait3A_621 = tpu.memref_slice %arg7[%dma_wait3A_615, %dma_wait3A_620] : memref<2x512xi32, #tpu.memory_space<vmem>> -> memref<1x64xi32, #tpu.memory_space<vmem>>
      %dma_wait3A_622 = tpu.memref_squeeze %dma_wait3A_621 : memref<1x64xi32, #tpu.memory_space<vmem>> -> memref<64xi32, #tpu.memory_space<vmem>>
      %dma_wait3A_623 = arith.constant 0 : i32
      %dma_wait3A_624 = arith.constant 0 : i32
      %dma_wait3A_625 = tpu.memref_slice %arg13[%dma_wait3A_623, %dma_wait3A_624] : memref<10000x72xf32, #tpu.memory_space<vmem_shared>> -> memref<10000x72xf32, #tpu.memory_space<vmem_shared>>
      tpu.wait_indirect_dma semaphore(%arg27 : memref<!tpu.dma_semaphore, #tpu.memory_space<semaphore_mem>>) src(%dma_wait3A_619 : memref<64x72xf32, #tpu.memory_space<vmem>>) dst(%dma_wait3A_625 : memref<10000x72xf32, #tpu.memory_space<vmem_shared>>)
      %dma_start3A_626 = arith.constant 4 : i32
      %dma_start3A_627 = arith.constant 0 : i32
      %dma_start3A_628 = arith.constant 0 : i32
      %dma_start3A_629 = tpu.memref_slice %arg11[%dma_start3A_626, %dma_start3A_627, %dma_start3A_628] : memref<8x64x72xf32, #tpu.memory_space<vmem>> -> memref<1x64x72xf32, #tpu.memory_space<vmem>>
      %dma_start3A_630 = tpu.memref_squeeze %dma_start3A_629 : memref<1x64x72xf32, #tpu.memory_space<vmem>> -> memref<64x72xf32, #tpu.memory_space<vmem>>
      %dma_start3A_631 = arith.constant 384 : i32
      %dma_start3A_632 = tpu.memref_slice %arg7[%select_n3A_256, %dma_start3A_631] : memref<2x512xi32, #tpu.memory_space<vmem>> -> memref<1x64xi32, #tpu.memory_space<vmem>>
      %dma_start3A_633 = tpu.memref_squeeze %dma_start3A_632 : memref<1x64xi32, #tpu.memory_space<vmem>> -> memref<64xi32, #tpu.memory_space<vmem>>
      %dma_start3A_634 = arith.constant 0 : i32
      %dma_start3A_635 = arith.constant 0 : i32
      %dma_start3A_636 = tpu.memref_slice %arg12[%dma_start3A_634, %dma_start3A_635] : memref<10000x72xf32, #tpu.memory_space<vmem_shared>> -> memref<10000x72xf32, #tpu.memory_space<vmem_shared>>
      tpu.enqueue_indirect_dma source(%dma_start3A_636 : memref<10000x72xf32, #tpu.memory_space<vmem_shared>>) target(%dma_start3A_630 : memref<64x72xf32, #tpu.memory_space<vmem>>) offsets(%dma_start3A_633 : memref<64xi32, #tpu.memory_space<vmem>>) semaphore(%arg19 : memref<!tpu.dma_semaphore, #tpu.memory_space<semaphore_mem>>)
      %dma_wait3A_637 = arith.constant 0 : i32
      %dma_wait3A_638 = arith.constant 0 : i32
      %dma_wait3A_639 = arith.constant 0 : i32
      %dma_wait3A_640 = tpu.memref_slice %arg11[%dma_wait3A_637, %dma_wait3A_638, %dma_wait3A_639] : memref<8x64x72xf32, #tpu.memory_space<vmem>> -> memref<1x64x72xf32, #tpu.memory_space<vmem>>
      %dma_wait3A_641 = tpu.memref_squeeze %dma_wait3A_640 : memref<1x64x72xf32, #tpu.memory_space<vmem>> -> memref<64x72xf32, #tpu.memory_space<vmem>>
      %dma_wait3A_642 = arith.constant 256 : i32
      %dma_wait3A_643 = tpu.memref_slice %arg7[%select_n3A_256, %dma_wait3A_642] : memref<2x512xi32, #tpu.memory_space<vmem>> -> memref<1x64xi32, #tpu.memory_space<vmem>>
      %dma_wait3A_644 = tpu.memref_squeeze %dma_wait3A_643 : memref<1x64xi32, #tpu.memory_space<vmem>> -> memref<64xi32, #tpu.memory_space<vmem>>
      %dma_wait3A_645 = arith.constant 0 : i32
      %dma_wait3A_646 = arith.constant 0 : i32
      %dma_wait3A_647 = tpu.memref_slice %arg12[%dma_wait3A_645, %dma_wait3A_646] : memref<10000x72xf32, #tpu.memory_space<vmem_shared>> -> memref<10000x72xf32, #tpu.memory_space<vmem_shared>>
      tpu.wait_indirect_dma semaphore(%arg15 : memref<!tpu.dma_semaphore, #tpu.memory_space<semaphore_mem>>) src(%dma_wait3A_647 : memref<10000x72xf32, #tpu.memory_space<vmem_shared>>) dst(%dma_wait3A_641 : memref<64x72xf32, #tpu.memory_space<vmem>>)
      %dma_start3A_648 = arith.constant 0 : i32
      %dma_start3A_649 = arith.constant 0 : i32
      %dma_start3A_650 = arith.constant 0 : i32
      %dma_start3A_651 = tpu.memref_slice %arg11[%dma_start3A_648, %dma_start3A_649, %dma_start3A_650] : memref<8x64x72xf32, #tpu.memory_space<vmem>> -> memref<1x64x72xf32, #tpu.memory_space<vmem>>
      %dma_start3A_652 = tpu.memref_squeeze %dma_start3A_651 : memref<1x64x72xf32, #tpu.memory_space<vmem>> -> memref<64x72xf32, #tpu.memory_space<vmem>>
      %dma_start3A_653 = arith.constant 256 : i32
      %dma_start3A_654 = tpu.memref_slice %arg8[%select_n3A_256, %dma_start3A_653] : memref<2x512xi32, #tpu.memory_space<vmem>> -> memref<1x64xi32, #tpu.memory_space<vmem>>
      %dma_start3A_655 = tpu.memref_squeeze %dma_start3A_654 : memref<1x64xi32, #tpu.memory_space<vmem>> -> memref<64xi32, #tpu.memory_space<vmem>>
      %dma_start3A_656 = arith.constant 0 : i32
      %dma_start3A_657 = arith.constant 0 : i32
      %dma_start3A_658 = tpu.memref_slice %arg13[%dma_start3A_656, %dma_start3A_657] : memref<10000x72xf32, #tpu.memory_space<vmem_shared>> -> memref<10000x72xf32, #tpu.memory_space<vmem_shared>>
      tpu.enqueue_indirect_dma source(%dma_start3A_652 : memref<64x72xf32, #tpu.memory_space<vmem>>) target(%dma_start3A_658 : memref<10000x72xf32, #tpu.memory_space<vmem_shared>>) offsets(%dma_start3A_655 : memref<64xi32, #tpu.memory_space<vmem>>) semaphore(%arg23 : memref<!tpu.dma_semaphore, #tpu.memory_space<semaphore_mem>>) {add = true}
      %dma_wait3A_659 = arith.constant 5 : i32
      %dma_wait3A_660 = arith.constant 0 : i32
      %dma_wait3A_661 = arith.constant 0 : i32
      %dma_wait3A_662 = arith.constant 0 : i32
      %dma_wait3A_663 = tpu.memref_slice %arg11[%dma_wait3A_659, %dma_wait3A_661, %dma_wait3A_662] : memref<8x64x72xf32, #tpu.memory_space<vmem>> -> memref<1x64x72xf32, #tpu.memory_space<vmem>>
      %dma_wait3A_664 = tpu.memref_squeeze %dma_wait3A_663 : memref<1x64x72xf32, #tpu.memory_space<vmem>> -> memref<64x72xf32, #tpu.memory_space<vmem>>
      %dma_wait3A_665 = arith.constant 0 : i32
      %dma_wait3A_666 = tpu.memref_slice %arg7[%dma_wait3A_660, %dma_wait3A_665] : memref<2x512xi32, #tpu.memory_space<vmem>> -> memref<1x64xi32, #tpu.memory_space<vmem>>
      %dma_wait3A_667 = tpu.memref_squeeze %dma_wait3A_666 : memref<1x64xi32, #tpu.memory_space<vmem>> -> memref<64xi32, #tpu.memory_space<vmem>>
      %dma_wait3A_668 = arith.constant 0 : i32
      %dma_wait3A_669 = arith.constant 0 : i32
      %dma_wait3A_670 = tpu.memref_slice %arg13[%dma_wait3A_668, %dma_wait3A_669] : memref<10000x72xf32, #tpu.memory_space<vmem_shared>> -> memref<10000x72xf32, #tpu.memory_space<vmem_shared>>
      tpu.wait_indirect_dma semaphore(%arg28 : memref<!tpu.dma_semaphore, #tpu.memory_space<semaphore_mem>>) src(%dma_wait3A_664 : memref<64x72xf32, #tpu.memory_space<vmem>>) dst(%dma_wait3A_670 : memref<10000x72xf32, #tpu.memory_space<vmem_shared>>)
      %dma_start3A_671 = arith.constant 5 : i32
      %dma_start3A_672 = arith.constant 0 : i32
      %dma_start3A_673 = arith.constant 0 : i32
      %dma_start3A_674 = tpu.memref_slice %arg11[%dma_start3A_671, %dma_start3A_672, %dma_start3A_673] : memref<8x64x72xf32, #tpu.memory_space<vmem>> -> memref<1x64x72xf32, #tpu.memory_space<vmem>>
      %dma_start3A_675 = tpu.memref_squeeze %dma_start3A_674 : memref<1x64x72xf32, #tpu.memory_space<vmem>> -> memref<64x72xf32, #tpu.memory_space<vmem>>
      %dma_start3A_676 = arith.constant 384 : i32
      %dma_start3A_677 = tpu.memref_slice %arg8[%select_n3A_256, %dma_start3A_676] : memref<2x512xi32, #tpu.memory_space<vmem>> -> memref<1x64xi32, #tpu.memory_space<vmem>>
      %dma_start3A_678 = tpu.memref_squeeze %dma_start3A_677 : memref<1x64xi32, #tpu.memory_space<vmem>> -> memref<64xi32, #tpu.memory_space<vmem>>
      %dma_start3A_679 = arith.constant 0 : i32
      %dma_start3A_680 = arith.constant 0 : i32
      %dma_start3A_681 = tpu.memref_slice %arg12[%dma_start3A_679, %dma_start3A_680] : memref<10000x72xf32, #tpu.memory_space<vmem_shared>> -> memref<10000x72xf32, #tpu.memory_space<vmem_shared>>
      tpu.enqueue_indirect_dma source(%dma_start3A_681 : memref<10000x72xf32, #tpu.memory_space<vmem_shared>>) target(%dma_start3A_675 : memref<64x72xf32, #tpu.memory_space<vmem>>) offsets(%dma_start3A_678 : memref<64xi32, #tpu.memory_space<vmem>>) semaphore(%arg20 : memref<!tpu.dma_semaphore, #tpu.memory_space<semaphore_mem>>)
      %dma_wait3A_682 = arith.constant 1 : i32
      %dma_wait3A_683 = arith.constant 0 : i32
      %dma_wait3A_684 = arith.constant 0 : i32
      %dma_wait3A_685 = tpu.memref_slice %arg11[%dma_wait3A_682, %dma_wait3A_683, %dma_wait3A_684] : memref<8x64x72xf32, #tpu.memory_space<vmem>> -> memref<1x64x72xf32, #tpu.memory_space<vmem>>
      %dma_wait3A_686 = tpu.memref_squeeze %dma_wait3A_685 : memref<1x64x72xf32, #tpu.memory_space<vmem>> -> memref<64x72xf32, #tpu.memory_space<vmem>>
      %dma_wait3A_687 = arith.constant 256 : i32
      %dma_wait3A_688 = tpu.memref_slice %arg8[%select_n3A_256, %dma_wait3A_687] : memref<2x512xi32, #tpu.memory_space<vmem>> -> memref<1x64xi32, #tpu.memory_space<vmem>>
      %dma_wait3A_689 = tpu.memref_squeeze %dma_wait3A_688 : memref<1x64xi32, #tpu.memory_space<vmem>> -> memref<64xi32, #tpu.memory_space<vmem>>
      %dma_wait3A_690 = arith.constant 0 : i32
      %dma_wait3A_691 = arith.constant 0 : i32
      %dma_wait3A_692 = tpu.memref_slice %arg12[%dma_wait3A_690, %dma_wait3A_691] : memref<10000x72xf32, #tpu.memory_space<vmem_shared>> -> memref<10000x72xf32, #tpu.memory_space<vmem_shared>>
      tpu.wait_indirect_dma semaphore(%arg16 : memref<!tpu.dma_semaphore, #tpu.memory_space<semaphore_mem>>) src(%dma_wait3A_692 : memref<10000x72xf32, #tpu.memory_space<vmem_shared>>) dst(%dma_wait3A_686 : memref<64x72xf32, #tpu.memory_space<vmem>>)
      %dma_start3A_693 = arith.constant 1 : i32
      %dma_start3A_694 = arith.constant 0 : i32
      %dma_start3A_695 = arith.constant 0 : i32
      %dma_start3A_696 = tpu.memref_slice %arg11[%dma_start3A_693, %dma_start3A_694, %dma_start3A_695] : memref<8x64x72xf32, #tpu.memory_space<vmem>> -> memref<1x64x72xf32, #tpu.memory_space<vmem>>
      %dma_start3A_697 = tpu.memref_squeeze %dma_start3A_696 : memref<1x64x72xf32, #tpu.memory_space<vmem>> -> memref<64x72xf32, #tpu.memory_space<vmem>>
      %dma_start3A_698 = arith.constant 256 : i32
      %dma_start3A_699 = tpu.memref_slice %arg7[%select_n3A_256, %dma_start3A_698] : memref<2x512xi32, #tpu.memory_space<vmem>> -> memref<1x64xi32, #tpu.memory_space<vmem>>
      %dma_start3A_700 = tpu.memref_squeeze %dma_start3A_699 : memref<1x64xi32, #tpu.memory_space<vmem>> -> memref<64xi32, #tpu.memory_space<vmem>>
      %dma_start3A_701 = arith.constant 0 : i32
      %dma_start3A_702 = arith.constant 0 : i32
      %dma_start3A_703 = tpu.memref_slice %arg13[%dma_start3A_701, %dma_start3A_702] : memref<10000x72xf32, #tpu.memory_space<vmem_shared>> -> memref<10000x72xf32, #tpu.memory_space<vmem_shared>>
      tpu.enqueue_indirect_dma source(%dma_start3A_697 : memref<64x72xf32, #tpu.memory_space<vmem>>) target(%dma_start3A_703 : memref<10000x72xf32, #tpu.memory_space<vmem_shared>>) offsets(%dma_start3A_700 : memref<64xi32, #tpu.memory_space<vmem>>) semaphore(%arg24 : memref<!tpu.dma_semaphore, #tpu.memory_space<semaphore_mem>>) {add = true}
      %dma_wait3A_704 = arith.constant 6 : i32
      %dma_wait3A_705 = arith.constant 0 : i32
      %dma_wait3A_706 = arith.constant 0 : i32
      %dma_wait3A_707 = arith.constant 0 : i32
      %dma_wait3A_708 = tpu.memref_slice %arg11[%dma_wait3A_704, %dma_wait3A_706, %dma_wait3A_707] : memref<8x64x72xf32, #tpu.memory_space<vmem>> -> memref<1x64x72xf32, #tpu.memory_space<vmem>>
      %dma_wait3A_709 = tpu.memref_squeeze %dma_wait3A_708 : memref<1x64x72xf32, #tpu.memory_space<vmem>> -> memref<64x72xf32, #tpu.memory_space<vmem>>
      %dma_wait3A_710 = arith.constant 0 : i32
      %dma_wait3A_711 = tpu.memref_slice %arg7[%dma_wait3A_705, %dma_wait3A_710] : memref<2x512xi32, #tpu.memory_space<vmem>> -> memref<1x64xi32, #tpu.memory_space<vmem>>
      %dma_wait3A_712 = tpu.memref_squeeze %dma_wait3A_711 : memref<1x64xi32, #tpu.memory_space<vmem>> -> memref<64xi32, #tpu.memory_space<vmem>>
      %dma_wait3A_713 = arith.constant 0 : i32
      %dma_wait3A_714 = arith.constant 0 : i32
      %dma_wait3A_715 = tpu.memref_slice %arg13[%dma_wait3A_713, %dma_wait3A_714] : memref<10000x72xf32, #tpu.memory_space<vmem_shared>> -> memref<10000x72xf32, #tpu.memory_space<vmem_shared>>
      tpu.wait_indirect_dma semaphore(%arg29 : memref<!tpu.dma_semaphore, #tpu.memory_space<semaphore_mem>>) src(%dma_wait3A_709 : memref<64x72xf32, #tpu.memory_space<vmem>>) dst(%dma_wait3A_715 : memref<10000x72xf32, #tpu.memory_space<vmem_shared>>)
      %dma_start3A_716 = arith.constant 6 : i32
      %dma_start3A_717 = arith.constant 0 : i32
      %dma_start3A_718 = arith.constant 0 : i32
      %dma_start3A_719 = tpu.memref_slice %arg11[%dma_start3A_716, %dma_start3A_717, %dma_start3A_718] : memref<8x64x72xf32, #tpu.memory_space<vmem>> -> memref<1x64x72xf32, #tpu.memory_space<vmem>>
      %dma_start3A_720 = tpu.memref_squeeze %dma_start3A_719 : memref<1x64x72xf32, #tpu.memory_space<vmem>> -> memref<64x72xf32, #tpu.memory_space<vmem>>
      %dma_start3A_721 = arith.constant 448 : i32
      %dma_start3A_722 = tpu.memref_slice %arg7[%select_n3A_256, %dma_start3A_721] : memref<2x512xi32, #tpu.memory_space<vmem>> -> memref<1x64xi32, #tpu.memory_space<vmem>>
      %dma_start3A_723 = tpu.memref_squeeze %dma_start3A_722 : memref<1x64xi32, #tpu.memory_space<vmem>> -> memref<64xi32, #tpu.memory_space<vmem>>
      %dma_start3A_724 = arith.constant 0 : i32
      %dma_start3A_725 = arith.constant 0 : i32
      %dma_start3A_726 = tpu.memref_slice %arg12[%dma_start3A_724, %dma_start3A_725] : memref<10000x72xf32, #tpu.memory_space<vmem_shared>> -> memref<10000x72xf32, #tpu.memory_space<vmem_shared>>
      tpu.enqueue_indirect_dma source(%dma_start3A_726 : memref<10000x72xf32, #tpu.memory_space<vmem_shared>>) target(%dma_start3A_720 : memref<64x72xf32, #tpu.memory_space<vmem>>) offsets(%dma_start3A_723 : memref<64xi32, #tpu.memory_space<vmem>>) semaphore(%arg21 : memref<!tpu.dma_semaphore, #tpu.memory_space<semaphore_mem>>)
      %dma_wait3A_727 = arith.constant 2 : i32
      %dma_wait3A_728 = arith.constant 0 : i32
      %dma_wait3A_729 = arith.constant 0 : i32
      %dma_wait3A_730 = tpu.memref_slice %arg11[%dma_wait3A_727, %dma_wait3A_728, %dma_wait3A_729] : memref<8x64x72xf32, #tpu.memory_space<vmem>> -> memref<1x64x72xf32, #tpu.memory_space<vmem>>
      %dma_wait3A_731 = tpu.memref_squeeze %dma_wait3A_730 : memref<1x64x72xf32, #tpu.memory_space<vmem>> -> memref<64x72xf32, #tpu.memory_space<vmem>>
      %dma_wait3A_732 = arith.constant 320 : i32
      %dma_wait3A_733 = tpu.memref_slice %arg7[%select_n3A_256, %dma_wait3A_732] : memref<2x512xi32, #tpu.memory_space<vmem>> -> memref<1x64xi32, #tpu.memory_space<vmem>>
      %dma_wait3A_734 = tpu.memref_squeeze %dma_wait3A_733 : memref<1x64xi32, #tpu.memory_space<vmem>> -> memref<64xi32, #tpu.memory_space<vmem>>
      %dma_wait3A_735 = arith.constant 0 : i32
      %dma_wait3A_736 = arith.constant 0 : i32
      %dma_wait3A_737 = tpu.memref_slice %arg12[%dma_wait3A_735, %dma_wait3A_736] : memref<10000x72xf32, #tpu.memory_space<vmem_shared>> -> memref<10000x72xf32, #tpu.memory_space<vmem_shared>>
      tpu.wait_indirect_dma semaphore(%arg17 : memref<!tpu.dma_semaphore, #tpu.memory_space<semaphore_mem>>) src(%dma_wait3A_737 : memref<10000x72xf32, #tpu.memory_space<vmem_shared>>) dst(%dma_wait3A_731 : memref<64x72xf32, #tpu.memory_space<vmem>>)
      %dma_start3A_738 = arith.constant 2 : i32
      %dma_start3A_739 = arith.constant 0 : i32
      %dma_start3A_740 = arith.constant 0 : i32
      %dma_start3A_741 = tpu.memref_slice %arg11[%dma_start3A_738, %dma_start3A_739, %dma_start3A_740] : memref<8x64x72xf32, #tpu.memory_space<vmem>> -> memref<1x64x72xf32, #tpu.memory_space<vmem>>
      %dma_start3A_742 = tpu.memref_squeeze %dma_start3A_741 : memref<1x64x72xf32, #tpu.memory_space<vmem>> -> memref<64x72xf32, #tpu.memory_space<vmem>>
      %dma_start3A_743 = arith.constant 320 : i32
      %dma_start3A_744 = tpu.memref_slice %arg8[%select_n3A_256, %dma_start3A_743] : memref<2x512xi32, #tpu.memory_space<vmem>> -> memref<1x64xi32, #tpu.memory_space<vmem>>
      %dma_start3A_745 = tpu.memref_squeeze %dma_start3A_744 : memref<1x64xi32, #tpu.memory_space<vmem>> -> memref<64xi32, #tpu.memory_space<vmem>>
      %dma_start3A_746 = arith.constant 0 : i32
      %dma_start3A_747 = arith.constant 0 : i32
      %dma_start3A_748 = tpu.memref_slice %arg13[%dma_start3A_746, %dma_start3A_747] : memref<10000x72xf32, #tpu.memory_space<vmem_shared>> -> memref<10000x72xf32, #tpu.memory_space<vmem_shared>>
      tpu.enqueue_indirect_dma source(%dma_start3A_742 : memref<64x72xf32, #tpu.memory_space<vmem>>) target(%dma_start3A_748 : memref<10000x72xf32, #tpu.memory_space<vmem_shared>>) offsets(%dma_start3A_745 : memref<64xi32, #tpu.memory_space<vmem>>) semaphore(%arg25 : memref<!tpu.dma_semaphore, #tpu.memory_space<semaphore_mem>>) {add = true}
      %dma_wait3A_749 = arith.constant 7 : i32
      %dma_wait3A_750 = arith.constant 0 : i32
      %dma_wait3A_751 = arith.constant 0 : i32
      %dma_wait3A_752 = arith.constant 0 : i32
      %dma_wait3A_753 = tpu.memref_slice %arg11[%dma_wait3A_749, %dma_wait3A_751, %dma_wait3A_752] : memref<8x64x72xf32, #tpu.memory_space<vmem>> -> memref<1x64x72xf32, #tpu.memory_space<vmem>>
      %dma_wait3A_754 = tpu.memref_squeeze %dma_wait3A_753 : memref<1x64x72xf32, #tpu.memory_space<vmem>> -> memref<64x72xf32, #tpu.memory_space<vmem>>
      %dma_wait3A_755 = arith.constant 0 : i32
      %dma_wait3A_756 = tpu.memref_slice %arg7[%dma_wait3A_750, %dma_wait3A_755] : memref<2x512xi32, #tpu.memory_space<vmem>> -> memref<1x64xi32, #tpu.memory_space<vmem>>
      %dma_wait3A_757 = tpu.memref_squeeze %dma_wait3A_756 : memref<1x64xi32, #tpu.memory_space<vmem>> -> memref<64xi32, #tpu.memory_space<vmem>>
      %dma_wait3A_758 = arith.constant 0 : i32
      %dma_wait3A_759 = arith.constant 0 : i32
      %dma_wait3A_760 = tpu.memref_slice %arg13[%dma_wait3A_758, %dma_wait3A_759] : memref<10000x72xf32, #tpu.memory_space<vmem_shared>> -> memref<10000x72xf32, #tpu.memory_space<vmem_shared>>
      tpu.wait_indirect_dma semaphore(%arg30 : memref<!tpu.dma_semaphore, #tpu.memory_space<semaphore_mem>>) src(%dma_wait3A_754 : memref<64x72xf32, #tpu.memory_space<vmem>>) dst(%dma_wait3A_760 : memref<10000x72xf32, #tpu.memory_space<vmem_shared>>)
      %dma_start3A_761 = arith.constant 7 : i32
      %dma_start3A_762 = arith.constant 0 : i32
      %dma_start3A_763 = arith.constant 0 : i32
      %dma_start3A_764 = tpu.memref_slice %arg11[%dma_start3A_761, %dma_start3A_762, %dma_start3A_763] : memref<8x64x72xf32, #tpu.memory_space<vmem>> -> memref<1x64x72xf32, #tpu.memory_space<vmem>>
      %dma_start3A_765 = tpu.memref_squeeze %dma_start3A_764 : memref<1x64x72xf32, #tpu.memory_space<vmem>> -> memref<64x72xf32, #tpu.memory_space<vmem>>
      %dma_start3A_766 = arith.constant 448 : i32
      %dma_start3A_767 = tpu.memref_slice %arg8[%select_n3A_256, %dma_start3A_766] : memref<2x512xi32, #tpu.memory_space<vmem>> -> memref<1x64xi32, #tpu.memory_space<vmem>>
      %dma_start3A_768 = tpu.memref_squeeze %dma_start3A_767 : memref<1x64xi32, #tpu.memory_space<vmem>> -> memref<64xi32, #tpu.memory_space<vmem>>
      %dma_start3A_769 = arith.constant 0 : i32
      %dma_start3A_770 = arith.constant 0 : i32
      %dma_start3A_771 = tpu.memref_slice %arg12[%dma_start3A_769, %dma_start3A_770] : memref<10000x72xf32, #tpu.memory_space<vmem_shared>> -> memref<10000x72xf32, #tpu.memory_space<vmem_shared>>
      tpu.enqueue_indirect_dma source(%dma_start3A_771 : memref<10000x72xf32, #tpu.memory_space<vmem_shared>>) target(%dma_start3A_765 : memref<64x72xf32, #tpu.memory_space<vmem>>) offsets(%dma_start3A_768 : memref<64xi32, #tpu.memory_space<vmem>>) semaphore(%arg22 : memref<!tpu.dma_semaphore, #tpu.memory_space<semaphore_mem>>)
      %dma_wait3A_772 = arith.constant 3 : i32
      %dma_wait3A_773 = arith.constant 0 : i32
      %dma_wait3A_774 = arith.constant 0 : i32
      %dma_wait3A_775 = tpu.memref_slice %arg11[%dma_wait3A_772, %dma_wait3A_773, %dma_wait3A_774] : memref<8x64x72xf32, #tpu.memory_space<vmem>> -> memref<1x64x72xf32, #tpu.memory_space<vmem>>
      %dma_wait3A_776 = tpu.memref_squeeze %dma_wait3A_775 : memref<1x64x72xf32, #tpu.memory_space<vmem>> -> memref<64x72xf32, #tpu.memory_space<vmem>>
      %dma_wait3A_777 = arith.constant 320 : i32
      %dma_wait3A_778 = tpu.memref_slice %arg8[%select_n3A_256, %dma_wait3A_777] : memref<2x512xi32, #tpu.memory_space<vmem>> -> memref<1x64xi32, #tpu.memory_space<vmem>>
      %dma_wait3A_779 = tpu.memref_squeeze %dma_wait3A_778 : memref<1x64xi32, #tpu.memory_space<vmem>> -> memref<64xi32, #tpu.memory_space<vmem>>
      %dma_wait3A_780 = arith.constant 0 : i32
      %dma_wait3A_781 = arith.constant 0 : i32
      %dma_wait3A_782 = tpu.memref_slice %arg12[%dma_wait3A_780, %dma_wait3A_781] : memref<10000x72xf32, #tpu.memory_space<vmem_shared>> -> memref<10000x72xf32, #tpu.memory_space<vmem_shared>>
      tpu.wait_indirect_dma semaphore(%arg18 : memref<!tpu.dma_semaphore, #tpu.memory_space<semaphore_mem>>) src(%dma_wait3A_782 : memref<10000x72xf32, #tpu.memory_space<vmem_shared>>) dst(%dma_wait3A_776 : memref<64x72xf32, #tpu.memory_space<vmem>>)
      %dma_start3A_783 = arith.constant 3 : i32
      %dma_start3A_784 = arith.constant 0 : i32
      %dma_start3A_785 = arith.constant 0 : i32
      %dma_start3A_786 = tpu.memref_slice %arg11[%dma_start3A_783, %dma_start3A_784, %dma_start3A_785] : memref<8x64x72xf32, #tpu.memory_space<vmem>> -> memref<1x64x72xf32, #tpu.memory_space<vmem>>
      %dma_start3A_787 = tpu.memref_squeeze %dma_start3A_786 : memref<1x64x72xf32, #tpu.memory_space<vmem>> -> memref<64x72xf32, #tpu.memory_space<vmem>>
      %dma_start3A_788 = arith.constant 320 : i32
      %dma_start3A_789 = tpu.memref_slice %arg7[%select_n3A_256, %dma_start3A_788] : memref<2x512xi32, #tpu.memory_space<vmem>> -> memref<1x64xi32, #tpu.memory_space<vmem>>
      %dma_start3A_790 = tpu.memref_squeeze %dma_start3A_789 : memref<1x64xi32, #tpu.memory_space<vmem>> -> memref<64xi32, #tpu.memory_space<vmem>>
      %dma_start3A_791 = arith.constant 0 : i32
      %dma_start3A_792 = arith.constant 0 : i32
      %dma_start3A_793 = tpu.memref_slice %arg13[%dma_start3A_791, %dma_start3A_792] : memref<10000x72xf32, #tpu.memory_space<vmem_shared>> -> memref<10000x72xf32, #tpu.memory_space<vmem_shared>>
      tpu.enqueue_indirect_dma source(%dma_start3A_787 : memref<64x72xf32, #tpu.memory_space<vmem>>) target(%dma_start3A_793 : memref<10000x72xf32, #tpu.memory_space<vmem_shared>>) offsets(%dma_start3A_790 : memref<64xi32, #tpu.memory_space<vmem>>) semaphore(%arg26 : memref<!tpu.dma_semaphore, #tpu.memory_space<semaphore_mem>>) {add = true}
      %dma_wait3A_794 = arith.constant 0 : i32
      %dma_wait3A_795 = arith.constant 0 : i32
      %dma_wait3A_796 = arith.constant 0 : i32
      %dma_wait3A_797 = arith.constant 0 : i32
      %dma_wait3A_798 = tpu.memref_slice %arg11[%dma_wait3A_794, %dma_wait3A_796, %dma_wait3A_797] : memref<8x64x72xf32, #tpu.memory_space<vmem>> -> memref<1x64x72xf32, #tpu.memory_space<vmem>>
      %dma_wait3A_799 = tpu.memref_squeeze %dma_wait3A_798 : memref<1x64x72xf32, #tpu.memory_space<vmem>> -> memref<64x72xf32, #tpu.memory_space<vmem>>
      %dma_wait3A_800 = arith.constant 0 : i32
      %dma_wait3A_801 = tpu.memref_slice %arg7[%dma_wait3A_795, %dma_wait3A_800] : memref<2x512xi32, #tpu.memory_space<vmem>> -> memref<1x64xi32, #tpu.memory_space<vmem>>
      %dma_wait3A_802 = tpu.memref_squeeze %dma_wait3A_801 : memref<1x64xi32, #tpu.memory_space<vmem>> -> memref<64xi32, #tpu.memory_space<vmem>>
      %dma_wait3A_803 = arith.constant 0 : i32
      %dma_wait3A_804 = arith.constant 0 : i32
      %dma_wait3A_805 = tpu.memref_slice %arg13[%dma_wait3A_803, %dma_wait3A_804] : memref<10000x72xf32, #tpu.memory_space<vmem_shared>> -> memref<10000x72xf32, #tpu.memory_space<vmem_shared>>
      tpu.wait_indirect_dma semaphore(%arg23 : memref<!tpu.dma_semaphore, #tpu.memory_space<semaphore_mem>>) src(%dma_wait3A_799 : memref<64x72xf32, #tpu.memory_space<vmem>>) dst(%dma_wait3A_805 : memref<10000x72xf32, #tpu.memory_space<vmem_shared>>)
      %add3A_806 = arith.constant 1 : i32
      %add3A_807 = arith.addi %scan3A_247, %add3A_806 : i32
      %lt3A_808 = arith.constant 39 : i32
      %lt3A_809 = arith.cmpi slt, %add3A_807, %lt3A_808 : i32
      %convert_element_type3A_810 = arith.extui %lt3A_809 : i1 to i32
      %cond3A_811 = arith.constant 0 : i32
      %cond3A_812 = arith.cmpi ne, %convert_element_type3A_810, %cond3A_811 : i32
      scf.if %cond3A_812 {
        %dma_wait3A_965 = arith.constant 0 : i32
        %dma_wait3A_966 = arith.constant 0 : i32
        %dma_wait3A_967 = arith.constant 0 : i32
        %dma_wait3A_968 = tpu.memref_slice %arg7[%dma_wait3A_966, %dma_wait3A_967] : memref<2x512xi32, #tpu.memory_space<vmem>> -> memref<1x512xi32, #tpu.memory_space<vmem>>
        %dma_wait3A_969 = tpu.memref_squeeze %dma_wait3A_968 : memref<1x512xi32, #tpu.memory_space<vmem>> -> memref<512xi32, #tpu.memory_space<vmem>>
        %dma_wait3A_970 = arith.constant 0 : i32
        %dma_wait3A_971 = tpu.memref_slice %arg3[%dma_wait3A_965, %dma_wait3A_970] : memref<2x320000xi32, #tpu.memory_space<hbm>> -> memref<1x512xi32, #tpu.memory_space<hbm>>
        %dma_wait3A_972 = tpu.memref_squeeze %dma_wait3A_971 : memref<1x512xi32, #tpu.memory_space<hbm>> -> memref<512xi32, #tpu.memory_space<hbm>>
        %dma_wait3A_973 = arith.constant 0 : i32
        %dma_wait3A_974 = tpu.memref_slice %arg7[%dma_wait3A_966, %dma_wait3A_973] : memref<2x512xi32, #tpu.memory_space<vmem>> -> memref<1x512xi32, #tpu.memory_space<vmem>>
        %dma_wait3A_975 = tpu.memref_squeeze %dma_wait3A_974 : memref<1x512xi32, #tpu.memory_space<vmem>> -> memref<512xi32, #tpu.memory_space<vmem>>
        %dma_wait3A_976 = arith.constant 0 : i32
        %dma_wait3A_977 = tpu.memref_slice %arg3[%dma_wait3A_965, %dma_wait3A_976] : memref<2x320000xi32, #tpu.memory_space<hbm>> -> memref<1x512xi32, #tpu.memory_space<hbm>>
        %dma_wait3A_978 = tpu.memref_squeeze %dma_wait3A_977 : memref<1x512xi32, #tpu.memory_space<hbm>> -> memref<512xi32, #tpu.memory_space<hbm>>
        tpu.wait_dma2 semaphore(%arg14 : memref<!tpu.dma_semaphore, #tpu.memory_space<semaphore_mem>>) src(%dma_wait3A_978 : memref<512xi32, #tpu.memory_space<hbm>>) dst(%dma_wait3A_975 : memref<512xi32, #tpu.memory_space<vmem>>)
        %dma_wait3A_979 = arith.constant 1 : i32
        %dma_wait3A_980 = arith.constant 0 : i32
        %dma_wait3A_981 = arith.constant 0 : i32
        %dma_wait3A_982 = tpu.memref_slice %arg8[%dma_wait3A_980, %dma_wait3A_981] : memref<2x512xi32, #tpu.memory_space<vmem>> -> memref<1x512xi32, #tpu.memory_space<vmem>>
        %dma_wait3A_983 = tpu.memref_squeeze %dma_wait3A_982 : memref<1x512xi32, #tpu.memory_space<vmem>> -> memref<512xi32, #tpu.memory_space<vmem>>
        %dma_wait3A_984 = arith.constant 0 : i32
        %dma_wait3A_985 = tpu.memref_slice %arg3[%dma_wait3A_979, %dma_wait3A_984] : memref<2x320000xi32, #tpu.memory_space<hbm>> -> memref<1x512xi32, #tpu.memory_space<hbm>>
        %dma_wait3A_986 = tpu.memref_squeeze %dma_wait3A_985 : memref<1x512xi32, #tpu.memory_space<hbm>> -> memref<512xi32, #tpu.memory_space<hbm>>
        %dma_wait3A_987 = arith.constant 0 : i32
        %dma_wait3A_988 = tpu.memref_slice %arg8[%dma_wait3A_980, %dma_wait3A_987] : memref<2x512xi32, #tpu.memory_space<vmem>> -> memref<1x512xi32, #tpu.memory_space<vmem>>
        %dma_wait3A_989 = tpu.memref_squeeze %dma_wait3A_988 : memref<1x512xi32, #tpu.memory_space<vmem>> -> memref<512xi32, #tpu.memory_space<vmem>>
        %dma_wait3A_990 = arith.constant 0 : i32
        %dma_wait3A_991 = tpu.memref_slice %arg3[%dma_wait3A_979, %dma_wait3A_990] : memref<2x320000xi32, #tpu.memory_space<hbm>> -> memref<1x512xi32, #tpu.memory_space<hbm>>
        %dma_wait3A_992 = tpu.memref_squeeze %dma_wait3A_991 : memref<1x512xi32, #tpu.memory_space<hbm>> -> memref<512xi32, #tpu.memory_space<hbm>>
        tpu.wait_dma2 semaphore(%arg14 : memref<!tpu.dma_semaphore, #tpu.memory_space<semaphore_mem>>) src(%dma_wait3A_992 : memref<512xi32, #tpu.memory_space<hbm>>) dst(%dma_wait3A_989 : memref<512xi32, #tpu.memory_space<vmem>>)
      } else {
      }
      %add3A_813 = arith.constant 1 : i32
      %add3A_814 = arith.addi %scan3A_247, %add3A_813 : i32
      %lt3A_815 = arith.constant 39 : i32
      %lt3A_816 = arith.cmpi slt, %add3A_814, %lt3A_815 : i32
      %convert_element_type3A_817 = arith.extui %lt3A_816 : i1 to i32
      %cond3A_818 = arith.constant 0 : i32
      %cond3A_819 = arith.cmpi ne, %convert_element_type3A_817, %cond3A_818 : i32
      scf.if %cond3A_819 {
        %dma_start3A_965 = arith.constant 0 : i32
        %dma_start3A_966 = arith.constant 0 : i32
        %dma_start3A_967 = arith.constant 0 : i32
        %dma_start3A_968 = tpu.memref_slice %arg11[%dma_start3A_965, %dma_start3A_966, %dma_start3A_967] : memref<8x64x72xf32, #tpu.memory_space<vmem>> -> memref<1x64x72xf32, #tpu.memory_space<vmem>>
        %dma_start3A_969 = tpu.memref_squeeze %dma_start3A_968 : memref<1x64x72xf32, #tpu.memory_space<vmem>> -> memref<64x72xf32, #tpu.memory_space<vmem>>
        %dma_start3A_970 = arith.constant 0 : i32
        %dma_start3A_971 = tpu.memref_slice %arg7[%select_n3A_274, %dma_start3A_970] : memref<2x512xi32, #tpu.memory_space<vmem>> -> memref<1x64xi32, #tpu.memory_space<vmem>>
        %dma_start3A_972 = tpu.memref_squeeze %dma_start3A_971 : memref<1x64xi32, #tpu.memory_space<vmem>> -> memref<64xi32, #tpu.memory_space<vmem>>
        %dma_start3A_973 = arith.constant 0 : i32
        %dma_start3A_974 = arith.constant 0 : i32
        %dma_start3A_975 = tpu.memref_slice %arg12[%dma_start3A_973, %dma_start3A_974] : memref<10000x72xf32, #tpu.memory_space<vmem_shared>> -> memref<10000x72xf32, #tpu.memory_space<vmem_shared>>
        tpu.enqueue_indirect_dma source(%dma_start3A_975 : memref<10000x72xf32, #tpu.memory_space<vmem_shared>>) target(%dma_start3A_969 : memref<64x72xf32, #tpu.memory_space<vmem>>) offsets(%dma_start3A_972 : memref<64xi32, #tpu.memory_space<vmem>>) semaphore(%arg15 : memref<!tpu.dma_semaphore, #tpu.memory_space<semaphore_mem>>)
      } else {
      }
      %dma_wait3A_820 = arith.constant 4 : i32
      %dma_wait3A_821 = arith.constant 0 : i32
      %dma_wait3A_822 = arith.constant 0 : i32
      %dma_wait3A_823 = tpu.memref_slice %arg11[%dma_wait3A_820, %dma_wait3A_821, %dma_wait3A_822] : memref<8x64x72xf32, #tpu.memory_space<vmem>> -> memref<1x64x72xf32, #tpu.memory_space<vmem>>
      %dma_wait3A_824 = tpu.memref_squeeze %dma_wait3A_823 : memref<1x64x72xf32, #tpu.memory_space<vmem>> -> memref<64x72xf32, #tpu.memory_space<vmem>>
      %dma_wait3A_825 = arith.constant 384 : i32
      %dma_wait3A_826 = tpu.memref_slice %arg7[%select_n3A_256, %dma_wait3A_825] : memref<2x512xi32, #tpu.memory_space<vmem>> -> memref<1x64xi32, #tpu.memory_space<vmem>>
      %dma_wait3A_827 = tpu.memref_squeeze %dma_wait3A_826 : memref<1x64xi32, #tpu.memory_space<vmem>> -> memref<64xi32, #tpu.memory_space<vmem>>
      %dma_wait3A_828 = arith.constant 0 : i32
      %dma_wait3A_829 = arith.constant 0 : i32
      %dma_wait3A_830 = tpu.memref_slice %arg12[%dma_wait3A_828, %dma_wait3A_829] : memref<10000x72xf32, #tpu.memory_space<vmem_shared>> -> memref<10000x72xf32, #tpu.memory_space<vmem_shared>>
      tpu.wait_indirect_dma semaphore(%arg19 : memref<!tpu.dma_semaphore, #tpu.memory_space<semaphore_mem>>) src(%dma_wait3A_830 : memref<10000x72xf32, #tpu.memory_space<vmem_shared>>) dst(%dma_wait3A_824 : memref<64x72xf32, #tpu.memory_space<vmem>>)
      %dma_start3A_831 = arith.constant 4 : i32
      %dma_start3A_832 = arith.constant 0 : i32
      %dma_start3A_833 = arith.constant 0 : i32
      %dma_start3A_834 = tpu.memref_slice %arg11[%dma_start3A_831, %dma_start3A_832, %dma_start3A_833] : memref<8x64x72xf32, #tpu.memory_space<vmem>> -> memref<1x64x72xf32, #tpu.memory_space<vmem>>
      %dma_start3A_835 = tpu.memref_squeeze %dma_start3A_834 : memref<1x64x72xf32, #tpu.memory_space<vmem>> -> memref<64x72xf32, #tpu.memory_space<vmem>>
      %dma_start3A_836 = arith.constant 384 : i32
      %dma_start3A_837 = tpu.memref_slice %arg8[%select_n3A_256, %dma_start3A_836] : memref<2x512xi32, #tpu.memory_space<vmem>> -> memref<1x64xi32, #tpu.memory_space<vmem>>
      %dma_start3A_838 = tpu.memref_squeeze %dma_start3A_837 : memref<1x64xi32, #tpu.memory_space<vmem>> -> memref<64xi32, #tpu.memory_space<vmem>>
      %dma_start3A_839 = arith.constant 0 : i32
      %dma_start3A_840 = arith.constant 0 : i32
      %dma_start3A_841 = tpu.memref_slice %arg13[%dma_start3A_839, %dma_start3A_840] : memref<10000x72xf32, #tpu.memory_space<vmem_shared>> -> memref<10000x72xf32, #tpu.memory_space<vmem_shared>>
      tpu.enqueue_indirect_dma source(%dma_start3A_835 : memref<64x72xf32, #tpu.memory_space<vmem>>) target(%dma_start3A_841 : memref<10000x72xf32, #tpu.memory_space<vmem_shared>>) offsets(%dma_start3A_838 : memref<64xi32, #tpu.memory_space<vmem>>) semaphore(%arg27 : memref<!tpu.dma_semaphore, #tpu.memory_space<semaphore_mem>>) {add = true}
      %dma_wait3A_842 = arith.constant 1 : i32
      %dma_wait3A_843 = arith.constant 0 : i32
      %dma_wait3A_844 = arith.constant 0 : i32
      %dma_wait3A_845 = arith.constant 0 : i32
      %dma_wait3A_846 = tpu.memref_slice %arg11[%dma_wait3A_842, %dma_wait3A_844, %dma_wait3A_845] : memref<8x64x72xf32, #tpu.memory_space<vmem>> -> memref<1x64x72xf32, #tpu.memory_space<vmem>>
      %dma_wait3A_847 = tpu.memref_squeeze %dma_wait3A_846 : memref<1x64x72xf32, #tpu.memory_space<vmem>> -> memref<64x72xf32, #tpu.memory_space<vmem>>
      %dma_wait3A_848 = arith.constant 0 : i32
      %dma_wait3A_849 = tpu.memref_slice %arg7[%dma_wait3A_843, %dma_wait3A_848] : memref<2x512xi32, #tpu.memory_space<vmem>> -> memref<1x64xi32, #tpu.memory_space<vmem>>
      %dma_wait3A_850 = tpu.memref_squeeze %dma_wait3A_849 : memref<1x64xi32, #tpu.memory_space<vmem>> -> memref<64xi32, #tpu.memory_space<vmem>>
      %dma_wait3A_851 = arith.constant 0 : i32
      %dma_wait3A_852 = arith.constant 0 : i32
      %dma_wait3A_853 = tpu.memref_slice %arg13[%dma_wait3A_851, %dma_wait3A_852] : memref<10000x72xf32, #tpu.memory_space<vmem_shared>> -> memref<10000x72xf32, #tpu.memory_space<vmem_shared>>
      tpu.wait_indirect_dma semaphore(%arg24 : memref<!tpu.dma_semaphore, #tpu.memory_space<semaphore_mem>>) src(%dma_wait3A_847 : memref<64x72xf32, #tpu.memory_space<vmem>>) dst(%dma_wait3A_853 : memref<10000x72xf32, #tpu.memory_space<vmem_shared>>)
      %add3A_854 = arith.constant 1 : i32
      %add3A_855 = arith.addi %scan3A_247, %add3A_854 : i32
      %lt3A_856 = arith.constant 39 : i32
      %lt3A_857 = arith.cmpi slt, %add3A_855, %lt3A_856 : i32
      %convert_element_type3A_858 = arith.extui %lt3A_857 : i1 to i32
      %cond3A_859 = arith.constant 0 : i32
      %cond3A_860 = arith.cmpi ne, %convert_element_type3A_858, %cond3A_859 : i32
      scf.if %cond3A_860 {
        %dma_start3A_965 = arith.constant 1 : i32
        %dma_start3A_966 = arith.constant 0 : i32
        %dma_start3A_967 = arith.constant 0 : i32
        %dma_start3A_968 = tpu.memref_slice %arg11[%dma_start3A_965, %dma_start3A_966, %dma_start3A_967] : memref<8x64x72xf32, #tpu.memory_space<vmem>> -> memref<1x64x72xf32, #tpu.memory_space<vmem>>
        %dma_start3A_969 = tpu.memref_squeeze %dma_start3A_968 : memref<1x64x72xf32, #tpu.memory_space<vmem>> -> memref<64x72xf32, #tpu.memory_space<vmem>>
        %dma_start3A_970 = arith.constant 0 : i32
        %dma_start3A_971 = tpu.memref_slice %arg8[%select_n3A_274, %dma_start3A_970] : memref<2x512xi32, #tpu.memory_space<vmem>> -> memref<1x64xi32, #tpu.memory_space<vmem>>
        %dma_start3A_972 = tpu.memref_squeeze %dma_start3A_971 : memref<1x64xi32, #tpu.memory_space<vmem>> -> memref<64xi32, #tpu.memory_space<vmem>>
        %dma_start3A_973 = arith.constant 0 : i32
        %dma_start3A_974 = arith.constant 0 : i32
        %dma_start3A_975 = tpu.memref_slice %arg12[%dma_start3A_973, %dma_start3A_974] : memref<10000x72xf32, #tpu.memory_space<vmem_shared>> -> memref<10000x72xf32, #tpu.memory_space<vmem_shared>>
        tpu.enqueue_indirect_dma source(%dma_start3A_975 : memref<10000x72xf32, #tpu.memory_space<vmem_shared>>) target(%dma_start3A_969 : memref<64x72xf32, #tpu.memory_space<vmem>>) offsets(%dma_start3A_972 : memref<64xi32, #tpu.memory_space<vmem>>) semaphore(%arg16 : memref<!tpu.dma_semaphore, #tpu.memory_space<semaphore_mem>>)
      } else {
      }
      %dma_wait3A_861 = arith.constant 5 : i32
      %dma_wait3A_862 = arith.constant 0 : i32
      %dma_wait3A_863 = arith.constant 0 : i32
      %dma_wait3A_864 = tpu.memref_slice %arg11[%dma_wait3A_861, %dma_wait3A_862, %dma_wait3A_863] : memref<8x64x72xf32, #tpu.memory_space<vmem>> -> memref<1x64x72xf32, #tpu.memory_space<vmem>>
      %dma_wait3A_865 = tpu.memref_squeeze %dma_wait3A_864 : memref<1x64x72xf32, #tpu.memory_space<vmem>> -> memref<64x72xf32, #tpu.memory_space<vmem>>
      %dma_wait3A_866 = arith.constant 384 : i32
      %dma_wait3A_867 = tpu.memref_slice %arg8[%select_n3A_256, %dma_wait3A_866] : memref<2x512xi32, #tpu.memory_space<vmem>> -> memref<1x64xi32, #tpu.memory_space<vmem>>
      %dma_wait3A_868 = tpu.memref_squeeze %dma_wait3A_867 : memref<1x64xi32, #tpu.memory_space<vmem>> -> memref<64xi32, #tpu.memory_space<vmem>>
      %dma_wait3A_869 = arith.constant 0 : i32
      %dma_wait3A_870 = arith.constant 0 : i32
      %dma_wait3A_871 = tpu.memref_slice %arg12[%dma_wait3A_869, %dma_wait3A_870] : memref<10000x72xf32, #tpu.memory_space<vmem_shared>> -> memref<10000x72xf32, #tpu.memory_space<vmem_shared>>
      tpu.wait_indirect_dma semaphore(%arg20 : memref<!tpu.dma_semaphore, #tpu.memory_space<semaphore_mem>>) src(%dma_wait3A_871 : memref<10000x72xf32, #tpu.memory_space<vmem_shared>>) dst(%dma_wait3A_865 : memref<64x72xf32, #tpu.memory_space<vmem>>)
      %dma_start3A_872 = arith.constant 5 : i32
      %dma_start3A_873 = arith.constant 0 : i32
      %dma_start3A_874 = arith.constant 0 : i32
      %dma_start3A_875 = tpu.memref_slice %arg11[%dma_start3A_872, %dma_start3A_873, %dma_start3A_874] : memref<8x64x72xf32, #tpu.memory_space<vmem>> -> memref<1x64x72xf32, #tpu.memory_space<vmem>>
      %dma_start3A_876 = tpu.memref_squeeze %dma_start3A_875 : memref<1x64x72xf32, #tpu.memory_space<vmem>> -> memref<64x72xf32, #tpu.memory_space<vmem>>
      %dma_start3A_877 = arith.constant 384 : i32
      %dma_start3A_878 = tpu.memref_slice %arg7[%select_n3A_256, %dma_start3A_877] : memref<2x512xi32, #tpu.memory_space<vmem>> -> memref<1x64xi32, #tpu.memory_space<vmem>>
      %dma_start3A_879 = tpu.memref_squeeze %dma_start3A_878 : memref<1x64xi32, #tpu.memory_space<vmem>> -> memref<64xi32, #tpu.memory_space<vmem>>
      %dma_start3A_880 = arith.constant 0 : i32
      %dma_start3A_881 = arith.constant 0 : i32
      %dma_start3A_882 = tpu.memref_slice %arg13[%dma_start3A_880, %dma_start3A_881] : memref<10000x72xf32, #tpu.memory_space<vmem_shared>> -> memref<10000x72xf32, #tpu.memory_space<vmem_shared>>
      tpu.enqueue_indirect_dma source(%dma_start3A_876 : memref<64x72xf32, #tpu.memory_space<vmem>>) target(%dma_start3A_882 : memref<10000x72xf32, #tpu.memory_space<vmem_shared>>) offsets(%dma_start3A_879 : memref<64xi32, #tpu.memory_space<vmem>>) semaphore(%arg28 : memref<!tpu.dma_semaphore, #tpu.memory_space<semaphore_mem>>) {add = true}
      %dma_wait3A_883 = arith.constant 2 : i32
      %dma_wait3A_884 = arith.constant 0 : i32
      %dma_wait3A_885 = arith.constant 0 : i32
      %dma_wait3A_886 = arith.constant 0 : i32
      %dma_wait3A_887 = tpu.memref_slice %arg11[%dma_wait3A_883, %dma_wait3A_885, %dma_wait3A_886] : memref<8x64x72xf32, #tpu.memory_space<vmem>> -> memref<1x64x72xf32, #tpu.memory_space<vmem>>
      %dma_wait3A_888 = tpu.memref_squeeze %dma_wait3A_887 : memref<1x64x72xf32, #tpu.memory_space<vmem>> -> memref<64x72xf32, #tpu.memory_space<vmem>>
      %dma_wait3A_889 = arith.constant 0 : i32
      %dma_wait3A_890 = tpu.memref_slice %arg7[%dma_wait3A_884, %dma_wait3A_889] : memref<2x512xi32, #tpu.memory_space<vmem>> -> memref<1x64xi32, #tpu.memory_space<vmem>>
      %dma_wait3A_891 = tpu.memref_squeeze %dma_wait3A_890 : memref<1x64xi32, #tpu.memory_space<vmem>> -> memref<64xi32, #tpu.memory_space<vmem>>
      %dma_wait3A_892 = arith.constant 0 : i32
      %dma_wait3A_893 = arith.constant 0 : i32
      %dma_wait3A_894 = tpu.memref_slice %arg13[%dma_wait3A_892, %dma_wait3A_893] : memref<10000x72xf32, #tpu.memory_space<vmem_shared>> -> memref<10000x72xf32, #tpu.memory_space<vmem_shared>>
      tpu.wait_indirect_dma semaphore(%arg25 : memref<!tpu.dma_semaphore, #tpu.memory_space<semaphore_mem>>) src(%dma_wait3A_888 : memref<64x72xf32, #tpu.memory_space<vmem>>) dst(%dma_wait3A_894 : memref<10000x72xf32, #tpu.memory_space<vmem_shared>>)
      %add3A_895 = arith.constant 1 : i32
      %add3A_896 = arith.addi %scan3A_247, %add3A_895 : i32
      %lt3A_897 = arith.constant 39 : i32
      %lt3A_898 = arith.cmpi slt, %add3A_896, %lt3A_897 : i32
      %convert_element_type3A_899 = arith.extui %lt3A_898 : i1 to i32
      %cond3A_900 = arith.constant 0 : i32
      %cond3A_901 = arith.cmpi ne, %convert_element_type3A_899, %cond3A_900 : i32
      scf.if %cond3A_901 {
        %dma_start3A_965 = arith.constant 2 : i32
        %dma_start3A_966 = arith.constant 0 : i32
        %dma_start3A_967 = arith.constant 0 : i32
        %dma_start3A_968 = tpu.memref_slice %arg11[%dma_start3A_965, %dma_start3A_966, %dma_start3A_967] : memref<8x64x72xf32, #tpu.memory_space<vmem>> -> memref<1x64x72xf32, #tpu.memory_space<vmem>>
        %dma_start3A_969 = tpu.memref_squeeze %dma_start3A_968 : memref<1x64x72xf32, #tpu.memory_space<vmem>> -> memref<64x72xf32, #tpu.memory_space<vmem>>
        %dma_start3A_970 = arith.constant 64 : i32
        %dma_start3A_971 = tpu.memref_slice %arg7[%select_n3A_274, %dma_start3A_970] : memref<2x512xi32, #tpu.memory_space<vmem>> -> memref<1x64xi32, #tpu.memory_space<vmem>>
        %dma_start3A_972 = tpu.memref_squeeze %dma_start3A_971 : memref<1x64xi32, #tpu.memory_space<vmem>> -> memref<64xi32, #tpu.memory_space<vmem>>
        %dma_start3A_973 = arith.constant 0 : i32
        %dma_start3A_974 = arith.constant 0 : i32
        %dma_start3A_975 = tpu.memref_slice %arg12[%dma_start3A_973, %dma_start3A_974] : memref<10000x72xf32, #tpu.memory_space<vmem_shared>> -> memref<10000x72xf32, #tpu.memory_space<vmem_shared>>
        tpu.enqueue_indirect_dma source(%dma_start3A_975 : memref<10000x72xf32, #tpu.memory_space<vmem_shared>>) target(%dma_start3A_969 : memref<64x72xf32, #tpu.memory_space<vmem>>) offsets(%dma_start3A_972 : memref<64xi32, #tpu.memory_space<vmem>>) semaphore(%arg17 : memref<!tpu.dma_semaphore, #tpu.memory_space<semaphore_mem>>)
      } else {
      }
      %dma_wait3A_902 = arith.constant 6 : i32
      %dma_wait3A_903 = arith.constant 0 : i32
      %dma_wait3A_904 = arith.constant 0 : i32
      %dma_wait3A_905 = tpu.memref_slice %arg11[%dma_wait3A_902, %dma_wait3A_903, %dma_wait3A_904] : memref<8x64x72xf32, #tpu.memory_space<vmem>> -> memref<1x64x72xf32, #tpu.memory_space<vmem>>
      %dma_wait3A_906 = tpu.memref_squeeze %dma_wait3A_905 : memref<1x64x72xf32, #tpu.memory_space<vmem>> -> memref<64x72xf32, #tpu.memory_space<vmem>>
      %dma_wait3A_907 = arith.constant 448 : i32
      %dma_wait3A_908 = tpu.memref_slice %arg7[%select_n3A_256, %dma_wait3A_907] : memref<2x512xi32, #tpu.memory_space<vmem>> -> memref<1x64xi32, #tpu.memory_space<vmem>>
      %dma_wait3A_909 = tpu.memref_squeeze %dma_wait3A_908 : memref<1x64xi32, #tpu.memory_space<vmem>> -> memref<64xi32, #tpu.memory_space<vmem>>
      %dma_wait3A_910 = arith.constant 0 : i32
      %dma_wait3A_911 = arith.constant 0 : i32
      %dma_wait3A_912 = tpu.memref_slice %arg12[%dma_wait3A_910, %dma_wait3A_911] : memref<10000x72xf32, #tpu.memory_space<vmem_shared>> -> memref<10000x72xf32, #tpu.memory_space<vmem_shared>>
      tpu.wait_indirect_dma semaphore(%arg21 : memref<!tpu.dma_semaphore, #tpu.memory_space<semaphore_mem>>) src(%dma_wait3A_912 : memref<10000x72xf32, #tpu.memory_space<vmem_shared>>) dst(%dma_wait3A_906 : memref<64x72xf32, #tpu.memory_space<vmem>>)
      %dma_start3A_913 = arith.constant 6 : i32
      %dma_start3A_914 = arith.constant 0 : i32
      %dma_start3A_915 = arith.constant 0 : i32
      %dma_start3A_916 = tpu.memref_slice %arg11[%dma_start3A_913, %dma_start3A_914, %dma_start3A_915] : memref<8x64x72xf32, #tpu.memory_space<vmem>> -> memref<1x64x72xf32, #tpu.memory_space<vmem>>
      %dma_start3A_917 = tpu.memref_squeeze %dma_start3A_916 : memref<1x64x72xf32, #tpu.memory_space<vmem>> -> memref<64x72xf32, #tpu.memory_space<vmem>>
      %dma_start3A_918 = arith.constant 448 : i32
      %dma_start3A_919 = tpu.memref_slice %arg8[%select_n3A_256, %dma_start3A_918] : memref<2x512xi32, #tpu.memory_space<vmem>> -> memref<1x64xi32, #tpu.memory_space<vmem>>
      %dma_start3A_920 = tpu.memref_squeeze %dma_start3A_919 : memref<1x64xi32, #tpu.memory_space<vmem>> -> memref<64xi32, #tpu.memory_space<vmem>>
      %dma_start3A_921 = arith.constant 0 : i32
      %dma_start3A_922 = arith.constant 0 : i32
      %dma_start3A_923 = tpu.memref_slice %arg13[%dma_start3A_921, %dma_start3A_922] : memref<10000x72xf32, #tpu.memory_space<vmem_shared>> -> memref<10000x72xf32, #tpu.memory_space<vmem_shared>>
      tpu.enqueue_indirect_dma source(%dma_start3A_917 : memref<64x72xf32, #tpu.memory_space<vmem>>) target(%dma_start3A_923 : memref<10000x72xf32, #tpu.memory_space<vmem_shared>>) offsets(%dma_start3A_920 : memref<64xi32, #tpu.memory_space<vmem>>) semaphore(%arg29 : memref<!tpu.dma_semaphore, #tpu.memory_space<semaphore_mem>>) {add = true}
      %dma_wait3A_924 = arith.constant 3 : i32
      %dma_wait3A_925 = arith.constant 0 : i32
      %dma_wait3A_926 = arith.constant 0 : i32
      %dma_wait3A_927 = arith.constant 0 : i32
      %dma_wait3A_928 = tpu.memref_slice %arg11[%dma_wait3A_924, %dma_wait3A_926, %dma_wait3A_927] : memref<8x64x72xf32, #tpu.memory_space<vmem>> -> memref<1x64x72xf32, #tpu.memory_space<vmem>>
      %dma_wait3A_929 = tpu.memref_squeeze %dma_wait3A_928 : memref<1x64x72xf32, #tpu.memory_space<vmem>> -> memref<64x72xf32, #tpu.memory_space<vmem>>
      %dma_wait3A_930 = arith.constant 0 : i32
      %dma_wait3A_931 = tpu.memref_slice %arg7[%dma_wait3A_925, %dma_wait3A_930] : memref<2x512xi32, #tpu.memory_space<vmem>> -> memref<1x64xi32, #tpu.memory_space<vmem>>
      %dma_wait3A_932 = tpu.memref_squeeze %dma_wait3A_931 : memref<1x64xi32, #tpu.memory_space<vmem>> -> memref<64xi32, #tpu.memory_space<vmem>>
      %dma_wait3A_933 = arith.constant 0 : i32
      %dma_wait3A_934 = arith.constant 0 : i32
      %dma_wait3A_935 = tpu.memref_slice %arg13[%dma_wait3A_933, %dma_wait3A_934] : memref<10000x72xf32, #tpu.memory_space<vmem_shared>> -> memref<10000x72xf32, #tpu.memory_space<vmem_shared>>
      tpu.wait_indirect_dma semaphore(%arg26 : memref<!tpu.dma_semaphore, #tpu.memory_space<semaphore_mem>>) src(%dma_wait3A_929 : memref<64x72xf32, #tpu.memory_space<vmem>>) dst(%dma_wait3A_935 : memref<10000x72xf32, #tpu.memory_space<vmem_shared>>)
      %add3A_936 = arith.constant 1 : i32
      %add3A_937 = arith.addi %scan3A_247, %add3A_936 : i32
      %lt3A_938 = arith.constant 39 : i32
      %lt3A_939 = arith.cmpi slt, %add3A_937, %lt3A_938 : i32
      %convert_element_type3A_940 = arith.extui %lt3A_939 : i1 to i32
      %cond3A_941 = arith.constant 0 : i32
      %cond3A_942 = arith.cmpi ne, %convert_element_type3A_940, %cond3A_941 : i32
      scf.if %cond3A_942 {
        %dma_start3A_965 = arith.constant 3 : i32
        %dma_start3A_966 = arith.constant 0 : i32
        %dma_start3A_967 = arith.constant 0 : i32
        %dma_start3A_968 = tpu.memref_slice %arg11[%dma_start3A_965, %dma_start3A_966, %dma_start3A_967] : memref<8x64x72xf32, #tpu.memory_space<vmem>> -> memref<1x64x72xf32, #tpu.memory_space<vmem>>
        %dma_start3A_969 = tpu.memref_squeeze %dma_start3A_968 : memref<1x64x72xf32, #tpu.memory_space<vmem>> -> memref<64x72xf32, #tpu.memory_space<vmem>>
        %dma_start3A_970 = arith.constant 64 : i32
        %dma_start3A_971 = tpu.memref_slice %arg8[%select_n3A_274, %dma_start3A_970] : memref<2x512xi32, #tpu.memory_space<vmem>> -> memref<1x64xi32, #tpu.memory_space<vmem>>
        %dma_start3A_972 = tpu.memref_squeeze %dma_start3A_971 : memref<1x64xi32, #tpu.memory_space<vmem>> -> memref<64xi32, #tpu.memory_space<vmem>>
        %dma_start3A_973 = arith.constant 0 : i32
        %dma_start3A_974 = arith.constant 0 : i32
        %dma_start3A_975 = tpu.memref_slice %arg12[%dma_start3A_973, %dma_start3A_974] : memref<10000x72xf32, #tpu.memory_space<vmem_shared>> -> memref<10000x72xf32, #tpu.memory_space<vmem_shared>>
        tpu.enqueue_indirect_dma source(%dma_start3A_975 : memref<10000x72xf32, #tpu.memory_space<vmem_shared>>) target(%dma_start3A_969 : memref<64x72xf32, #tpu.memory_space<vmem>>) offsets(%dma_start3A_972 : memref<64xi32, #tpu.memory_space<vmem>>) semaphore(%arg18 : memref<!tpu.dma_semaphore, #tpu.memory_space<semaphore_mem>>)
      } else {
      }
      %dma_wait3A_943 = arith.constant 7 : i32
      %dma_wait3A_944 = arith.constant 0 : i32
      %dma_wait3A_945 = arith.constant 0 : i32
      %dma_wait3A_946 = tpu.memref_slice %arg11[%dma_wait3A_943, %dma_wait3A_944, %dma_wait3A_945] : memref<8x64x72xf32, #tpu.memory_space<vmem>> -> memref<1x64x72xf32, #tpu.memory_space<vmem>>
      %dma_wait3A_947 = tpu.memref_squeeze %dma_wait3A_946 : memref<1x64x72xf32, #tpu.memory_space<vmem>> -> memref<64x72xf32, #tpu.memory_space<vmem>>
      %dma_wait3A_948 = arith.constant 448 : i32
      %dma_wait3A_949 = tpu.memref_slice %arg8[%select_n3A_256, %dma_wait3A_948] : memref<2x512xi32, #tpu.memory_space<vmem>> -> memref<1x64xi32, #tpu.memory_space<vmem>>
      %dma_wait3A_950 = tpu.memref_squeeze %dma_wait3A_949 : memref<1x64xi32, #tpu.memory_space<vmem>> -> memref<64xi32, #tpu.memory_space<vmem>>
      %dma_wait3A_951 = arith.constant 0 : i32
      %dma_wait3A_952 = arith.constant 0 : i32
      %dma_wait3A_953 = tpu.memref_slice %arg12[%dma_wait3A_951, %dma_wait3A_952] : memref<10000x72xf32, #tpu.memory_space<vmem_shared>> -> memref<10000x72xf32, #tpu.memory_space<vmem_shared>>
      tpu.wait_indirect_dma semaphore(%arg22 : memref<!tpu.dma_semaphore, #tpu.memory_space<semaphore_mem>>) src(%dma_wait3A_953 : memref<10000x72xf32, #tpu.memory_space<vmem_shared>>) dst(%dma_wait3A_947 : memref<64x72xf32, #tpu.memory_space<vmem>>)
      %dma_start3A_954 = arith.constant 7 : i32
      %dma_start3A_955 = arith.constant 0 : i32
      %dma_start3A_956 = arith.constant 0 : i32
      %dma_start3A_957 = tpu.memref_slice %arg11[%dma_start3A_954, %dma_start3A_955, %dma_start3A_956] : memref<8x64x72xf32, #tpu.memory_space<vmem>> -> memref<1x64x72xf32, #tpu.memory_space<vmem>>
      %dma_start3A_958 = tpu.memref_squeeze %dma_start3A_957 : memref<1x64x72xf32, #tpu.memory_space<vmem>> -> memref<64x72xf32, #tpu.memory_space<vmem>>
      %dma_start3A_959 = arith.constant 448 : i32
      %dma_start3A_960 = tpu.memref_slice %arg7[%select_n3A_256, %dma_start3A_959] : memref<2x512xi32, #tpu.memory_space<vmem>> -> memref<1x64xi32, #tpu.memory_space<vmem>>
      %dma_start3A_961 = tpu.memref_squeeze %dma_start3A_960 : memref<1x64xi32, #tpu.memory_space<vmem>> -> memref<64xi32, #tpu.memory_space<vmem>>
      %dma_start3A_962 = arith.constant 0 : i32
      %dma_start3A_963 = arith.constant 0 : i32
      %dma_start3A_964 = tpu.memref_slice %arg13[%dma_start3A_962, %dma_start3A_963] : memref<10000x72xf32, #tpu.memory_space<vmem_shared>> -> memref<10000x72xf32, #tpu.memory_space<vmem_shared>>
      tpu.enqueue_indirect_dma source(%dma_start3A_958 : memref<64x72xf32, #tpu.memory_space<vmem>>) target(%dma_start3A_964 : memref<10000x72xf32, #tpu.memory_space<vmem_shared>>) offsets(%dma_start3A_961 : memref<64xi32, #tpu.memory_space<vmem>>) semaphore(%arg30 : memref<!tpu.dma_semaphore, #tpu.memory_space<semaphore_mem>>) {add = true}
    }
    %scan3A_116 = arith.constant 39 : i32
    %dma_wait3A_117 = arith.constant 4 : i32
    %dma_wait3A_118 = arith.constant 0 : i32
    %dma_wait3A_119 = arith.constant 0 : i32
    %dma_wait3A_120 = arith.constant 0 : i32
    %dma_wait3A_121 = tpu.memref_slice %arg11[%dma_wait3A_117, %dma_wait3A_119, %dma_wait3A_120] : memref<8x64x72xf32, #tpu.memory_space<vmem>> -> memref<1x64x72xf32, #tpu.memory_space<vmem>>
    %dma_wait3A_122 = tpu.memref_squeeze %dma_wait3A_121 : memref<1x64x72xf32, #tpu.memory_space<vmem>> -> memref<64x72xf32, #tpu.memory_space<vmem>>
    %dma_wait3A_123 = arith.constant 0 : i32
    %dma_wait3A_124 = tpu.memref_slice %arg7[%dma_wait3A_118, %dma_wait3A_123] : memref<2x512xi32, #tpu.memory_space<vmem>> -> memref<1x64xi32, #tpu.memory_space<vmem>>
    %dma_wait3A_125 = tpu.memref_squeeze %dma_wait3A_124 : memref<1x64xi32, #tpu.memory_space<vmem>> -> memref<64xi32, #tpu.memory_space<vmem>>
    %dma_wait3A_126 = arith.constant 0 : i32
    %dma_wait3A_127 = arith.constant 0 : i32
    %dma_wait3A_128 = tpu.memref_slice %arg13[%dma_wait3A_126, %dma_wait3A_127] : memref<10000x72xf32, #tpu.memory_space<vmem_shared>> -> memref<10000x72xf32, #tpu.memory_space<vmem_shared>>
    tpu.wait_indirect_dma semaphore(%arg27 : memref<!tpu.dma_semaphore, #tpu.memory_space<semaphore_mem>>) src(%dma_wait3A_122 : memref<64x72xf32, #tpu.memory_space<vmem>>) dst(%dma_wait3A_128 : memref<10000x72xf32, #tpu.memory_space<vmem_shared>>)
    %dma_wait3A_129 = arith.constant 5 : i32
    %dma_wait3A_130 = arith.constant 0 : i32
    %dma_wait3A_131 = arith.constant 0 : i32
    %dma_wait3A_132 = arith.constant 0 : i32
    %dma_wait3A_133 = tpu.memref_slice %arg11[%dma_wait3A_129, %dma_wait3A_131, %dma_wait3A_132] : memref<8x64x72xf32, #tpu.memory_space<vmem>> -> memref<1x64x72xf32, #tpu.memory_space<vmem>>
    %dma_wait3A_134 = tpu.memref_squeeze %dma_wait3A_133 : memref<1x64x72xf32, #tpu.memory_space<vmem>> -> memref<64x72xf32, #tpu.memory_space<vmem>>
    %dma_wait3A_135 = arith.constant 0 : i32
    %dma_wait3A_136 = tpu.memref_slice %arg7[%dma_wait3A_130, %dma_wait3A_135] : memref<2x512xi32, #tpu.memory_space<vmem>> -> memref<1x64xi32, #tpu.memory_space<vmem>>
    %dma_wait3A_137 = tpu.memref_squeeze %dma_wait3A_136 : memref<1x64xi32, #tpu.memory_space<vmem>> -> memref<64xi32, #tpu.memory_space<vmem>>
    %dma_wait3A_138 = arith.constant 0 : i32
    %dma_wait3A_139 = arith.constant 0 : i32
    %dma_wait3A_140 = tpu.memref_slice %arg13[%dma_wait3A_138, %dma_wait3A_139] : memref<10000x72xf32, #tpu.memory_space<vmem_shared>> -> memref<10000x72xf32, #tpu.memory_space<vmem_shared>>
    tpu.wait_indirect_dma semaphore(%arg28 : memref<!tpu.dma_semaphore, #tpu.memory_space<semaphore_mem>>) src(%dma_wait3A_134 : memref<64x72xf32, #tpu.memory_space<vmem>>) dst(%dma_wait3A_140 : memref<10000x72xf32, #tpu.memory_space<vmem_shared>>)
    %dma_wait3A_141 = arith.constant 6 : i32
    %dma_wait3A_142 = arith.constant 0 : i32
    %dma_wait3A_143 = arith.constant 0 : i32
    %dma_wait3A_144 = arith.constant 0 : i32
    %dma_wait3A_145 = tpu.memref_slice %arg11[%dma_wait3A_141, %dma_wait3A_143, %dma_wait3A_144] : memref<8x64x72xf32, #tpu.memory_space<vmem>> -> memref<1x64x72xf32, #tpu.memory_space<vmem>>
    %dma_wait3A_146 = tpu.memref_squeeze %dma_wait3A_145 : memref<1x64x72xf32, #tpu.memory_space<vmem>> -> memref<64x72xf32, #tpu.memory_space<vmem>>
    %dma_wait3A_147 = arith.constant 0 : i32
    %dma_wait3A_148 = tpu.memref_slice %arg7[%dma_wait3A_142, %dma_wait3A_147] : memref<2x512xi32, #tpu.memory_space<vmem>> -> memref<1x64xi32, #tpu.memory_space<vmem>>
    %dma_wait3A_149 = tpu.memref_squeeze %dma_wait3A_148 : memref<1x64xi32, #tpu.memory_space<vmem>> -> memref<64xi32, #tpu.memory_space<vmem>>
    %dma_wait3A_150 = arith.constant 0 : i32
    %dma_wait3A_151 = arith.constant 0 : i32
    %dma_wait3A_152 = tpu.memref_slice %arg13[%dma_wait3A_150, %dma_wait3A_151] : memref<10000x72xf32, #tpu.memory_space<vmem_shared>> -> memref<10000x72xf32, #tpu.memory_space<vmem_shared>>
    tpu.wait_indirect_dma semaphore(%arg29 : memref<!tpu.dma_semaphore, #tpu.memory_space<semaphore_mem>>) src(%dma_wait3A_146 : memref<64x72xf32, #tpu.memory_space<vmem>>) dst(%dma_wait3A_152 : memref<10000x72xf32, #tpu.memory_space<vmem_shared>>)
    %dma_wait3A_153 = arith.constant 7 : i32
    %dma_wait3A_154 = arith.constant 0 : i32
    %dma_wait3A_155 = arith.constant 0 : i32
    %dma_wait3A_156 = arith.constant 0 : i32
    %dma_wait3A_157 = tpu.memref_slice %arg11[%dma_wait3A_153, %dma_wait3A_155, %dma_wait3A_156] : memref<8x64x72xf32, #tpu.memory_space<vmem>> -> memref<1x64x72xf32, #tpu.memory_space<vmem>>
    %dma_wait3A_158 = tpu.memref_squeeze %dma_wait3A_157 : memref<1x64x72xf32, #tpu.memory_space<vmem>> -> memref<64x72xf32, #tpu.memory_space<vmem>>
    %dma_wait3A_159 = arith.constant 0 : i32
    %dma_wait3A_160 = tpu.memref_slice %arg7[%dma_wait3A_154, %dma_wait3A_159] : memref<2x512xi32, #tpu.memory_space<vmem>> -> memref<1x64xi32, #tpu.memory_space<vmem>>
    %dma_wait3A_161 = tpu.memref_squeeze %dma_wait3A_160 : memref<1x64xi32, #tpu.memory_space<vmem>> -> memref<64xi32, #tpu.memory_space<vmem>>
    %dma_wait3A_162 = arith.constant 0 : i32
    %dma_wait3A_163 = arith.constant 0 : i32
    %dma_wait3A_164 = tpu.memref_slice %arg13[%dma_wait3A_162, %dma_wait3A_163] : memref<10000x72xf32, #tpu.memory_space<vmem_shared>> -> memref<10000x72xf32, #tpu.memory_space<vmem_shared>>
    tpu.wait_indirect_dma semaphore(%arg30 : memref<!tpu.dma_semaphore, #tpu.memory_space<semaphore_mem>>) src(%dma_wait3A_158 : memref<64x72xf32, #tpu.memory_space<vmem>>) dst(%dma_wait3A_164 : memref<10000x72xf32, #tpu.memory_space<vmem_shared>>)
    %add3A_165 = arith.constant 19968 : i32
    %add3A_166 = arith.addi %mul3A_11, %add3A_165 : i32
    %run_scoped3A = arith.constant 0 : i32
    "tpu.region"() ({
      %run_scoped3A_247 = tpu.sem_alloc : memref<!tpu.dma_semaphore, #tpu.memory_space<semaphore_mem>>
      %dma_start3A_248 = tpu.memref_slice %arg3[%run_scoped3A, %add3A_166] : memref<2x320000xi32, #tpu.memory_space<hbm>> -> memref<1x32xi32, #tpu.memory_space<hbm>>
      %dma_start3A_249 = tpu.memref_squeeze %dma_start3A_248 : memref<1x32xi32, #tpu.memory_space<hbm>> -> memref<32xi32, #tpu.memory_space<hbm>>
      %dma_start3A_250 = tpu.memref_slice %arg3[%run_scoped3A, %add3A_166] : memref<2x320000xi32, #tpu.memory_space<hbm>> -> memref<1x32xi32, #tpu.memory_space<hbm>>
      %dma_start3A_251 = tpu.memref_squeeze %dma_start3A_250 : memref<1x32xi32, #tpu.memory_space<hbm>> -> memref<32xi32, #tpu.memory_space<hbm>>
      tpu.enqueue_dma source(%dma_start3A_251 : memref<32xi32, #tpu.memory_space<hbm>>) target(%arg9 : memref<32xi32, #tpu.memory_space<vmem>>) target_semaphore(%run_scoped3A_247 : memref<!tpu.dma_semaphore, #tpu.memory_space<semaphore_mem>>)
      %dma_wait3A_252 = tpu.memref_slice %arg3[%run_scoped3A, %add3A_166] : memref<2x320000xi32, #tpu.memory_space<hbm>> -> memref<1x32xi32, #tpu.memory_space<hbm>>
      %dma_wait3A_253 = tpu.memref_squeeze %dma_wait3A_252 : memref<1x32xi32, #tpu.memory_space<hbm>> -> memref<32xi32, #tpu.memory_space<hbm>>
      %dma_wait3A_254 = tpu.memref_slice %arg3[%run_scoped3A, %add3A_166] : memref<2x320000xi32, #tpu.memory_space<hbm>> -> memref<1x32xi32, #tpu.memory_space<hbm>>
      %dma_wait3A_255 = tpu.memref_squeeze %dma_wait3A_254 : memref<1x32xi32, #tpu.memory_space<hbm>> -> memref<32xi32, #tpu.memory_space<hbm>>
      tpu.wait_dma2 semaphore(%run_scoped3A_247 : memref<!tpu.dma_semaphore, #tpu.memory_space<semaphore_mem>>) src(%dma_wait3A_255 : memref<32xi32, #tpu.memory_space<hbm>>) dst(%arg9 : memref<32xi32, #tpu.memory_space<vmem>>)
      tpu.yield
    }) : () -> ()
    %run_scoped3A_167 = arith.constant 1 : i32
    "tpu.region"() ({
      %run_scoped3A_247 = tpu.sem_alloc : memref<!tpu.dma_semaphore, #tpu.memory_space<semaphore_mem>>
      %dma_start3A_248 = tpu.memref_slice %arg3[%run_scoped3A_167, %add3A_166] : memref<2x320000xi32, #tpu.memory_space<hbm>> -> memref<1x32xi32, #tpu.memory_space<hbm>>
      %dma_start3A_249 = tpu.memref_squeeze %dma_start3A_248 : memref<1x32xi32, #tpu.memory_space<hbm>> -> memref<32xi32, #tpu.memory_space<hbm>>
      %dma_start3A_250 = tpu.memref_slice %arg3[%run_scoped3A_167, %add3A_166] : memref<2x320000xi32, #tpu.memory_space<hbm>> -> memref<1x32xi32, #tpu.memory_space<hbm>>
      %dma_start3A_251 = tpu.memref_squeeze %dma_start3A_250 : memref<1x32xi32, #tpu.memory_space<hbm>> -> memref<32xi32, #tpu.memory_space<hbm>>
      tpu.enqueue_dma source(%dma_start3A_251 : memref<32xi32, #tpu.memory_space<hbm>>) target(%arg10 : memref<32xi32, #tpu.memory_space<vmem>>) target_semaphore(%run_scoped3A_247 : memref<!tpu.dma_semaphore, #tpu.memory_space<semaphore_mem>>)
      %dma_wait3A_252 = tpu.memref_slice %arg3[%run_scoped3A_167, %add3A_166] : memref<2x320000xi32, #tpu.memory_space<hbm>> -> memref<1x32xi32, #tpu.memory_space<hbm>>
      %dma_wait3A_253 = tpu.memref_squeeze %dma_wait3A_252 : memref<1x32xi32, #tpu.memory_space<hbm>> -> memref<32xi32, #tpu.memory_space<hbm>>
      %dma_wait3A_254 = tpu.memref_slice %arg3[%run_scoped3A_167, %add3A_166] : memref<2x320000xi32, #tpu.memory_space<hbm>> -> memref<1x32xi32, #tpu.memory_space<hbm>>
      %dma_wait3A_255 = tpu.memref_squeeze %dma_wait3A_254 : memref<1x32xi32, #tpu.memory_space<hbm>> -> memref<32xi32, #tpu.memory_space<hbm>>
      tpu.wait_dma2 semaphore(%run_scoped3A_247 : memref<!tpu.dma_semaphore, #tpu.memory_space<semaphore_mem>>) src(%dma_wait3A_255 : memref<32xi32, #tpu.memory_space<hbm>>) dst(%arg10 : memref<32xi32, #tpu.memory_space<vmem>>)
      tpu.yield
    }) : () -> ()
    %dma_start3A_168 = arith.constant 0 : i32
    %dma_start3A_169 = arith.constant 0 : i32
    %dma_start3A_170 = arith.constant 0 : i32
    %dma_start3A_171 = tpu.memref_slice %arg11[%dma_start3A_168, %dma_start3A_169, %dma_start3A_170] : memref<8x64x72xf32, #tpu.memory_space<vmem>> -> memref<1x32x72xf32, #tpu.memory_space<vmem>>
    %dma_start3A_172 = tpu.memref_squeeze %dma_start3A_171 : memref<1x32x72xf32, #tpu.memory_space<vmem>> -> memref<32x72xf32, #tpu.memory_space<vmem>>
    %dma_start3A_173 = arith.constant 0 : i32
    %dma_start3A_174 = arith.constant 0 : i32
    %dma_start3A_175 = tpu.memref_slice %arg12[%dma_start3A_173, %dma_start3A_174] : memref<10000x72xf32, #tpu.memory_space<vmem_shared>> -> memref<10000x72xf32, #tpu.memory_space<vmem_shared>>
    tpu.enqueue_indirect_dma source(%dma_start3A_175 : memref<10000x72xf32, #tpu.memory_space<vmem_shared>>) target(%dma_start3A_172 : memref<32x72xf32, #tpu.memory_space<vmem>>) offsets(%arg9 : memref<32xi32, #tpu.memory_space<vmem>>) semaphore(%arg15 : memref<!tpu.dma_semaphore, #tpu.memory_space<semaphore_mem>>)
    %dma_start3A_176 = arith.constant 1 : i32
    %dma_start3A_177 = arith.constant 0 : i32
    %dma_start3A_178 = arith.constant 0 : i32
    %dma_start3A_179 = tpu.memref_slice %arg11[%dma_start3A_176, %dma_start3A_177, %dma_start3A_178] : memref<8x64x72xf32, #tpu.memory_space<vmem>> -> memref<1x32x72xf32, #tpu.memory_space<vmem>>
    %dma_start3A_180 = tpu.memref_squeeze %dma_start3A_179 : memref<1x32x72xf32, #tpu.memory_space<vmem>> -> memref<32x72xf32, #tpu.memory_space<vmem>>
    %dma_start3A_181 = arith.constant 0 : i32
    %dma_start3A_182 = arith.constant 0 : i32
    %dma_start3A_183 = tpu.memref_slice %arg12[%dma_start3A_181, %dma_start3A_182] : memref<10000x72xf32, #tpu.memory_space<vmem_shared>> -> memref<10000x72xf32, #tpu.memory_space<vmem_shared>>
    tpu.enqueue_indirect_dma source(%dma_start3A_183 : memref<10000x72xf32, #tpu.memory_space<vmem_shared>>) target(%dma_start3A_180 : memref<32x72xf32, #tpu.memory_space<vmem>>) offsets(%arg10 : memref<32xi32, #tpu.memory_space<vmem>>) semaphore(%arg16 : memref<!tpu.dma_semaphore, #tpu.memory_space<semaphore_mem>>)
    %dma_wait3A_184 = arith.constant 0 : i32
    %dma_wait3A_185 = arith.constant 0 : i32
    %dma_wait3A_186 = arith.constant 0 : i32
    %dma_wait3A_187 = tpu.memref_slice %arg11[%dma_wait3A_184, %dma_wait3A_185, %dma_wait3A_186] : memref<8x64x72xf32, #tpu.memory_space<vmem>> -> memref<1x32x72xf32, #tpu.memory_space<vmem>>
    %dma_wait3A_188 = tpu.memref_squeeze %dma_wait3A_187 : memref<1x32x72xf32, #tpu.memory_space<vmem>> -> memref<32x72xf32, #tpu.memory_space<vmem>>
    %dma_wait3A_189 = arith.constant 0 : i32
    %dma_wait3A_190 = arith.constant 0 : i32
    %dma_wait3A_191 = tpu.memref_slice %arg12[%dma_wait3A_189, %dma_wait3A_190] : memref<10000x72xf32, #tpu.memory_space<vmem_shared>> -> memref<10000x72xf32, #tpu.memory_space<vmem_shared>>
    tpu.wait_indirect_dma semaphore(%arg15 : memref<!tpu.dma_semaphore, #tpu.memory_space<semaphore_mem>>) src(%dma_wait3A_191 : memref<10000x72xf32, #tpu.memory_space<vmem_shared>>) dst(%dma_wait3A_188 : memref<32x72xf32, #tpu.memory_space<vmem>>)
    %dma_start3A_192 = arith.constant 0 : i32
    %dma_start3A_193 = arith.constant 0 : i32
    %dma_start3A_194 = arith.constant 0 : i32
    %dma_start3A_195 = tpu.memref_slice %arg11[%dma_start3A_192, %dma_start3A_193, %dma_start3A_194] : memref<8x64x72xf32, #tpu.memory_space<vmem>> -> memref<1x32x72xf32, #tpu.memory_space<vmem>>
    %dma_start3A_196 = tpu.memref_squeeze %dma_start3A_195 : memref<1x32x72xf32, #tpu.memory_space<vmem>> -> memref<32x72xf32, #tpu.memory_space<vmem>>
    %dma_start3A_197 = arith.constant 0 : i32
    %dma_start3A_198 = arith.constant 0 : i32
    %dma_start3A_199 = tpu.memref_slice %arg13[%dma_start3A_197, %dma_start3A_198] : memref<10000x72xf32, #tpu.memory_space<vmem_shared>> -> memref<10000x72xf32, #tpu.memory_space<vmem_shared>>
    tpu.enqueue_indirect_dma source(%dma_start3A_196 : memref<32x72xf32, #tpu.memory_space<vmem>>) target(%dma_start3A_199 : memref<10000x72xf32, #tpu.memory_space<vmem_shared>>) offsets(%arg10 : memref<32xi32, #tpu.memory_space<vmem>>) semaphore(%arg23 : memref<!tpu.dma_semaphore, #tpu.memory_space<semaphore_mem>>) {add = true}
    %dma_wait3A_200 = arith.constant 1 : i32
    %dma_wait3A_201 = arith.constant 0 : i32
    %dma_wait3A_202 = arith.constant 0 : i32
    %dma_wait3A_203 = tpu.memref_slice %arg11[%dma_wait3A_200, %dma_wait3A_201, %dma_wait3A_202] : memref<8x64x72xf32, #tpu.memory_space<vmem>> -> memref<1x32x72xf32, #tpu.memory_space<vmem>>
    %dma_wait3A_204 = tpu.memref_squeeze %dma_wait3A_203 : memref<1x32x72xf32, #tpu.memory_space<vmem>> -> memref<32x72xf32, #tpu.memory_space<vmem>>
    %dma_wait3A_205 = arith.constant 0 : i32
    %dma_wait3A_206 = arith.constant 0 : i32
    %dma_wait3A_207 = tpu.memref_slice %arg12[%dma_wait3A_205, %dma_wait3A_206] : memref<10000x72xf32, #tpu.memory_space<vmem_shared>> -> memref<10000x72xf32, #tpu.memory_space<vmem_shared>>
    tpu.wait_indirect_dma semaphore(%arg16 : memref<!tpu.dma_semaphore, #tpu.memory_space<semaphore_mem>>) src(%dma_wait3A_207 : memref<10000x72xf32, #tpu.memory_space<vmem_shared>>) dst(%dma_wait3A_204 : memref<32x72xf32, #tpu.memory_space<vmem>>)
    %dma_start3A_208 = arith.constant 1 : i32
    %dma_start3A_209 = arith.constant 0 : i32
    %dma_start3A_210 = arith.constant 0 : i32
    %dma_start3A_211 = tpu.memref_slice %arg11[%dma_start3A_208, %dma_start3A_209, %dma_start3A_210] : memref<8x64x72xf32, #tpu.memory_space<vmem>> -> memref<1x32x72xf32, #tpu.memory_space<vmem>>
    %dma_start3A_212 = tpu.memref_squeeze %dma_start3A_211 : memref<1x32x72xf32, #tpu.memory_space<vmem>> -> memref<32x72xf32, #tpu.memory_space<vmem>>
    %dma_start3A_213 = arith.constant 0 : i32
    %dma_start3A_214 = arith.constant 0 : i32
    %dma_start3A_215 = tpu.memref_slice %arg13[%dma_start3A_213, %dma_start3A_214] : memref<10000x72xf32, #tpu.memory_space<vmem_shared>> -> memref<10000x72xf32, #tpu.memory_space<vmem_shared>>
    tpu.enqueue_indirect_dma source(%dma_start3A_212 : memref<32x72xf32, #tpu.memory_space<vmem>>) target(%dma_start3A_215 : memref<10000x72xf32, #tpu.memory_space<vmem_shared>>) offsets(%arg9 : memref<32xi32, #tpu.memory_space<vmem>>) semaphore(%arg24 : memref<!tpu.dma_semaphore, #tpu.memory_space<semaphore_mem>>) {add = true}
    %dma_wait3A_216 = arith.constant 0 : i32
    %dma_wait3A_217 = arith.constant 0 : i32
    %dma_wait3A_218 = arith.constant 0 : i32
    %dma_wait3A_219 = tpu.memref_slice %arg11[%dma_wait3A_216, %dma_wait3A_217, %dma_wait3A_218] : memref<8x64x72xf32, #tpu.memory_space<vmem>> -> memref<1x32x72xf32, #tpu.memory_space<vmem>>
    %dma_wait3A_220 = tpu.memref_squeeze %dma_wait3A_219 : memref<1x32x72xf32, #tpu.memory_space<vmem>> -> memref<32x72xf32, #tpu.memory_space<vmem>>
    %dma_wait3A_221 = arith.constant 0 : i32
    %dma_wait3A_222 = arith.constant 0 : i32
    %dma_wait3A_223 = tpu.memref_slice %arg13[%dma_wait3A_221, %dma_wait3A_222] : memref<10000x72xf32, #tpu.memory_space<vmem_shared>> -> memref<10000x72xf32, #tpu.memory_space<vmem_shared>>
    tpu.wait_indirect_dma semaphore(%arg23 : memref<!tpu.dma_semaphore, #tpu.memory_space<semaphore_mem>>) src(%dma_wait3A_220 : memref<32x72xf32, #tpu.memory_space<vmem>>) dst(%dma_wait3A_223 : memref<10000x72xf32, #tpu.memory_space<vmem_shared>>)
    %dma_wait3A_224 = arith.constant 1 : i32
    %dma_wait3A_225 = arith.constant 0 : i32
    %dma_wait3A_226 = arith.constant 0 : i32
    %dma_wait3A_227 = tpu.memref_slice %arg11[%dma_wait3A_224, %dma_wait3A_225, %dma_wait3A_226] : memref<8x64x72xf32, #tpu.memory_space<vmem>> -> memref<1x32x72xf32, #tpu.memory_space<vmem>>
    %dma_wait3A_228 = tpu.memref_squeeze %dma_wait3A_227 : memref<1x32x72xf32, #tpu.memory_space<vmem>> -> memref<32x72xf32, #tpu.memory_space<vmem>>
    %dma_wait3A_229 = arith.constant 0 : i32
    %dma_wait3A_230 = arith.constant 0 : i32
    %dma_wait3A_231 = tpu.memref_slice %arg13[%dma_wait3A_229, %dma_wait3A_230] : memref<10000x72xf32, #tpu.memory_space<vmem_shared>> -> memref<10000x72xf32, #tpu.memory_space<vmem_shared>>
    tpu.wait_indirect_dma semaphore(%arg24 : memref<!tpu.dma_semaphore, #tpu.memory_space<semaphore_mem>>) src(%dma_wait3A_228 : memref<32x72xf32, #tpu.memory_space<vmem>>) dst(%dma_wait3A_231 : memref<10000x72xf32, #tpu.memory_space<vmem_shared>>)
    %barrier3A_232 = arith.constant 0 : index
    tpu.barrier barrier_id(%barrier3A_232)
    %add3A_233 = arith.constant 632 : i32
    %add3A_234 = arith.addi %mul3A_0, %add3A_233 : i32
    %le3A_235 = arith.constant 10000 : i32
    %le3A_236 = arith.cmpi sle, %add3A_234, %le3A_235 : i32
    %convert_element_type3A_237 = arith.extui %le3A_236 : i1 to i32
    %cond3A_238 = arith.constant 0 : i32
    %cond3A_239 = arith.cmpi ne, %convert_element_type3A_237, %cond3A_238 : i32
    scf.if %cond3A_239 {
      "tpu.region"() ({
        %run_scoped3A_247 = tpu.sem_alloc : memref<!tpu.dma_semaphore, #tpu.memory_space<semaphore_mem>>
        %dma_start3A_248 = arith.constant 0 : i32
        %dma_start3A_249 = tpu.memref_slice %arg6[%arg0, %mul3A_0, %dma_start3A_248] : memref<2x10000x72xf32, #tpu.memory_space<hbm>> -> memref<1x632x72xf32, #tpu.memory_space<hbm>>
        %dma_start3A_250 = tpu.memref_squeeze %dma_start3A_249 : memref<1x632x72xf32, #tpu.memory_space<hbm>> -> memref<632x72xf32, #tpu.memory_space<hbm>>
        %dma_start3A_251 = arith.constant 0 : i32
        %dma_start3A_252 = tpu.memref_slice %arg13[%mul3A_0, %dma_start3A_251] : memref<10000x72xf32, #tpu.memory_space<vmem_shared>> -> memref<632x72xf32, #tpu.memory_space<vmem_shared>>
        tpu.enqueue_dma source(%dma_start3A_252 : memref<632x72xf32, #tpu.memory_space<vmem_shared>>) target(%dma_start3A_250 : memref<632x72xf32, #tpu.memory_space<hbm>>) target_semaphore(%run_scoped3A_247 : memref<!tpu.dma_semaphore, #tpu.memory_space<semaphore_mem>>)
        %dma_wait3A_253 = arith.constant 0 : i32
        %dma_wait3A_254 = tpu.memref_slice %arg6[%arg0, %mul3A_0, %dma_wait3A_253] : memref<2x10000x72xf32, #tpu.memory_space<hbm>> -> memref<1x632x72xf32, #tpu.memory_space<hbm>>
        %dma_wait3A_255 = tpu.memref_squeeze %dma_wait3A_254 : memref<1x632x72xf32, #tpu.memory_space<hbm>> -> memref<632x72xf32, #tpu.memory_space<hbm>>
        %dma_wait3A_256 = arith.constant 0 : i32
        %dma_wait3A_257 = tpu.memref_slice %arg13[%mul3A_0, %dma_wait3A_256] : memref<10000x72xf32, #tpu.memory_space<vmem_shared>> -> memref<632x72xf32, #tpu.memory_space<vmem_shared>>
        tpu.wait_dma2 semaphore(%run_scoped3A_247 : memref<!tpu.dma_semaphore, #tpu.memory_space<semaphore_mem>>) src(%dma_wait3A_257 : memref<632x72xf32, #tpu.memory_space<vmem_shared>>) dst(%dma_wait3A_255 : memref<632x72xf32, #tpu.memory_space<hbm>>)
        tpu.yield
      }) : () -> ()
    } else {
    }
    %add3A_240 = arith.constant 632 : i32
    %add3A_241 = arith.addi %mul3A_0, %add3A_240 : i32
    %gt3A_242 = arith.constant 10000 : i32
    %gt3A_243 = arith.cmpi sgt, %add3A_241, %gt3A_242 : i32
    %convert_element_type3A_244 = arith.extui %gt3A_243 : i1 to i32
    %cond3A_245 = arith.constant 0 : i32
    %cond3A_246 = arith.cmpi ne, %convert_element_type3A_244, %cond3A_245 : i32
    scf.if %cond3A_246 {
      "tpu.region"() ({
        %run_scoped3A_247 = tpu.sem_alloc : memref<!tpu.dma_semaphore, #tpu.memory_space<semaphore_mem>>
        %dma_start3A_248 = arith.constant 0 : i32
        %dma_start3A_249 = tpu.memref_slice %arg6[%arg0, %mul3A_0, %dma_start3A_248] : memref<2x10000x72xf32, #tpu.memory_space<hbm>> -> memref<1x520x72xf32, #tpu.memory_space<hbm>>
        %dma_start3A_250 = tpu.memref_squeeze %dma_start3A_249 : memref<1x520x72xf32, #tpu.memory_space<hbm>> -> memref<520x72xf32, #tpu.memory_space<hbm>>
        %dma_start3A_251 = arith.constant 0 : i32
        %dma_start3A_252 = tpu.memref_slice %arg13[%mul3A_0, %dma_start3A_251] : memref<10000x72xf32, #tpu.memory_space<vmem_shared>> -> memref<520x72xf32, #tpu.memory_space<vmem_shared>>
        tpu.enqueue_dma source(%dma_start3A_252 : memref<520x72xf32, #tpu.memory_space<vmem_shared>>) target(%dma_start3A_250 : memref<520x72xf32, #tpu.memory_space<hbm>>) target_semaphore(%run_scoped3A_247 : memref<!tpu.dma_semaphore, #tpu.memory_space<semaphore_mem>>)
        %dma_wait3A_253 = arith.constant 0 : i32
        %dma_wait3A_254 = tpu.memref_slice %arg6[%arg0, %mul3A_0, %dma_wait3A_253] : memref<2x10000x72xf32, #tpu.memory_space<hbm>> -> memref<1x520x72xf32, #tpu.memory_space<hbm>>
        %dma_wait3A_255 = tpu.memref_squeeze %dma_wait3A_254 : memref<1x520x72xf32, #tpu.memory_space<hbm>> -> memref<520x72xf32, #tpu.memory_space<hbm>>
        %dma_wait3A_256 = arith.constant 0 : i32
        %dma_wait3A_257 = tpu.memref_slice %arg13[%mul3A_0, %dma_wait3A_256] : memref<10000x72xf32, #tpu.memory_space<vmem_shared>> -> memref<520x72xf32, #tpu.memory_space<vmem_shared>>
        tpu.wait_dma2 semaphore(%run_scoped3A_247 : memref<!tpu.dma_semaphore, #tpu.memory_space<semaphore_mem>>) src(%dma_wait3A_257 : memref<520x72xf32, #tpu.memory_space<vmem_shared>>) dst(%dma_wait3A_255 : memref<520x72xf32, #tpu.memory_space<hbm>>)
        tpu.yield
      }) : () -> ()
    } else {
    }
    return
  }
}

module attributes {stable_mosaic.version = 14 : i64} {
  func.func @_tc_matmul_body(%arg0: i32, %arg1: memref<2x2528x72xf32, #tpu.memory_space<vmem>>, %arg2: memref<2528x128xf32, #tpu.memory_space<vmem>>, %arg3: memref<256x128xf32, #tpu.memory_space<vmem>>, %arg4: memref<2528x128xf32, #tpu.memory_space<vmem>>) attributes {dimension_semantics = [#tpu.dimension_semantics<arbitrary>], iteration_bounds = array<i64: 4>, scalar_prefetch = 0 : i64, scratch_operands = 0 : i64, tpu.core_type = #tpu.core_type<tc>, window_params = [{transform_indices = @transform_0, window_bounds = array<i64: 2, 2528, 72>}, {transform_indices = @transform_1, window_bounds = array<i64: 2528, 128>}, {pipeline_mode = #tpu.pipeline_mode<synchronous>, transform_indices = @transform_2, window_bounds = array<i64: 256, 128>}, {transform_indices = @transform_3, window_bounds = array<i64: 2528, 128>}]} {
    %get3A = arith.constant 0 : index
    %get3A_0 = arith.constant 0 : index
    %get3A_1 = arith.constant 0 : index
    %get3A_2 = vector.load %arg1[%get3A, %get3A_0, %get3A_1] : memref<2x2528x72xf32, #tpu.memory_space<vmem>>, vector<1x2528x72xf32>
    %get3A_3 = vector.shape_cast %get3A_2 : vector<1x2528x72xf32> to vector<2528x72xf32>
    %get3A_4 = arith.constant 1 : index
    %get3A_5 = arith.constant 0 : index
    %get3A_6 = arith.constant 0 : index
    %get3A_7 = vector.load %arg1[%get3A_4, %get3A_5, %get3A_6] : memref<2x2528x72xf32, #tpu.memory_space<vmem>>, vector<1x2528x72xf32>
    %get3A_8 = vector.shape_cast %get3A_7 : vector<1x2528x72xf32> to vector<2528x72xf32>
    %slice3A = vector.extract_strided_slice %get3A_3 {offsets = [0, 0], sizes = [2528, 64], strides = [1, 1]} : vector<2528x72xf32> to vector<2528x64xf32>
    %slice3A_9 = vector.extract_strided_slice %get3A_3 {offsets = [0, 64], sizes = [2528, 1], strides = [1, 1]} : vector<2528x72xf32> to vector<2528x1xf32>
    %slice3A_10 = vector.extract_strided_slice %get3A_8 {offsets = [0, 0], sizes = [2528, 64], strides = [1, 1]} : vector<2528x72xf32> to vector<2528x64xf32>
    %get3A_11 = arith.constant 0 : index
    %get3A_12 = arith.constant 0 : index
    %get3A_13 = vector.load %arg3[%get3A_11, %get3A_12] : memref<256x128xf32, #tpu.memory_space<vmem>>, vector<64x128xf32>
    %dot_general3A = arith.constant dense<0.000000e+00> : vector<2528x128xf32>
    %dot_general3A_14 = tpu.matmul %slice3A, %get3A_13, %dot_general3A {dimension_numbers = #tpu.dot_dimension_numbers<[1], [0], [0], [1], [0, 0, 1, 1], [], []>, transpose_lhs_hint = false} : vector<2528x64xf32>, vector<64x128xf32>, vector<2528x128xf32> -> vector<2528x128xf32>
    %get3A_15 = arith.constant 64 : index
    %get3A_16 = arith.constant 0 : index
    %get3A_17 = vector.load %arg3[%get3A_15, %get3A_16] : memref<256x128xf32, #tpu.memory_space<vmem>>, vector<64x128xf32>
    %dot_general3A_18 = arith.constant dense<0.000000e+00> : vector<2528x128xf32>
    %dot_general3A_19 = tpu.matmul %slice3A_10, %get3A_17, %dot_general3A_18 {dimension_numbers = #tpu.dot_dimension_numbers<[1], [0], [0], [1], [0, 0, 1, 1], [], []>, transpose_lhs_hint = false} : vector<2528x64xf32>, vector<64x128xf32>, vector<2528x128xf32> -> vector<2528x128xf32>
    %add3A = arith.addf %dot_general3A_14, %dot_general3A_19 : vector<2528x128xf32>
    %get3A_20 = arith.constant 0 : index
    %get3A_21 = arith.constant 0 : index
    %get3A_22 = vector.load %arg2[%get3A_20, %get3A_21] : memref<2528x128xf32, #tpu.memory_space<vmem>>, vector<2528x128xf32>
    %mul3A = vector.broadcast %slice3A_9 : vector<2528x1xf32> to vector<2528x128xf32>
    %mul3A_23 = arith.mulf %mul3A, %get3A_22 : vector<2528x128xf32>
    %get3A_24 = arith.constant 128 : index
    %get3A_25 = arith.constant 0 : index
    %get3A_26 = vector.load %arg3[%get3A_24, %get3A_25] : memref<256x128xf32, #tpu.memory_space<vmem>>, vector<128x128xf32>
    %dot_general3A_27 = arith.constant dense<0.000000e+00> : vector<2528x128xf32>
    %dot_general3A_28 = tpu.matmul %mul3A_23, %get3A_26, %dot_general3A_27 {dimension_numbers = #tpu.dot_dimension_numbers<[1], [0], [0], [1], [0, 0, 1, 1], [], []>, transpose_lhs_hint = false} : vector<2528x128xf32>, vector<128x128xf32>, vector<2528x128xf32> -> vector<2528x128xf32>
    %add3A_29 = arith.addf %add3A, %dot_general3A_28 : vector<2528x128xf32>
    %swap3A = arith.constant 0 : index
    %swap3A_30 = arith.constant 0 : index
    %swap3A_31 = vector.load %arg4[%swap3A, %swap3A_30] : memref<2528x128xf32, #tpu.memory_space<vmem>>, vector<2528x128xf32>
    tpu.vector_store %arg4[%swap3A, %swap3A_30], %add3A_29 {strides = array<i32>} : memref<2528x128xf32, #tpu.memory_space<vmem>>, vector<2528x128xf32>,
    return
  }
  func.func @transform_0(%arg0: i32) -> (i32, i32, i32) {
    %c0_i32 = arith.constant 0 : i32
    %c0_i32_0 = arith.constant 0 : i32
    %c0_i32_1 = arith.constant 0 : i32
    return %c0_i32, %arg0, %c0_i32_0 : i32, i32, i32
  }
  func.func @transform_1(%arg0: i32) -> (i32, i32) {
    %c0_i32 = arith.constant 0 : i32
    %c0_i32_0 = arith.constant 0 : i32
    return %arg0, %c0_i32 : i32, i32
  }
  func.func @transform_2(%arg0: i32) -> (i32, i32) {
    %c0_i32 = arith.constant 0 : i32
    %c0_i32_0 = arith.constant 0 : i32
    %c0_i32_1 = arith.constant 0 : i32
    return %c0_i32, %c0_i32_0 : i32, i32
  }
  func.func @transform_3(%arg0: i32) -> (i32, i32) {
    %c0_i32 = arith.constant 0 : i32
    %c0_i32_0 = arith.constant 0 : i32
    return %arg0, %c0_i32 : i32, i32
  }
}

</mosaic_0001>

<sc_bundles>
// kernel: kernel.4.cloned.1.call-start
scs
__scs_entry_jumppad:
0x0: {  	(pc) =	sbr.rel $0x88, $3  }
0x1: {  	(tag) =	ssettag $0x0;
	lr =	simm.s32 $0x1  }
0x2: {  	[smem:$0x3F9E] =	sst lr;
	_ =	strace $0xD0000000  }
0x3: {  	_ = 	snop  }
0x4: {  	_ = 	snop  }
0x5: {  	_ = 	snop  }
0x6: {  	_ = 	snop  }
0x7: {  	_ = 	snop  }
__scs_overlays_trampoline_lowered:
0x8: {  	[smem:$0x3FAD] =	sst s0  }
0x9: {  	[smem:$0x3FAE] =	sst s1  }
0xa: {  	[smem:$0x3FAF] =	sst s2  }
0xb: {  	[smem:$0x3FB0] =	sst s3  }
0xc: {  	[smem:$0x3FB1] =	sst s4  }
0xd: {  	[smem:$0x3FB2] =	sst s5  }
0xe: {  	[smem:$0x3FB3] =	sst s6  }
0xf: {  	[smem:$0x3FB4] =	sst s7  }
0x10: {  	[smem:$0x3FB5] =	sst s8  }
0x11: {  	[smem:$0x3FB6] =	sst s9;
	s0 =	simm.s32 @!p0 $0x0  }
0x12: {  	s1 =	sld [smem:$0x3F9C];
	s0 =	simm.s32 @p0 $0x1  }
0x13: {  	[smem:$0x3FB7] =	sst s0;
	s0 =	simm.s32 @!p1 $0x0  }
0x14: {  	s2 =	sld [smem:$0x3F9B];
	s0 =	simm.s32 @p1 $0x1  }
0x15: {  	[smem:$0x3FB8] =	sst s0;
	s0 =	simm.s32 @!p2 $0x0  }
0x16: {  	s3 =	sld [smem:$0x3FDB];
	s0 =	simm.s32 @p2 $0x1  }
0x17: {  	s4 =	simm.s32 $0x1BF5;
	[smem:$0x3FBA] =	sst s0  }
0x18: {  	s0 =	sld [smem:$0x3F9D];
	_ =	swait.ge [sflag:s4], $0x0  }
0x19: {  	s7 =	sld [smem:$0x3F9E]  }
0x1a: {  	s8 =	sadd.s32 $0xFFFFE003, lr  }
0x1b: {  	s9 =	sadd.s32 $0xFFFFFEF7, lr;
	s5 =	simm.s32 $0xFFFFFFFF;
	p2 =	slt.u32 s8, $0xFFFFF086  }
0x1c: {  	p1 =	slt.u32 s9, $0xF7A;
	s5 =	simm.s32 @!p2 $0x0  }
0x1d: {  	s5 =	simm.s32 @p1 $0x1;
	p0 =	seq.s32 s7, s2  }
0x1e: {  	s7 =	smul.u32 @!p0 $0xF7A, s2;
	p2 =	seq.s32 @!p0 s5, $0x0  }
0x1f: {  	s9 =	smul.u32 $0xF7A, s1;
	s8 =	simm.s32 @!p0 $0x1BF5;
	p2 =	por !p2, p0  }
0x20: {  	[sflag:s8] =	ssyncset.s32 @!p0 $0xFFFFF086;
	s6 =	sadd.s32 @!p0 s3, s7;
	s7 =	simm.s32 @!p0 $0x108  }
0x21: {  	s3 =	sadd.s32 s3, s9;
	s6 =	sadd.s32 @!p0 $0x88, s6;
	s7 =	simm.s32 @p2 $0x1082  }
0x22: {  	[simem:s7], [sflag:s8] =	dma.local @!p0 [hbm:s6], $0xF7A  }
0x23: {  	s9 =	sor.u32 $0xD0000000, s2;
	s6 =	simm.s32 $0x108;
	_ =	swait.ge @!p0 [sflag:s8], $0x0  }
0x24: {  	s3 =	sadd.s32 $0x88, s3;
	s6 =	simm.s32 @!p1 $0x1082;
	[sflag:s4] =	ssyncset.s32 $0xFFFFF086  }
0x25: {  	[simem:s6], [sflag:s4] =	dma.local [hbm:s3], $0xF7A  }
0x26: {  	[smem:$0x3F9E] =	sst s1;
	(tag) =	ssettag s2;
	_ =	strace s9  }
0x27: {  	s1 =	sld [smem:$0x3FAE]  }
0x28: {  	s2 =	sld [smem:$0x3FAF]  }
0x29: {  	s4 =	sld [smem:$0x3FB1]  }
0x2a: {  	p0 =	seq.s32 s5, $0x0;
	s5 =	sld [smem:$0x3FB2]  }
0x2b: {  	s6 =	sld [smem:$0x3FB3]  }
0x2c: {  	s7 =	sld [smem:$0x3FB4]  }
0x2d: {  	s3 =	simm.s32 $0x108;
	s8 =	sld [smem:$0x3FB5]  }
0x2e: {  	s3 =	simm.s32 @!p0 $0x1082;
	s9 =	sld [smem:$0x3FB6]  }
0x2f: {  	lr =	sadd.s32 s0, s3;
	s0 =	sld [smem:$0x3FAD]  }
0x30: {  	s3 =	sld [smem:$0x3FB0]  }
0x31: {  	[smem:$0x3FB9] =	sst s10  }
0x32: {  	s10 =	sld [smem:$0x3FB7];
	_ =	sdelay $0x3  }
0x33: {  	p0 =	seq.s32 s10, $0x1;
	s10 =	sld [smem:$0x3FB9];
	_ =	sdelay $0x3  }
0x34: {  	[smem:$0x3FB9] =	sst s10  }
0x35: {  	s10 =	sld [smem:$0x3FB8];
	_ =	sdelay $0x3  }
0x36: {  	p1 =	seq.s32 s10, $0x1;
	s10 =	sld [smem:$0x3FB9];
	_ =	sdelay $0x3  }
0x37: {  	[smem:$0x3FB9] =	sst s10  }
0x38: {  	s10 =	sld [smem:$0x3FBA]  }
0x39: {  	_ = 	snop;
	(pc) =	sbr.ind lr, $3  }
0x3a: {  	_ = 	snop  }
0x3b: {  	_ = 	snop  }
0x3c: {  	p2 =	seq.s32 s10, $0x1;
	s10 =	sld [smem:$0x3FB9]  }
0x3d: {  	_ =	shalt  }
0x3e: {  	_ =	shalt  }
0x3f: {  	_ =	shalt  }
0x40: {  	_ =	shalt  }
0x41: {  	_ =	shalt  }
0x42: {  	_ =	shalt  }
0x43: {  	_ =	shalt  }
0x44: {  	_ =	shalt  }
0x45: {  	_ =	shalt  }
0x46: {  	_ =	shalt  }
0x47: {  	_ =	shalt  }
0x48: {  	_ =	shalt  }
0x49: {  	_ =	shalt  }
0x4a: {  	_ =	shalt  }
0x4b: {  	_ =	shalt  }
0x4c: {  	_ =	shalt  }
0x4d: {  	_ =	shalt  }
0x4e: {  	_ =	shalt  }
0x4f: {  	_ =	shalt  }
0x50: {  	_ =	shalt  }
0x51: {  	_ =	shalt  }
0x52: {  	_ =	shalt  }
0x53: {  	_ =	shalt  }
0x54: {  	_ =	shalt  }
0x55: {  	_ =	shalt  }
0x56: {  	_ =	shalt  }
0x57: {  	_ =	shalt  }
0x58: {  	_ =	shalt  }
0x59: {  	_ =	shalt  }
0x5a: {  	_ =	shalt  }
0x5b: {  	_ =	shalt  }
0x5c: {  	_ =	shalt  }
0x5d: {  	_ =	shalt  }
0x5e: {  	_ =	shalt  }
0x5f: {  	_ =	shalt  }
0x60: {  	_ =	shalt  }
0x61: {  	_ =	shalt  }
0x62: {  	_ =	shalt  }
0x63: {  	_ =	shalt  }
0x64: {  	_ =	shalt  }
0x65: {  	_ =	shalt  }
0x66: {  	_ =	shalt  }
0x67: {  	_ =	shalt  }
0x68: {  	_ =	shalt  }
0x69: {  	_ =	shalt  }
0x6a: {  	_ =	shalt  }
0x6b: {  	_ =	shalt  }
0x6c: {  	_ =	shalt  }
0x6d: {  	_ =	shalt  }
0x6e: {  	_ =	shalt  }
0x6f: {  	_ =	shalt  }
0x70: {  	_ =	shalt  }
0x71: {  	_ =	shalt  }
0x72: {  	_ =	shalt  }
0x73: {  	_ =	shalt  }
0x74: {  	_ =	shalt  }
0x75: {  	_ =	shalt  }
0x76: {  	_ =	shalt  }
0x77: {  	_ =	shalt  }
0x78: {  	_ =	shalt  }
0x79: {  	_ =	shalt  }
0x7a: {  	_ =	shalt  }
0x7b: {  	_ =	shalt  }
0x7c: {  	_ =	shalt  }
0x7d: {  	_ =	shalt  }
0x7e: {  	_ =	shalt  }
0x7f: {  	_ =	shalt  }
0x80: {  	_ =	shalt  }
0x81: {  	_ =	shalt  }
0x82: {  	_ =	shalt  }
0x83: {  	_ =	shalt  }
0x84: {  	_ =	shalt  }
0x85: {  	_ =	shalt  }
0x86: {  	_ =	shalt  }
0x87: {  	_ =	shalt  }
.Lfunc_end0:
.L_simem_size_0:
called_computation_lowered:
.L_overlay_start_0:
0x88: {  	s2 =	sld [smem:$0x3FD9]  }
0x89: {  	s3 =	sld [smem:$0x3FFE];
	_ =	sdelay $0x1  }
0x8a: {  	s1 =	srdreg.scid  }
0x8b: {  	s0 =	sand.u32 $0x1, s1  }
0x8c: {  	s17 =	sshll.u32 s0, $0xA;
	s2 =	sadd.s32 s3, s2  }
0x8d: {  	s2 =	sadd.s32 s2, s17  }
0x8e: {  	[smem:$0x3FC5] =	sst s2  }
0x8f: {  	_ = 	snop  }
0x90: {  	s2 =	sld [smem:$0x3FC9]  }
0x91: {  	s18 =	sld [smem:$0x3FD0];
	(tm) =	ssettm $0x1  }
0x92: {  	s4 =	sld [smem:$0x3FFB];
	_ =	sdelay $0x3  }
0x93: {  	_ =	strace s4  }
0x94: {  	s4 =	sld [smem:$0x3FFC];
	_ =	sdelay $0x3  }
0x95: {  	_ =	strace s4  }
0x96: {  	s4 =	sld [smem:$0x3FFD];
	_ =	sdelay $0x3  }
0x97: {  	_ =	strace s4  }
0x98: {  	_ =	strace $0x8FFFFFFF  }
0x99: {  	s19 =	sld [smem:$0x3FDB];
	_ =	sdelay $0x1  }
0x9a: {  	s5 =	simm.s32 $_scs_section_size  }
0x9b: {  	s6 =	simm.s32 $_size__tile_overlayer_lowered;
	s7 =	simm.s32 $_tile_overlayer_lowered  }
0x9c: {  	s22 =	simm.s32 $0x1BFF;
	s21 =	sshll.u32 s7, $0x1;
	s4 =	sadd.s32 s5, s19  }
0x9d: {  	s8 =	simm.s32 $0x0;
	s20 =	sshll.u32 s6, $0x1;
	s6 =	sadd.s32 s21, s4  }
0x9e: {  	[timem:s8], [sflag:s22] =	dma.local [hbm:s6], s20  }
0x9f: {  	_ =	swait.ge [sflag:s22], s20  }
0xa0: {  	s5 =	ssub.s32 $0x0, s20;
	[sflag:s22] =	ssyncset.done $0x0  }
0xa1: {  	[sflag:s22] =	ssyncadd.s32 s5;
	_ =	sdelay $0x1  }
0xa2: {  	s23 =	simm.s32 $0x1B8B  }
0xa3: {  	_ =	swait.ge [sflag:s23], $0x1  }
0xa4: {  	[sflag:s23] =	ssyncset.done $0x0  }
0xa5: {  	s25 =	simm.s32 $0x1B8E;
	s24 =	sld [smem:$0x3FFE];
	[sflag:s23] =	ssyncadd.s32 $0xFFFFFFFF  }
0xa6: {  	s26 =	simm.s32 $execute0_lowered;
	[smem:$0x3FD2] =	sst s25  }
0xa7: {  	s6 =	sshll.u32 s26, $0x1;
	_ =	strace $0x80000046;
	[dreg:$0x1] =	wrdreg $0xFFFFFFFF  }
0xa8: {  	s28 =	simm.s32 $_size_execute0_lowered;
	s4 =	sadd.s32 s4, s6;
	[dreg:$0x0] =	wrdreg $0x0  }
0xa9: {  	s6 =	sshll.u32 s28, $0x1;
	[dreg:$0x2] =	wrdreg s4  }
0xaa: {  	[dreg:$0x3] =	wrdreg s6  }
0xab: {  	[dreg:$0x4] =	wrdreg $0xC0  }
0xac: {  	_ =	task [dreg:s8], $0x5FFFF  }
0xad: {  	[dreg:$0x1] =	wrdreg $0xFFFFFFFF  }
0xae: {  	[dreg:$0x0] =	wrdreg $0x60  }
0xaf: {  	[dreg:$0x2] =	wrdreg s2  }
0xb0: {  	[dreg:$0x3] =	wrdreg s18  }
0xb1: {  	[dreg:$0x4] =	wrdreg s24  }
0xb2: {  	[dreg:$0x5] =	wrdreg $0x98400  }
0xb3: {  	[dreg:$0x6] =	wrdreg $0x148080  }
0xb4: {  	[dreg:$0x7] =	wrdreg $0x9  }
0xb5: {  	_ =	task.clear_ibuf [dreg:s8], $0x8FFFF;
	_ =	strace $0x90000046  }
0xb6: {  	s29 =	simm.s32 $0x9;
	_ =	strace $0x80000048  }
0xb7: {  	_ =	swait.ge [sflag:s29], $0x1  }
0xb8: {  	[sflag:s29] =	ssyncadd.s32 $0xFFFFFFFF  }
0xb9: {  	_ =	strace $0x90000048  }
0xba: {  	_ =	sfence  }
0xbb: {  	s30 =	sld [smem:$0x0];
	_ =	sdelay $0x2  }
0xbc: {  	s31 =	sshll.u32 s1, $0xD;
	s1 =	sshrl.u32 s1, $0x2  }
0xbd: {  	s3 =	sand.u32 $0x4000, s31;
	s1 =	sadd.s32 s1, s30  }
0xbe: {  	s0 =	sor.u32 s3, s0;
	s1 =	sshll.u32 s1, $0x11  }
0xbf: {  	s0 =	sor.u32 s1, s0  }
0xc0: {  	s0 =	sadd.s32 $0x8F2B, s0  }
0xc1: {  	[sflag:s0] =	ssyncadd.remote.s32 $0x1  }
0xc2: {  	_ =	sfence.sel $0xFFFF  }
0xc3: {  	[dreg:$0x0] =	wrdreg $0xFFFFFFFF;
	(pc) =	sbr.abs _section_cstart, $3  }
0xc4: {  	[dreg:$0x1] =	wrdreg $0xFFFFFFFF  }
0xc5: {  	_ =	task.clear_ibuf [dreg:s8], $0x2FFFF;
	_ =	strace $0x9FFFFFFF  }
0xc6: {  	(tm) =	ssettm $0x7FFFFFFF  }
0xc7: {  	_ =	shalt  }
tec
execute0_lowered:
.L_overlay_start_1:
0x0: {  	(tag) =	ssettag $0x1  }
0x1: {  	s0 =	rddreg [dreg:$0x0]  }
0x2: {  	s3 =	rddreg [dreg:$0x1]  }
0x3: {  	s4 =	rddreg [dreg:$0x2]  }
0x4: {  	s1 =	rddreg [dreg:$0x3]  }
0x5: {  	s2 =	rddreg [dreg:$0x4]  }
0x6: {  	s15 =	simm.s32 $0x0;
	s5 =	srdreg.scid;
	s11 =	stileid.u32  }
0x7: {  	[smem:$0x7FF] =	sst s15;
	s17 =	smul.u32 $0x13C00, s11  }
0x8: {  	s6 =	sadd.s32 $0x1200, s4;
	s5 =	sand.u32 $0x1, s5;
	s19 =	smul.u32 $0xB1C0, s11  }
0x9: {  	s7 =	sadd.s32 $0xE00, s4;
	s4 =	sadd.s32 $0x2A00, s4;
	s10 =	smul.u32 $0x4E20, s11  }
0xa: {  	s26 =	smul.u32 $0x2C700, s11;
	_ =	strace $0x80000047;
	[dreg:$0x9] =	wrdreg s6  }
0xb: {  	s29 =	smul.u32 $0x9C4, s11;
	[dreg:$0xa] =	wrdreg s7;
	s8 =	ssub.s32 $0x2, s5  }
0xc: {  	s18 =	sshll.u32 s5, $0x6;
	s9 =	sshrl.u32 s8, $0x1;
	s22 =	sadd.s32 s19, s2  }
0xd: {  	s12 =	sadd.s32 s19, s1;
	s21 =	sshrl.u32 s10, $0x3;
	[dreg:$0xf] =	wrdreg s22  }
0xe: {  	s8 =	ssub.s32 s8, s9;
	s9 =	sadd.s32 s3, s21;
	[dreg:$0xb] =	wrdreg s12  }
0xf: {  	s6 =	sor.u32 s18, s17;
	s3 =	sadd.s32 s29, s3;
	[dreg:$0xe] =	wrdreg s9  }
0x10: {  	s6 =	sshrl.u32 s6, $0x3;
	s13 =	sadd.s32 $0x40, s12;
	[dreg:$0x6] =	wrdreg s3  }
0x11: {  	s20 =	sshll.u32 s5, $0x3;
	s6 =	sadd.s32 s0, s6;
	[dreg:$0xd] =	wrdreg s13  }
0x12: {  	s5 =	smul.u32 $0xAFC80, s5;
	s23 =	sadd.s32 $0x9C40, s9;
	[dreg:$0xc] =	wrdreg s6  }
0x13: {  	p0 =	seq.s32 s11, $0xF;
	s24 =	sadd.s32 $0x9C0, s9;
	[dreg:$0x11] =	wrdreg s23  }
0x14: {  	s25 =	sadd.s32 s19, s5;
	s28 =	sadd.s32 $0xA600, s9;
	[dreg:$0x12] =	wrdreg s24  }
0x15: {  	s5 =	sshrl.u32 s5, $0x3;
	s31 =	smax.u32 s8, $0x1;
	[dreg:$0x13] =	wrdreg s28  }
0x16: {  	s0 =	sadd.s32 s20, s0;
	s3 =	sshrl.u32 @p0 s12, $0x3;
	[dreg:$0x16] =	wrdreg s31  }
0x17: {  	s5 =	sadd.s32 s4, s5;
	s0 =	sadd.s32 $0x25080, s0;
	[dreg:$0x17] =	wrdreg s3  }
0x18: {  	s30 =	sadd.s32 $0x14D48, s5;
	[dreg:$0x10] =	wrdreg s0;
	s0 =	sshrl.u32 s25, $0x3  }
0x19: {  	s6 =	sshrl.u32 s26, $0x2;
	[dreg:$0x15] =	wrdreg s30;
	s0 =	sadd.s32 s4, s0  }
0x1a: {  	s3 =	sshrl.u32 @p0 s13, $0x3;
	[dreg:$0x14] =	wrdreg s0;
	s0 =	sadd.s32 s6, s2  }
0x1b: {  	[dreg:$0x18] =	wrdreg s3;
	s0 =	sshrl.u32 @p0 s0, $0x3  }
0x1c: {  	s16 =	simm.s32 $0x40;
	[dreg:$0x19] =	wrdreg s0;
	s0 =	simm.s32 $0x0  }
.LBB2_1:
0x1d: {  	[dreg:$0x1a] =	wrdreg s0  }
0x1e: {  	s3 =	simm.s32 @p0 $0x1;
	s4 =	simm.s32 @p0 $0x9;
	s9 =	rddreg [dreg:$0x10]  }
0x1f: {  	s5 =	simm.s32 @p0 $0x10;
	s6 =	simm.s32 @p0 $0x1FD2;
	s11 =	rddreg [dreg:$0x17]  }
0x20: {  	[spmem:s11@s4], [sflag:s6] =	dma.strided @p0 [hbm:s9@s5], $0x1040, s3, $0x8   }
0x21: {  	s5 =	simm.s32 @p0 $0x12  }
0x22: {  	_ =	swait.ge @p0 [sflag:s5], $0x1040  }
0x23: {  	[sflag:s5] =	ssyncset.done @p0 $0x0;
	s11 =	rddreg [dreg:$0xa]  }
0x24: {  	s9 =	rddreg [dreg:$0x18];
	[sflag:s5] =	ssyncadd.s32 @p0 $0xFFFFEFC0  }
0x25: {  	[spmem:s9@s4], [sflag:s6] =	dma.strided @p0 [hbm:s11@s3], $0x208, s3, $0x1   }
0x26: {  	_ =	swait.ge @p0 [sflag:s5], $0x208  }
0x27: {  	[sflag:s5] =	ssyncset.done @p0 $0x0;
	s19 =	rddreg [dreg:$0xf]  }
0x28: {  	s9 =	rddreg [dreg:$0x9];
	[sflag:s5] =	ssyncadd.s32 @p0 $0xFFFFFDF8;
	s3 =	sshrl.u32 @p0 s19, $0x3  }
0x29: {  	[spmem:s3], [sflag:s6] =	dma.local @p0 [hbm:s9], $0x1248  }
0x2a: {  	s3 =	stileid.u32  }
0x2b: {  	_ =	swait.ge @p0 [sflag:s5], $0x1248;
	s3 =	sshll.u32 @!p0 s3, $0x6  }
0x2c: {  	s4 =	simm.s32 @!p0 $0x1;
	s0 =	sor.u32 @!p0 $0x1C12, s3;
	s3 =	rddreg [dreg:$0xb]  }
0x2d: {  	s6 =	simm.s32 @!p0 $0x10;
	[sflag:s5] =	ssyncset.done @p0 $0x0;
	s18 =	rddreg [dreg:$0xc]  }
0x2e: {  	[sflag:s5] =	ssyncadd.s32 @p0 $0xFFFFEDB8;
	s3 =	sshrl.u32 @!p0 s3, $0x3;
	s5 =	simm.s32 @!p0 $0x9  }
0x2f: {  	[spmem:s3@s5], [sflag:s0] =	dma.strided @!p0 [hbm:s18@s6], $0x13C0, s4, $0x8   }
0x30: {  	s3 =	simm.s32 @!p0 $0x12  }
0x31: {  	_ =	swait.ge @!p0 [sflag:s3], $0x13C0  }
0x32: {  	[sflag:s3] =	ssyncset.done @!p0 $0x0;
	s6 =	rddreg [dreg:$0xd]  }
0x33: {  	[sflag:s3] =	ssyncadd.s32 @!p0 $0xFFFFEC40;
	s6 =	sshrl.u32 @!p0 s6, $0x3  }
0x34: {  	[spmem:s6@s5], [sflag:s0] =	dma.strided @!p0 [hbm:s11@s4], $0x278, s4, $0x1   }
0x35: {  	_ =	swait.ge @!p0 [sflag:s3], $0x278  }
0x36: {  	s1 =	sshrl.u32 @!p0 s19, $0x3;
	[dreg:$0x1b] =	wrdreg s0;
	[sflag:s3] =	ssyncset.done @!p0 $0x0  }
0x37: {  	[dreg:$0x1c] =	wrdreg s1;
	[sflag:s3] =	ssyncadd.s32 @!p0 $0xFFFFFD88  }
0x38: {  	[spmem:s1], [sflag:s0] =	dma.local @!p0 [hbm:s9], $0x1638  }
0x39: {  	_ =	swait.ge @!p0 [sflag:s3], $0x1638  }
0x3a: {  	[sflag:s3] =	ssyncset.done @!p0 $0x0  }
0x3b: {  	s22 =	rddreg [dreg:$0xe];
	[sflag:s3] =	ssyncadd.s32 @!p0 $0xFFFFE9C8  }
0x3c: {  	[tilespmem:s15], [sflag:$0x1] =	stream.linear.gather [hbm4b:s22+s15], $0x200, $0x38;
	[tilespmem:$0x1F7D0] =	vst v63  }
0x3d: {  	s24 =	simm.s32 $0x400;
	s25 =	simm.s32 $0x1;
	s23 =	rddreg [dreg:$0x11]  }
0x3e: {  	[tilespmem:s24], [sflag:$0x1] =	stream.linear.gather [hbm4b:s23+s15], $0x200, $0x38;
	[tilespmem:$0x1F7D0] =	vst v63  }
0x3f: {  	_ =	swait.ge [sflag:s25], $0x200  }
0x40: {  	[sflag:s25] =	ssyncset.done $0x0  }
0x41: {  	[sflag:s25] =	ssyncadd.s32 $0xFFFFFE00  }
0x42: {  	_ =	swait.ge [sflag:s25], $0x200  }
0x43: {  	[sflag:s25] =	ssyncset.done $0x0  }
0x44: {  	[sflag:s25] =	ssyncadd.s32 $0xFFFFFE00  }
0x45: {  	[bflag:$0x0] =	sbarrier.arrive $0xFFFF  }
0x46: {  	s21 =	simm.s32 $0x840;
	s2 =	rddreg [dreg:$0x3]  }
0x47: {  	[tilespmem:s21], [sflag:$0x2] =	stream.indirect.gather [spmem:s2], $0x48, s15, s16, $0xb8;
	[tilespmem:$0x1F7D0] =	vst v63  }
0x48: {  	s7 =	simm.s32 $0x1A40  }
0x49: {  	[tilespmem:s7], [sflag:$0x3] =	stream.indirect.gather [spmem:s2], $0x48, s24, s16, $0xb8;
	[tilespmem:$0x1F7D0] =	vst v63  }
0x4a: {  	s10 =	simm.s32 $0x2C40;
	p1 =	por $0x1, $0x1  }
0x4b: {  	[tilespmem:s10], [sflag:$0x4] =	stream.indirect.gather [spmem:s2], $0x48, s16, s16, $0xb8;
	[tilespmem:$0x1F7D0] =	vst v63  }
0x4c: {  	s26 =	simm.s32 $0x440;
	s5 =	simm.s32 @!p1 $0xE;
	s0 =	simm.s32 $0x3E40  }
0x4d: {  	[tilespmem:s0], [sflag:$0x5] =	stream.indirect.gather [spmem:s2], $0x48, s26, s16, $0xb8;
	[tilespmem:$0x1F7D0] =	vst v63  }
0x4e: {  	_ =	swait.ge @!p1 [sflag:s5], $0x1200  }
0x4f: {  	s12 =	simm.s32 $0x5040;
	s4 =	sand.u32 $0x200, s15;
	[sflag:s5] =	ssyncset.done @!p1 $0x0  }
0x50: {  	s6 =	sor.u32 $0x80, s4;
	s23 =	simm.s32 $0x2;
	[sflag:s5] =	ssyncadd.s32 @!p1 $0xFFFFEE00  }
0x51: {  	[tilespmem:s12], [sflag:$0x6] =	stream.indirect.gather [spmem:s2], $0x48, s6, s16, $0xb8;
	[tilespmem:$0x1F7D0] =	vst v63  }
0x52: {  	_ =	swait.ge [sflag:s23], $0x1200  }
0x53: {  	[sflag:s23] =	ssyncset.done $0x0  }
0x54: {  	[sflag:s23] =	ssyncadd.s32 $0xFFFFEE00  }
0x55: {  	s28 =	sor.u32 $0x400, s4;
	s9 =	simm.s32 @!p1 $0xF;
	s22 =	rddreg [dreg:$0x4]  }
0x56: {  	[spmem:s22] =	stream.indirect.scatter.add.f32 [tilespmem:s21], [sflag:$0xA], $0x48, s28, s16, $0xb8;
	[tilespmem:$0x1F7D0] =	vst v63  }
0x57: {  	_ =	swait.ge @!p1 [sflag:s9], $0x1200  }
0x58: {  	s8 =	simm.s32 $0x3;
	[sflag:s9] =	ssyncset.done @!p1 $0x0  }
0x59: {  	s29 =	sor.u32 $0x400, s6;
	s24 =	simm.s32 $0x6240;
	[sflag:s9] =	ssyncadd.s32 @!p1 $0xFFFFEE00  }
0x5a: {  	[tilespmem:s24], [sflag:$0x7] =	stream.indirect.gather [spmem:s2], $0x48, s29, s16, $0xb8;
	[tilespmem:$0x1F7D0] =	vst v63  }
0x5b: {  	_ =	swait.ge [sflag:s8], $0x1200  }
0x5c: {  	[sflag:s8] =	ssyncset.done $0x0  }
0x5d: {  	s5 =	simm.s32 @!p1 $0x10;
	[sflag:s8] =	ssyncadd.s32 $0xFFFFEE00  }
0x5e: {  	[spmem:s22] =	stream.indirect.scatter.add.f32 [tilespmem:s7], [sflag:$0xB], $0x48, s4, s16, $0xb8;
	[tilespmem:$0x1F7D0] =	vst v63  }
0x5f: {  	_ =	swait.ge @!p1 [sflag:s5], $0x1200  }
0x60: {  	s13 =	simm.s32 $0x7440;
	[sflag:s5] =	ssyncset.done @!p1 $0x0  }
0x61: {  	s14 =	simm.s32 $0x4;
	s9 =	sor.u32 $0xC0, s4;
	[sflag:s5] =	ssyncadd.s32 @!p1 $0xFFFFEE00  }
0x62: {  	[tilespmem:s13], [sflag:$0x8] =	stream.indirect.gather [spmem:s2], $0x48, s9, s16, $0xb8;
	[tilespmem:$0x1F7D0] =	vst v63  }
0x63: {  	_ =	swait.ge [sflag:s14], $0x1200  }
0x64: {  	[sflag:s14] =	ssyncset.done $0x0  }
0x65: {  	s30 =	sor.u32 $0x440, s4;
	s15 =	simm.s32 @!p1 $0x11;
	[sflag:s14] =	ssyncadd.s32 $0xFFFFEE00  }
0x66: {  	[spmem:s22] =	stream.indirect.scatter.add.f32 [tilespmem:s10], [sflag:$0xC], $0x48, s30, s16, $0xb8;
	[tilespmem:$0x1F7D0] =	vst v63  }
0x67: {  	_ =	swait.ge @!p1 [sflag:s15], $0x1200  }
0x68: {  	s17 =	simm.s32 $0x5;
	[sflag:s15] =	ssyncset.done @!p1 $0x0  }
0x69: {  	s28 =	simm.s32 $0x8640;
	s31 =	sor.u32 $0x400, s9;
	[sflag:s15] =	ssyncadd.s32 @!p1 $0xFFFFEE00  }
0x6a: {  	[tilespmem:s28], [sflag:$0x9] =	stream.indirect.gather [spmem:s2], $0x48, s31, s16, $0xb8;
	[tilespmem:$0x1F7D0] =	vst v63  }
0x6b: {  	_ =	swait.ge [sflag:s17], $0x1200  }
0x6c: {  	[sflag:s17] =	ssyncset.done $0x0  }
0x6d: {  	s20 =	sor.u32 $0x40, s4;
	[sflag:s17] =	ssyncadd.s32 $0xFFFFEE00  }
0x6e: {  	[spmem:s22] =	stream.indirect.scatter.add.f32 [tilespmem:s0], [sflag:$0xD], $0x48, s20, s16, $0xb8;
	[tilespmem:$0x1F7D0] =	vst v63  }
0x6f: {  	s20 =	simm.s32 $0xA  }
0x70: {  	_ =	swait.ge [sflag:s20], $0x1200  }
0x71: {  	s3 =	sand.u32 $0x1, s25;
	p1 =	por $0x0, $0x0;
	s5 =	rddreg [dreg:$0x6]  }
0x72: {  	s19 =	simm.s32 @!p1 $0x0;
	[sflag:s20] =	ssyncset.done $0x0;
	s18 =	sadd.s32 @!p1 $0x0, s5  }
0x73: {  	s3 =	sshll.u32 @!p1 s3, $0x9;
	[sflag:s20] =	ssyncadd.s32 $0xFFFFEE00;
	s5 =	sadd.s32 @!p1 $0x40, s18  }
0x74: {  	[tilespmem:s3], [sflag:$0x1] =	stream.linear.gather @!p1 [hbm4b:s5+s19], $0x200, $0x38;
	[tilespmem:$0x1F7D0] =	vst v63  }
0x75: {  	s18 =	sadd.s32 @!p1 $0x9C80, s18;
	s5 =	sor.u32 @!p1 $0x400, s3  }
0x76: {  	[tilespmem:s5], [sflag:$0x1] =	stream.linear.gather @!p1 [hbm4b:s18+s19], $0x200, $0x38;
	[tilespmem:$0x1F7D0] =	vst v63  }
0x77: {  	s25 =	simm.s32 $0x6;
	s18 =	sor.u32 $0x100, s4  }
0x78: {  	[tilespmem:s21], [sflag:$0x2] =	stream.indirect.gather [spmem:s2], $0x48, s18, s16, $0xb8;
	[tilespmem:$0x1F7D0] =	vst v63  }
0x79: {  	_ =	swait.ge [sflag:s25], $0x1200  }
0x7a: {  	[sflag:s25] =	ssyncset.done $0x0  }
0x7b: {  	s26 =	simm.s32 $0xB;
	[sflag:s25] =	ssyncadd.s32 $0xFFFFEE00  }
0x7c: {  	[spmem:s22] =	stream.indirect.scatter.add.f32 [tilespmem:s12], [sflag:$0xE], $0x48, s29, s16, $0xb8;
	[tilespmem:$0x1F7D0] =	vst v63  }
0x7d: {  	_ =	swait.ge [sflag:s26], $0x1200  }
0x7e: {  	[sflag:s26] =	ssyncset.done $0x0  }
0x7f: {  	s11 =	sor.u32 $0x500, s4;
	s1 =	simm.s32 $0x7;
	[sflag:s26] =	ssyncadd.s32 $0xFFFFEE00  }
0x80: {  	[tilespmem:s7], [sflag:$0x3] =	stream.indirect.gather [spmem:s2], $0x48, s11, s16, $0xb8;
	[tilespmem:$0x1F7D0] =	vst v63  }
0x81: {  	_ =	swait.ge [sflag:s1], $0x1200  }
0x82: {  	[sflag:s1] =	ssyncset.done $0x0  }
0x83: {  	s25 =	simm.s32 $0xC;
	[sflag:s1] =	ssyncadd.s32 $0xFFFFEE00  }
0x84: {  	[spmem:s22] =	stream.indirect.scatter.add.f32 [tilespmem:s24], [sflag:$0xF], $0x48, s6, s16, $0xb8;
	[tilespmem:$0x1F7D0] =	vst v63  }
0x85: {  	_ =	swait.ge [sflag:s25], $0x1200  }
0x86: {  	[sflag:s25] =	ssyncset.done $0x0  }
0x87: {  	s19 =	sor.u32 $0x140, s4;
	s29 =	simm.s32 $0x8;
	[sflag:s25] =	ssyncadd.s32 $0xFFFFEE00  }
0x88: {  	[tilespmem:s10], [sflag:$0x4] =	stream.indirect.gather [spmem:s2], $0x48, s19, s16, $0xb8;
	[tilespmem:$0x1F7D0] =	vst v63  }
0x89: {  	_ =	swait.ge [sflag:s29], $0x1200  }
0x8a: {  	[sflag:s29] =	ssyncset.done $0x0  }
0x8b: {  	s30 =	simm.s32 $0xD;
	[sflag:s29] =	ssyncadd.s32 $0xFFFFEE00  }
0x8c: {  	[spmem:s22] =	stream.indirect.scatter.add.f32 [tilespmem:s13], [sflag:$0x10], $0x48, s31, s16, $0xb8;
	[tilespmem:$0x1F7D0] =	vst v63  }
0x8d: {  	_ =	swait.ge [sflag:s30], $0x1200  }
0x8e: {  	[sflag:s30] =	ssyncset.done $0x0  }
0x8f: {  	s26 =	simm.s32 $0x9;
	s31 =	sor.u32 $0x540, s4;
	[sflag:s30] =	ssyncadd.s32 $0xFFFFEE00  }
0x90: {  	[tilespmem:s0], [sflag:$0x5] =	stream.indirect.gather [spmem:s2], $0x48, s31, s16, $0xb8;
	[tilespmem:$0x1F7D0] =	vst v63  }
0x91: {  	_ =	swait.ge [sflag:s26], $0x1200  }
0x92: {  	[sflag:s26] =	ssyncset.done $0x0  }
0x93: {  	[sflag:s26] =	ssyncadd.s32 $0xFFFFEE00  }
0x94: {  	[spmem:s22] =	stream.indirect.scatter.add.f32 [tilespmem:s28], [sflag:$0x11], $0x48, s9, s16, $0xb8;
	[tilespmem:$0x1F7D0] =	vst v63  }
0x95: {  	s9 =	simm.s32 $0xE  }
0x96: {  	_ =	swait.ge [sflag:s9], $0x1200  }
0x97: {  	[sflag:s9] =	ssyncset.done $0x0  }
0x98: {  	s6 =	sor.u32 $0x180, s4;
	[sflag:s9] =	ssyncadd.s32 $0xFFFFEE00  }
0x99: {  	[tilespmem:s12], [sflag:$0x6] =	stream.indirect.gather [spmem:s2], $0x48, s6, s16, $0xb8;
	[tilespmem:$0x1F7D0] =	vst v63  }
0x9a: {  	_ =	swait.ge [sflag:s23], $0x1200  }
0x9b: {  	[sflag:s23] =	ssyncset.done $0x0  }
0x9c: {  	s29 =	simm.s32 $0xF;
	[sflag:s23] =	ssyncadd.s32 $0xFFFFEE00  }
0x9d: {  	[spmem:s22] =	stream.indirect.scatter.add.f32 [tilespmem:s21], [sflag:$0xA], $0x48, s11, s16, $0xb8;
	[tilespmem:$0x1F7D0] =	vst v63  }
0x9e: {  	_ =	swait.ge [sflag:s29], $0x1200  }
0x9f: {  	[sflag:s29] =	ssyncset.done $0x0  }
0xa0: {  	s9 =	sor.u32 $0x580, s4;
	[sflag:s29] =	ssyncadd.s32 $0xFFFFEE00  }
0xa1: {  	[tilespmem:s24], [sflag:$0x7] =	stream.indirect.gather [spmem:s2], $0x48, s9, s16, $0xb8;
	[tilespmem:$0x1F7D0] =	vst v63  }
0xa2: {  	_ =	swait.ge [sflag:s8], $0x1200  }
0xa3: {  	[sflag:s8] =	ssyncset.done $0x0  }
0xa4: {  	s30 =	simm.s32 $0x10;
	[sflag:s8] =	ssyncadd.s32 $0xFFFFEE00  }
0xa5: {  	[spmem:s22] =	stream.indirect.scatter.add.f32 [tilespmem:s7], [sflag:$0xB], $0x48, s18, s16, $0xb8;
	[tilespmem:$0x1F7D0] =	vst v63  }
0xa6: {  	_ =	swait.ge [sflag:s30], $0x1200  }
0xa7: {  	[sflag:s30] =	ssyncset.done $0x0  }
0xa8: {  	s23 =	sor.u32 $0x1C0, s4;
	[sflag:s30] =	ssyncadd.s32 $0xFFFFEE00  }
0xa9: {  	[tilespmem:s13], [sflag:$0x8] =	stream.indirect.gather [spmem:s2], $0x48, s23, s16, $0xb8;
	[tilespmem:$0x1F7D0] =	vst v63  }
0xaa: {  	_ =	swait.ge [sflag:s14], $0x1200  }
0xab: {  	[sflag:s14] =	ssyncset.done $0x0  }
0xac: {  	[sflag:s14] =	ssyncadd.s32 $0xFFFFEE00  }
0xad: {  	[spmem:s22] =	stream.indirect.scatter.add.f32 [tilespmem:s10], [sflag:$0xC], $0x48, s31, s16, $0xb8;
	[tilespmem:$0x1F7D0] =	vst v63  }
0xae: {  	s31 =	simm.s32 $0x11  }
0xaf: {  	_ =	swait.ge [sflag:s31], $0x1200  }
0xb0: {  	[sflag:s31] =	ssyncset.done $0x0  }
0xb1: {  	s4 =	sor.u32 $0x5C0, s4;
	[sflag:s31] =	ssyncadd.s32 $0xFFFFEE00  }
0xb2: {  	[tilespmem:s28], [sflag:$0x9] =	stream.indirect.gather [spmem:s2], $0x48, s4, s16, $0xb8;
	[tilespmem:$0x1F7D0] =	vst v63  }
0xb3: {  	_ =	swait.ge [sflag:s17], $0x1200  }
0xb4: {  	[sflag:s17] =	ssyncset.done $0x0  }
0xb5: {  	[sflag:s17] =	ssyncadd.s32 $0xFFFFEE00  }
0xb6: {  	[spmem:s22] =	stream.indirect.scatter.add.f32 [tilespmem:s0], [sflag:$0xD], $0x48, s19, s16, $0xb8;
	[tilespmem:$0x1F7D0] =	vst v63  }
0xb7: {  	_ =	swait.ge [sflag:s20], $0x1200  }
0xb8: {  	[sflag:s20] =	ssyncset.done $0x0  }
0xb9: {  	s11 =	simm.s32 @p1 $0x6;
	[sflag:s20] =	ssyncadd.s32 $0xFFFFEE00  }
0xba: {  	_ =	swait.ge @p1 [sflag:s11], $0x1200  }
0xbb: {  	s15 =	simm.s32 @p1 $0xB;
	[sflag:s11] =	ssyncset.done @p1 $0x0  }
0xbc: {  	s18 =	simm.s32 @p1 $0x5040;
	[sflag:s11] =	ssyncadd.s32 @p1 $0xFFFFEE00;
	s11 =	simm.s32 @p1 $0x40  }
0xbd: {  	[spmem:s22] =	stream.indirect.scatter.add.f32 @p1 [tilespmem:s18], [sflag:$0xE], $0x48, s9, s11, $0xb8;
	[tilespmem:$0x1F7D0] =	vst v63  }
0xbe: {  	_ =	swait.ge @p1 [sflag:s15], $0x1200  }
0xbf: {  	[sflag:s15] =	ssyncset.done @p1 $0x0  }
0xc0: {  	[sflag:s15] =	ssyncadd.s32 @p1 $0xFFFFEE00;
	s15 =	simm.s32 @!p1 $0x1  }
0xc1: {  	_ =	swait.ge @!p1 [sflag:s15], $0x200  }
0xc2: {  	[sflag:s15] =	ssyncset.done @!p1 $0x0  }
0xc3: {  	[sflag:s15] =	ssyncadd.s32 @!p1 $0xFFFFFE00  }
0xc4: {  	_ =	swait.ge @!p1 [sflag:s15], $0x200  }
0xc5: {  	[sflag:s15] =	ssyncset.done @!p1 $0x0  }
0xc6: {  	s18 =	simm.s32 @!p1 $0x840;
	[sflag:s15] =	ssyncadd.s32 @!p1 $0xFFFFFE00;
	s15 =	simm.s32 @!p1 $0x40  }
0xc7: {  	[tilespmem:s18], [sflag:$0x2] =	stream.indirect.gather @!p1 [spmem:s2], $0x48, s3, s15, $0xb8;
	[tilespmem:$0x1F7D0] =	vst v63  }
0xc8: {  	s18 =	simm.s32 @!p1 $0x6  }
0xc9: {  	_ =	swait.ge @!p1 [sflag:s18], $0x1200  }
0xca: {  	[sflag:s18] =	ssyncset.done @!p1 $0x0  }
0xcb: {  	[sflag:s18] =	ssyncadd.s32 @!p1 $0xFFFFEE00;
	s18 =	simm.s32 @!p1 $0x5040  }
0xcc: {  	[spmem:s22] =	stream.indirect.scatter.add.f32 @!p1 [tilespmem:s18], [sflag:$0xE], $0x48, s9, s15, $0xb8;
	[tilespmem:$0x1F7D0] =	vst v63  }
0xcd: {  	s9 =	simm.s32 @!p1 $0xB  }
0xce: {  	_ =	swait.ge @!p1 [sflag:s9], $0x1200  }
0xcf: {  	[sflag:s9] =	ssyncset.done @!p1 $0x0  }
0xd0: {  	[sflag:s9] =	ssyncadd.s32 @!p1 $0xFFFFEE00;
	s9 =	simm.s32 @!p1 $0x1A40  }
0xd1: {  	[tilespmem:s9], [sflag:$0x3] =	stream.indirect.gather @!p1 [spmem:s2], $0x48, s5, s15, $0xb8;
	[tilespmem:$0x1F7D0] =	vst v63  }
0xd2: {  	_ =	swait.ge [sflag:s1], $0x1200  }
0xd3: {  	[sflag:s1] =	ssyncset.done $0x0  }
0xd4: {  	[sflag:s1] =	ssyncadd.s32 $0xFFFFEE00  }
0xd5: {  	[spmem:s22] =	stream.indirect.scatter.add.f32 [tilespmem:s24], [sflag:$0xF], $0x48, s6, s16, $0xb8;
	[tilespmem:$0x1F7D0] =	vst v63  }
0xd6: {  	_ =	swait.ge [sflag:s25], $0x1200  }
0xd7: {  	[sflag:s25] =	ssyncset.done $0x0  }
0xd8: {  	s5 =	simm.s32 @p1 $0x8;
	[sflag:s25] =	ssyncadd.s32 $0xFFFFEE00  }
0xd9: {  	_ =	swait.ge @p1 [sflag:s5], $0x1200  }
0xda: {  	[sflag:s5] =	ssyncset.done @p1 $0x0  }
0xdb: {  	[sflag:s5] =	ssyncadd.s32 @p1 $0xFFFFEE00;
	s5 =	simm.s32 @p1 $0x7440  }
0xdc: {  	[spmem:s22] =	stream.indirect.scatter.add.f32 @p1 [tilespmem:s5], [sflag:$0x10], $0x48, s4, s11, $0xb8;
	[tilespmem:$0x1F7D0] =	vst v63  }
0xdd: {  	s5 =	simm.s32 @p1 $0xD  }
0xde: {  	_ =	swait.ge @p1 [sflag:s5], $0x1200  }
0xdf: {  	[sflag:s5] =	ssyncset.done @p1 $0x0  }
0xe0: {  	s6 =	sor.u32 @!p1 $0x40, s3;
	[sflag:s5] =	ssyncadd.s32 @p1 $0xFFFFEE00;
	s5 =	simm.s32 @!p1 $0x2C40  }
0xe1: {  	[tilespmem:s5], [sflag:$0x4] =	stream.indirect.gather @!p1 [spmem:s2], $0x48, s6, s15, $0xb8;
	[tilespmem:$0x1F7D0] =	vst v63  }
0xe2: {  	s5 =	simm.s32 @!p1 $0x8  }
0xe3: {  	_ =	swait.ge @!p1 [sflag:s5], $0x1200  }
0xe4: {  	[sflag:s5] =	ssyncset.done @!p1 $0x0  }
0xe5: {  	[sflag:s5] =	ssyncadd.s32 @!p1 $0xFFFFEE00;
	s5 =	simm.s32 @!p1 $0x7440  }
0xe6: {  	[spmem:s22] =	stream.indirect.scatter.add.f32 @!p1 [tilespmem:s5], [sflag:$0x10], $0x48, s4, s15, $0xb8;
	[tilespmem:$0x1F7D0] =	vst v63  }
0xe7: {  	s5 =	simm.s32 @!p1 $0xD  }
0xe8: {  	_ =	swait.ge @!p1 [sflag:s5], $0x1200  }
0xe9: {  	p2 =	por $0x0, $0x0;
	[sflag:s5] =	ssyncset.done @!p1 $0x0  }
0xea: {  	s3 =	sor.u32 @!p1 $0x440, s3;
	[sflag:s5] =	ssyncadd.s32 @!p1 $0xFFFFEE00;
	s5 =	simm.s32 @!p1 $0x3E40  }
0xeb: {  	[tilespmem:s5], [sflag:$0x5] =	stream.indirect.gather @!p1 [spmem:s2], $0x48, s3, s15, $0xb8;
	[tilespmem:$0x1F7D0] =	vst v63  }
0xec: {  	s24 =	simm.s32 $0x40;
	s11 =	simm.s32 $0x80;
	_ =	swait.ge [sflag:s26], $0x1200  }
0xed: {  	s6 =	simm.s32 $0x200;
	s5 =	simm.s32 $0x2;
	[sflag:s26] =	ssyncset.done $0x0  }
.LBB2_2:
0xee: {  	s0 =	simm.s32 $0x9  }
0xef: {  	[sflag:s0] =	ssyncadd.s32 $0xFFFFEE00  }
0xf0: {  	s3 =	simm.s32 @!p2 $0xE;
	s12 =	simm.s32 $0x8640;
	s22 =	rddreg [dreg:$0x4]  }
0xf1: {  	[spmem:s22] =	stream.indirect.scatter.add.f32 [tilespmem:s12], [sflag:$0x11], $0x48, s23, s16, $0xb8;
	[tilespmem:$0x1F7D0] =	vst v63  }
0xf2: {  	_ =	swait.ge @!p2 [sflag:s3], $0x1200  }
0xf3: {  	[sflag:s3] =	ssyncset.done @!p2 $0x0  }
0xf4: {  	s29 =	sand.u32 $0x200, s6;
	s13 =	simm.s32 $0x5040;
	[sflag:s3] =	ssyncadd.s32 @!p2 $0xFFFFEE00  }
0xf5: {  	s28 =	simm.s32 $0x2;
	s15 =	sor.u32 $0x80, s29;
	s2 =	rddreg [dreg:$0x3]  }
0xf6: {  	[tilespmem:s13], [sflag:$0x6] =	stream.indirect.gather [spmem:s2], $0x48, s15, s16, $0xb8;
	[tilespmem:$0x1F7D0] =	vst v63  }
0xf7: {  	_ =	swait.ge [sflag:s28], $0x1200  }
0xf8: {  	s9 =	simm.s32 @!p2 $0xF;
	[sflag:s28] =	ssyncset.done $0x0  }
0xf9: {  	s14 =	sor.u32 $0x400, s29;
	s12 =	simm.s32 $0x840;
	[sflag:s28] =	ssyncadd.s32 $0xFFFFEE00  }
0xfa: {  	[spmem:s22] =	stream.indirect.scatter.add.f32 [tilespmem:s12], [sflag:$0xA], $0x48, s14, s16, $0xb8;
	[tilespmem:$0x1F7D0] =	vst v63  }
0xfb: {  	_ =	swait.ge @!p2 [sflag:s9], $0x1200  }
0xfc: {  	s17 =	simm.s32 $0x6240;
	[sflag:s9] =	ssyncset.done @!p2 $0x0  }
0xfd: {  	s8 =	simm.s32 $0x3;
	s19 =	sor.u32 $0x400, s15;
	[sflag:s9] =	ssyncadd.s32 @!p2 $0xFFFFEE00  }
0xfe: {  	[tilespmem:s17], [sflag:$0x7] =	stream.indirect.gather [spmem:s2], $0x48, s19, s16, $0xb8;
	[tilespmem:$0x1F7D0] =	vst v63  }
0xff: {  	_ =	swait.ge [sflag:s8], $0x1200  }
0x100: {  	[sflag:s8] =	ssyncset.done $0x0  }
0x101: {  	s7 =	simm.s32 $0x1A40;
	s3 =	simm.s32 @!p2 $0x10;
	[sflag:s8] =	ssyncadd.s32 $0xFFFFEE00  }
0x102: {  	[spmem:s22] =	stream.indirect.scatter.add.f32 [tilespmem:s7], [sflag:$0xB], $0x48, s29, s16, $0xb8;
	[tilespmem:$0x1F7D0] =	vst v63  }
0x103: {  	_ =	swait.ge @!p2 [sflag:s3], $0x1200  }
0x104: {  	s25 =	simm.s32 $0x7440;
	[sflag:s3] =	ssyncset.done @!p2 $0x0  }
0x105: {  	s23 =	sor.u32 $0xC0, s29;
	s14 =	simm.s32 $0x4;
	[sflag:s3] =	ssyncadd.s32 @!p2 $0xFFFFEE00  }
0x106: {  	[tilespmem:s25], [sflag:$0x8] =	stream.indirect.gather [spmem:s2], $0x48, s23, s16, $0xb8;
	[tilespmem:$0x1F7D0] =	vst v63  }
0x107: {  	_ =	swait.ge [sflag:s14], $0x1200  }
0x108: {  	s18 =	sor.u32 $0x440, s29;
	[sflag:s14] =	ssyncset.done $0x0  }
0x109: {  	s13 =	simm.s32 $0x2C40;
	s9 =	simm.s32 @!p2 $0x11;
	[sflag:s14] =	ssyncadd.s32 $0xFFFFEE00  }
0x10a: {  	[spmem:s22] =	stream.indirect.scatter.add.f32 [tilespmem:s13], [sflag:$0xC], $0x48, s18, s16, $0xb8;
	[tilespmem:$0x1F7D0] =	vst v63  }
0x10b: {  	_ =	swait.ge @!p2 [sflag:s9], $0x1200  }
0x10c: {  	s1 =	simm.s32 $0x8640;
	[sflag:s9] =	ssyncset.done @!p2 $0x0  }
0x10d: {  	s17 =	simm.s32 $0x5;
	[sflag:s9] =	ssyncadd.s32 @!p2 $0xFFFFEE00;
	s9 =	sor.u32 $0x400, s23  }
0x10e: {  	[tilespmem:s1], [sflag:$0x9] =	stream.indirect.gather [spmem:s2], $0x48, s9, s16, $0xb8;
	[tilespmem:$0x1F7D0] =	vst v63  }
0x10f: {  	_ =	swait.ge [sflag:s17], $0x1200  }
0x110: {  	[sflag:s17] =	ssyncset.done $0x0  }
0x111: {  	s10 =	simm.s32 $0x3E40;
	s20 =	sor.u32 $0x40, s29;
	[sflag:s17] =	ssyncadd.s32 $0xFFFFEE00  }
0x112: {  	[spmem:s22] =	stream.indirect.scatter.add.f32 [tilespmem:s10], [sflag:$0xD], $0x48, s20, s16, $0xb8;
	[tilespmem:$0x1F7D0] =	vst v63  }
0x113: {  	s20 =	simm.s32 $0xA  }
0x114: {  	_ =	swait.ge [sflag:s20], $0x1200  }
0x115: {  	p2 =	seq.s32 s24, $0x980;
	s3 =	rddreg [dreg:$0x6]  }
0x116: {  	s18 =	sand.u32 $0x1, s5;
	[sflag:s20] =	ssyncset.done $0x0;
	s4 =	sadd.s32 @!p2 s24, s3  }
0x117: {  	s24 =	simm.s32 @!p2 $0x0;
	[sflag:s20] =	ssyncadd.s32 $0xFFFFEE00;
	s3 =	sshll.u32 @!p2 s18, $0x9  }
0x118: {  	s18 =	sadd.s32 @!p2 $0x40, s4;
	s30 =	sor.u32 @!p2 $0x400, s3;
	s1 =	sor.u32 @!p2 $0x40, s3  }
0x119: {  	[tilespmem:s3], [sflag:$0x1] =	stream.linear.gather @!p2 [hbm4b:s18+s24], $0x200, $0x38;
	[tilespmem:$0x1F7D0] =	vst v63  }
0x11a: {  	s4 =	sadd.s32 @!p2 $0x9C80, s4;
	s0 =	sor.u32 @!p2 $0x440, s3;
	[dreg:$0x7] =	wrdreg s1  }
0x11b: {  	[tilespmem:s30], [sflag:$0x1] =	stream.linear.gather @!p2 [hbm4b:s4+s24], $0x200, $0x38;
	[tilespmem:$0x1F7D0] =	vst v63  }
0x11c: {  	s26 =	simm.s32 $0x6;
	s18 =	sor.u32 $0x100, s29;
	[dreg:$0x8] =	wrdreg s0  }
0x11d: {  	[tilespmem:s12], [sflag:$0x2] =	stream.indirect.gather [spmem:s2], $0x48, s18, s16, $0xb8;
	[tilespmem:$0x1F7D0] =	vst v63  }
0x11e: {  	_ =	swait.ge [sflag:s26], $0x1200  }
0x11f: {  	[sflag:s26] =	ssyncset.done $0x0  }
0x120: {  	s31 =	simm.s32 $0xB;
	s4 =	simm.s32 $0x5040;
	[sflag:s26] =	ssyncadd.s32 $0xFFFFEE00  }
0x121: {  	[spmem:s22] =	stream.indirect.scatter.add.f32 [tilespmem:s4], [sflag:$0xE], $0x48, s19, s16, $0xb8;
	[tilespmem:$0x1F7D0] =	vst v63  }
0x122: {  	_ =	swait.ge [sflag:s31], $0x1200  }
0x123: {  	s21 =	smov.u32 s11;
	s1 =	simm.s32 $0x7;
	[sflag:s31] =	ssyncset.done $0x0  }
0x124: {  	s24 =	smov.u32 s21;
	s21 =	sor.u32 $0x500, s29;
	[sflag:s31] =	ssyncadd.s32 $0xFFFFEE00  }
0x125: {  	[tilespmem:s7], [sflag:$0x3] =	stream.indirect.gather [spmem:s2], $0x48, s21, s16, $0xb8;
	[tilespmem:$0x1F7D0] =	vst v63  }
0x126: {  	_ =	swait.ge [sflag:s1], $0x1200  }
0x127: {  	[sflag:s1] =	ssyncset.done $0x0  }
0x128: {  	s26 =	simm.s32 $0xC;
	s31 =	simm.s32 $0x6240;
	[sflag:s1] =	ssyncadd.s32 $0xFFFFEE00  }
0x129: {  	[spmem:s22] =	stream.indirect.scatter.add.f32 [tilespmem:s31], [sflag:$0xF], $0x48, s15, s16, $0xb8;
	[tilespmem:$0x1F7D0] =	vst v63  }
0x12a: {  	_ =	swait.ge [sflag:s26], $0x1200  }
0x12b: {  	[sflag:s26] =	ssyncset.done $0x0  }
0x12c: {  	s0 =	simm.s32 $0x8;
	s19 =	sor.u32 $0x140, s29;
	[sflag:s26] =	ssyncadd.s32 $0xFFFFEE00  }
0x12d: {  	[tilespmem:s13], [sflag:$0x4] =	stream.indirect.gather [spmem:s2], $0x48, s19, s16, $0xb8;
	[tilespmem:$0x1F7D0] =	vst v63  }
0x12e: {  	_ =	swait.ge [sflag:s0], $0x1200  }
0x12f: {  	[sflag:s0] =	ssyncset.done $0x0  }
0x130: {  	s15 =	simm.s32 $0xD;
	[sflag:s0] =	ssyncadd.s32 $0xFFFFEE00  }
0x131: {  	[spmem:s22] =	stream.indirect.scatter.add.f32 [tilespmem:s25], [sflag:$0x10], $0x48, s9, s16, $0xb8;
	[tilespmem:$0x1F7D0] =	vst v63  }
0x132: {  	_ =	swait.ge [sflag:s15], $0x1200  }
0x133: {  	[sflag:s15] =	ssyncset.done $0x0  }
0x134: {  	s0 =	simm.s32 $0x9;
	s9 =	sor.u32 $0x540, s29;
	[sflag:s15] =	ssyncadd.s32 $0xFFFFEE00  }
0x135: {  	[tilespmem:s10], [sflag:$0x5] =	stream.indirect.gather [spmem:s2], $0x48, s9, s16, $0xb8;
	[tilespmem:$0x1F7D0] =	vst v63  }
0x136: {  	_ =	swait.ge [sflag:s0], $0x1200  }
0x137: {  	[sflag:s0] =	ssyncset.done $0x0  }
0x138: {  	[sflag:s0] =	ssyncadd.s32 $0xFFFFEE00;
	s0 =	simm.s32 $0x8640  }
0x139: {  	[spmem:s22] =	stream.indirect.scatter.add.f32 [tilespmem:s0], [sflag:$0x11], $0x48, s23, s16, $0xb8;
	[tilespmem:$0x1F7D0] =	vst v63  }
0x13a: {  	s23 =	simm.s32 $0xE  }
0x13b: {  	_ =	swait.ge [sflag:s23], $0x1200  }
0x13c: {  	[sflag:s23] =	ssyncset.done $0x0  }
0x13d: {  	s15 =	sor.u32 $0x180, s29;
	[sflag:s23] =	ssyncadd.s32 $0xFFFFEE00  }
0x13e: {  	[tilespmem:s4], [sflag:$0x6] =	stream.indirect.gather [spmem:s2], $0x48, s15, s16, $0xb8;
	[tilespmem:$0x1F7D0] =	vst v63  }
0x13f: {  	_ =	swait.ge [sflag:s28], $0x1200  }
0x140: {  	[sflag:s28] =	ssyncset.done $0x0  }
0x141: {  	[sflag:s28] =	ssyncadd.s32 $0xFFFFEE00;
	s28 =	simm.s32 $0xF  }
0x142: {  	[spmem:s22] =	stream.indirect.scatter.add.f32 [tilespmem:s12], [sflag:$0xA], $0x48, s21, s16, $0xb8;
	[tilespmem:$0x1F7D0] =	vst v63  }
0x143: {  	_ =	swait.ge [sflag:s28], $0x1200  }
0x144: {  	[sflag:s28] =	ssyncset.done $0x0  }
0x145: {  	s21 =	sor.u32 $0x580, s29;
	[sflag:s28] =	ssyncadd.s32 $0xFFFFEE00  }
0x146: {  	[tilespmem:s31], [sflag:$0x7] =	stream.indirect.gather [spmem:s2], $0x48, s21, s16, $0xb8;
	[tilespmem:$0x1F7D0] =	vst v63  }
0x147: {  	_ =	swait.ge [sflag:s8], $0x1200  }
0x148: {  	[sflag:s8] =	ssyncset.done $0x0  }
0x149: {  	s23 =	simm.s32 $0x10;
	[sflag:s8] =	ssyncadd.s32 $0xFFFFEE00  }
0x14a: {  	[spmem:s22] =	stream.indirect.scatter.add.f32 [tilespmem:s7], [sflag:$0xB], $0x48, s18, s16, $0xb8;
	[tilespmem:$0x1F7D0] =	vst v63  }
0x14b: {  	_ =	swait.ge [sflag:s23], $0x1200  }
0x14c: {  	[sflag:s23] =	ssyncset.done $0x0  }
0x14d: {  	[sflag:s23] =	ssyncadd.s32 $0xFFFFEE00;
	s23 =	sor.u32 $0x1C0, s29  }
0x14e: {  	[tilespmem:s25], [sflag:$0x8] =	stream.indirect.gather [spmem:s2], $0x48, s23, s16, $0xb8;
	[tilespmem:$0x1F7D0] =	vst v63  }
0x14f: {  	_ =	swait.ge [sflag:s14], $0x1200  }
0x150: {  	[sflag:s14] =	ssyncset.done $0x0  }
0x151: {  	s28 =	simm.s32 $0x11;
	[sflag:s14] =	ssyncadd.s32 $0xFFFFEE00  }
0x152: {  	[spmem:s22] =	stream.indirect.scatter.add.f32 [tilespmem:s13], [sflag:$0xC], $0x48, s9, s16, $0xb8;
	[tilespmem:$0x1F7D0] =	vst v63  }
0x153: {  	_ =	swait.ge [sflag:s28], $0x1200  }
0x154: {  	[sflag:s28] =	ssyncset.done $0x0  }
0x155: {  	s29 =	sor.u32 $0x5C0, s29;
	[sflag:s28] =	ssyncadd.s32 $0xFFFFEE00  }
0x156: {  	[tilespmem:s0], [sflag:$0x9] =	stream.indirect.gather [spmem:s2], $0x48, s29, s16, $0xb8;
	[tilespmem:$0x1F7D0] =	vst v63  }
0x157: {  	_ =	swait.ge [sflag:s17], $0x1200  }
0x158: {  	[sflag:s17] =	ssyncset.done $0x0  }
0x159: {  	[sflag:s17] =	ssyncadd.s32 $0xFFFFEE00  }
0x15a: {  	[spmem:s22] =	stream.indirect.scatter.add.f32 [tilespmem:s10], [sflag:$0xD], $0x48, s19, s16, $0xb8;
	[tilespmem:$0x1F7D0] =	vst v63  }
0x15b: {  	_ =	swait.ge [sflag:s20], $0x1200  }
0x15c: {  	[sflag:s20] =	ssyncset.done $0x0  }
0x15d: {  	s9 =	simm.s32 @p2 $0x6;
	[sflag:s20] =	ssyncadd.s32 $0xFFFFEE00  }
0x15e: {  	_ =	swait.ge @p2 [sflag:s9], $0x1200  }
0x15f: {  	s18 =	simm.s32 @p2 $0x40;
	[sflag:s9] =	ssyncset.done @p2 $0x0  }
0x160: {  	s19 =	simm.s32 @p2 $0xB;
	[sflag:s9] =	ssyncadd.s32 @p2 $0xFFFFEE00;
	s9 =	simm.s32 @p2 $0x5040  }
0x161: {  	[spmem:s22] =	stream.indirect.scatter.add.f32 @p2 [tilespmem:s9], [sflag:$0xE], $0x48, s21, s18, $0xb8;
	[tilespmem:$0x1F7D0] =	vst v63  }
0x162: {  	_ =	swait.ge @p2 [sflag:s19], $0x1200  }
0x163: {  	[sflag:s19] =	ssyncset.done @p2 $0x0  }
0x164: {  	s9 =	simm.s32 @!p2 $0x1;
	[sflag:s19] =	ssyncadd.s32 @p2 $0xFFFFEE00  }
0x165: {  	_ =	swait.ge @!p2 [sflag:s9], $0x200  }
0x166: {  	[sflag:s9] =	ssyncset.done @!p2 $0x0  }
0x167: {  	[sflag:s9] =	ssyncadd.s32 @!p2 $0xFFFFFE00  }
0x168: {  	_ =	swait.ge @!p2 [sflag:s9], $0x200  }
0x169: {  	s25 =	simm.s32 @!p2 $0x6;
	[sflag:s9] =	ssyncset.done @!p2 $0x0  }
0x16a: {  	s19 =	simm.s32 @!p2 $0x840;
	[sflag:s9] =	ssyncadd.s32 @!p2 $0xFFFFFE00;
	s9 =	simm.s32 @!p2 $0x40  }
0x16b: {  	[tilespmem:s19], [sflag:$0x2] =	stream.indirect.gather @!p2 [spmem:s2], $0x48, s3, s9, $0xb8;
	[tilespmem:$0x1F7D0] =	vst v63  }
0x16c: {  	_ =	swait.ge @!p2 [sflag:s25], $0x1200  }
0x16d: {  	[sflag:s25] =	ssyncset.done @!p2 $0x0  }
0x16e: {  	s3 =	simm.s32 @!p2 $0x5040;
	s19 =	simm.s32 @!p2 $0xB;
	[sflag:s25] =	ssyncadd.s32 @!p2 $0xFFFFEE00  }
0x16f: {  	[spmem:s22] =	stream.indirect.scatter.add.f32 @!p2 [tilespmem:s3], [sflag:$0xE], $0x48, s21, s9, $0xb8;
	[tilespmem:$0x1F7D0] =	vst v63  }
0x170: {  	_ =	swait.ge @!p2 [sflag:s19], $0x1200  }
0x171: {  	[sflag:s19] =	ssyncset.done @!p2 $0x0  }
0x172: {  	s3 =	simm.s32 @!p2 $0x1A40;
	[sflag:s19] =	ssyncadd.s32 @!p2 $0xFFFFEE00  }
0x173: {  	[tilespmem:s3], [sflag:$0x3] =	stream.indirect.gather @!p2 [spmem:s2], $0x48, s30, s9, $0xb8;
	[tilespmem:$0x1F7D0] =	vst v63  }
0x174: {  	_ =	swait.ge [sflag:s1], $0x1200  }
0x175: {  	[sflag:s1] =	ssyncset.done $0x0  }
0x176: {  	s4 =	simm.s32 $0x6240;
	[sflag:s1] =	ssyncadd.s32 $0xFFFFEE00  }
0x177: {  	[spmem:s22] =	stream.indirect.scatter.add.f32 [tilespmem:s4], [sflag:$0xF], $0x48, s15, s16, $0xb8;
	[tilespmem:$0x1F7D0] =	vst v63  }
0x178: {  	_ =	swait.ge [sflag:s26], $0x1200  }
0x179: {  	[sflag:s26] =	ssyncset.done $0x0  }
0x17a: {  	s3 =	simm.s32 @p2 $0x8;
	[sflag:s26] =	ssyncadd.s32 $0xFFFFEE00  }
0x17b: {  	_ =	swait.ge @p2 [sflag:s3], $0x1200  }
0x17c: {  	[sflag:s3] =	ssyncset.done @p2 $0x0  }
0x17d: {  	s15 =	simm.s32 @p2 $0xD;
	[sflag:s3] =	ssyncadd.s32 @p2 $0xFFFFEE00;
	s3 =	simm.s32 @p2 $0x7440  }
0x17e: {  	[spmem:s22] =	stream.indirect.scatter.add.f32 @p2 [tilespmem:s3], [sflag:$0x10], $0x48, s29, s18, $0xb8;
	[tilespmem:$0x1F7D0] =	vst v63  }
0x17f: {  	_ =	swait.ge @p2 [sflag:s15], $0x1200  }
0x180: {  	s3 =	simm.s32 @!p2 $0x2C40;
	[sflag:s15] =	ssyncset.done @p2 $0x0  }
0x181: {  	s0 =	rddreg [dreg:$0x7];
	[sflag:s15] =	ssyncadd.s32 @p2 $0xFFFFEE00;
	s15 =	simm.s32 @!p2 $0x8  }
0x182: {  	[tilespmem:s3], [sflag:$0x4] =	stream.indirect.gather @!p2 [spmem:s2], $0x48, s0, s9, $0xb8;
	[tilespmem:$0x1F7D0] =	vst v63  }
0x183: {  	_ =	swait.ge @!p2 [sflag:s15], $0x1200  }
0x184: {  	s11 =	sadd.s32 $0x40, s11;
	[sflag:s15] =	ssyncset.done @!p2 $0x0  }
0x185: {  	s3 =	simm.s32 @!p2 $0x7440;
	[sflag:s15] =	ssyncadd.s32 @!p2 $0xFFFFEE00;
	s15 =	simm.s32 @!p2 $0xD  }
0x186: {  	[spmem:s22] =	stream.indirect.scatter.add.f32 @!p2 [tilespmem:s3], [sflag:$0x10], $0x48, s29, s9, $0xb8;
	[tilespmem:$0x1F7D0] =	vst v63  }
0x187: {  	p1 =	sne.s32 s11, $0x9C0;
	_ =	swait.ge @!p2 [sflag:s15], $0x1200  }
.Ltmp0:
0x188: {  	s31 =	simm.s32 $0x9;
	[sflag:s15] =	ssyncset.done @!p2 $0x0;
	(pc) =	sbr.rel @p1 .LBB2_2-.Ltmp0, $4  }
0x189: {  	s3 =	simm.s32 @!p2 $0x3E40;
	s0 =	rddreg [dreg:$0x8];
	[sflag:s15] =	ssyncadd.s32 @!p2 $0xFFFFEE00  }
0x18a: {  	[tilespmem:s3], [sflag:$0x5] =	stream.indirect.gather @!p2 [spmem:s2], $0x48, s0, s9, $0xb8;
	[tilespmem:$0x1F7D0] =	vst v63  }
0x18b: {  	s6 =	sadd.s32 $0x200, s6;
	_ =	swait.ge [sflag:s31], $0x1200  }
0x18c: {  	s5 =	sadd.s32 $0x1, s5;
	p2 =	seq.s32 s24, $0x0;
	[sflag:s31] =	ssyncset.done $0x0  }
0x18d: {  	s28 =	simm.s32 $0x9  }
0x18e: {  	[sflag:s28] =	ssyncadd.s32 $0xFFFFEE00  }
0x18f: {  	s3 =	simm.s32 @!p2 $0xE;
	s14 =	simm.s32 $0x8640;
	s22 =	rddreg [dreg:$0x4]  }
0x190: {  	[spmem:s22] =	stream.indirect.scatter.add.f32 [tilespmem:s14], [sflag:$0x11], $0x48, s23, s16, $0xb8;
	[tilespmem:$0x1F7D0] =	vst v63  }
0x191: {  	_ =	swait.ge @!p2 [sflag:s3], $0x1200  }
0x192: {  	[sflag:s3] =	ssyncset.done @!p2 $0x0  }
0x193: {  	s6 =	sand.u32 $0x200, s6;
	s10 =	simm.s32 $0x5040;
	[sflag:s3] =	ssyncadd.s32 @!p2 $0xFFFFEE00  }
0x194: {  	s25 =	simm.s32 $0x2;
	s9 =	sor.u32 $0x80, s6;
	s2 =	rddreg [dreg:$0x3]  }
0x195: {  	[tilespmem:s10], [sflag:$0x6] =	stream.indirect.gather [spmem:s2], $0x48, s9, s16, $0xb8;
	[tilespmem:$0x1F7D0] =	vst v63  }
0x196: {  	_ =	swait.ge [sflag:s25], $0x1200  }
0x197: {  	s11 =	simm.s32 @!p2 $0xF;
	[sflag:s25] =	ssyncset.done $0x0  }
0x198: {  	s0 =	simm.s32 $0x840;
	s18 =	sor.u32 $0x400, s6;
	[sflag:s25] =	ssyncadd.s32 $0xFFFFEE00  }
0x199: {  	[spmem:s22] =	stream.indirect.scatter.add.f32 [tilespmem:s0], [sflag:$0xA], $0x48, s18, s16, $0xb8;
	[tilespmem:$0x1F7D0] =	vst v63  }
0x19a: {  	_ =	swait.ge @!p2 [sflag:s11], $0x1200  }
0x19b: {  	s12 =	simm.s32 $0x6240;
	[sflag:s11] =	ssyncset.done @!p2 $0x0  }
0x19c: {  	s1 =	simm.s32 $0x3;
	s15 =	sor.u32 $0x400, s9;
	[sflag:s11] =	ssyncadd.s32 @!p2 $0xFFFFEE00  }
0x19d: {  	[tilespmem:s12], [sflag:$0x7] =	stream.indirect.gather [spmem:s2], $0x48, s15, s16, $0xb8;
	[tilespmem:$0x1F7D0] =	vst v63  }
0x19e: {  	_ =	swait.ge [sflag:s1], $0x1200  }
0x19f: {  	[sflag:s1] =	ssyncset.done $0x0  }
0x1a0: {  	s23 =	simm.s32 $0x1A40;
	s3 =	simm.s32 @!p2 $0x10;
	[sflag:s1] =	ssyncadd.s32 $0xFFFFEE00  }
0x1a1: {  	[spmem:s22] =	stream.indirect.scatter.add.f32 [tilespmem:s23], [sflag:$0xB], $0x48, s6, s16, $0xb8;
	[tilespmem:$0x1F7D0] =	vst v63  }
0x1a2: {  	_ =	swait.ge @!p2 [sflag:s3], $0x1200  }
0x1a3: {  	s8 =	simm.s32 $0x7440;
	[sflag:s3] =	ssyncset.done @!p2 $0x0  }
0x1a4: {  	s13 =	simm.s32 $0x4;
	s11 =	sor.u32 $0xC0, s6;
	[sflag:s3] =	ssyncadd.s32 @!p2 $0xFFFFEE00  }
0x1a5: {  	[tilespmem:s8], [sflag:$0x8] =	stream.indirect.gather [spmem:s2], $0x48, s11, s16, $0xb8;
	[tilespmem:$0x1F7D0] =	vst v63  }
0x1a6: {  	_ =	swait.ge [sflag:s13], $0x1200  }
0x1a7: {  	s7 =	simm.s32 $0x2C40;
	[sflag:s13] =	ssyncset.done $0x0  }
0x1a8: {  	s19 =	sor.u32 $0x440, s6;
	s18 =	simm.s32 @!p2 $0x11;
	[sflag:s13] =	ssyncadd.s32 $0xFFFFEE00  }
0x1a9: {  	[spmem:s22] =	stream.indirect.scatter.add.f32 [tilespmem:s7], [sflag:$0xC], $0x48, s19, s16, $0xb8;
	[tilespmem:$0x1F7D0] =	vst v63  }
0x1aa: {  	_ =	swait.ge @!p2 [sflag:s18], $0x1200  }
0x1ab: {  	[sflag:s18] =	ssyncset.done @!p2 $0x0  }
0x1ac: {  	s31 =	simm.s32 $0x5;
	[sflag:s18] =	ssyncadd.s32 @!p2 $0xFFFFEE00;
	s18 =	sor.u32 $0x400, s11  }
0x1ad: {  	[tilespmem:s14], [sflag:$0x9] =	stream.indirect.gather [spmem:s2], $0x48, s18, s16, $0xb8;
	[tilespmem:$0x1F7D0] =	vst v63  }
0x1ae: {  	_ =	swait.ge [sflag:s31], $0x1200  }
0x1af: {  	s17 =	simm.s32 $0xA;
	[sflag:s31] =	ssyncset.done $0x0  }
0x1b0: {  	s20 =	sor.u32 $0x40, s6;
	s0 =	simm.s32 $0x3E40;
	[sflag:s31] =	ssyncadd.s32 $0xFFFFEE00  }
0x1b1: {  	[spmem:s22] =	stream.indirect.scatter.add.f32 [tilespmem:s0], [sflag:$0xD], $0x48, s20, s16, $0xb8;
	[tilespmem:$0x1F7D0] =	vst v63  }
0x1b2: {  	_ =	swait.ge [sflag:s17], $0x1200  }
0x1b3: {  	s5 =	sand.u32 $0x1, s5;
	p1 =	seq.s32 s24, $0x980;
	s3 =	rddreg [dreg:$0x6]  }
0x1b4: {  	s21 =	simm.s32 @!p1 $0x0;
	[sflag:s17] =	ssyncset.done $0x0;
	s19 =	sadd.s32 @!p1 s24, s3  }
0x1b5: {  	[sflag:s17] =	ssyncadd.s32 $0xFFFFEE00;
	s3 =	sshll.u32 @!p1 s5, $0x9;
	s4 =	sadd.s32 @!p1 $0x40, s19  }
0x1b6: {  	[tilespmem:s3], [sflag:$0x1] =	stream.linear.gather @!p1 [hbm4b:s4+s21], $0x200, $0x38;
	[tilespmem:$0x1F7D0] =	vst v63  }
0x1b7: {  	s5 =	sadd.s32 @!p1 $0x9C80, s19;
	s4 =	sor.u32 @!p1 $0x400, s3  }
0x1b8: {  	[tilespmem:s4], [sflag:$0x1] =	stream.linear.gather @!p1 [hbm4b:s5+s21], $0x200, $0x38;
	[tilespmem:$0x1F7D0] =	vst v63  }
0x1b9: {  	s30 =	simm.s32 $0x840;
	s5 =	sor.u32 $0x100, s6;
	s21 =	simm.s32 $0x6  }
0x1ba: {  	[tilespmem:s30], [sflag:$0x2] =	stream.indirect.gather [spmem:s2], $0x48, s5, s16, $0xb8;
	[tilespmem:$0x1F7D0] =	vst v63  }
0x1bb: {  	_ =	swait.ge [sflag:s21], $0x1200  }
0x1bc: {  	[sflag:s21] =	ssyncset.done $0x0  }
0x1bd: {  	s20 =	simm.s32 $0xB;
	[sflag:s21] =	ssyncadd.s32 $0xFFFFEE00  }
0x1be: {  	[spmem:s22] =	stream.indirect.scatter.add.f32 [tilespmem:s10], [sflag:$0xE], $0x48, s15, s16, $0xb8;
	[tilespmem:$0x1F7D0] =	vst v63  }
0x1bf: {  	_ =	swait.ge [sflag:s20], $0x1200  }
0x1c0: {  	[sflag:s20] =	ssyncset.done $0x0  }
0x1c1: {  	s24 =	sor.u32 $0x500, s6;
	s21 =	simm.s32 $0x7;
	[sflag:s20] =	ssyncadd.s32 $0xFFFFEE00  }
0x1c2: {  	[tilespmem:s23], [sflag:$0x3] =	stream.indirect.gather [spmem:s2], $0x48, s24, s16, $0xb8;
	[tilespmem:$0x1F7D0] =	vst v63  }
0x1c3: {  	_ =	swait.ge [sflag:s21], $0x1200  }
0x1c4: {  	[sflag:s21] =	ssyncset.done $0x0  }
0x1c5: {  	s26 =	simm.s32 $0xC;
	[sflag:s21] =	ssyncadd.s32 $0xFFFFEE00  }
0x1c6: {  	[spmem:s22] =	stream.indirect.scatter.add.f32 [tilespmem:s12], [sflag:$0xF], $0x48, s9, s16, $0xb8;
	[tilespmem:$0x1F7D0] =	vst v63  }
0x1c7: {  	_ =	swait.ge [sflag:s26], $0x1200  }
0x1c8: {  	[sflag:s26] =	ssyncset.done $0x0  }
0x1c9: {  	s29 =	simm.s32 $0x8;
	s19 =	sor.u32 $0x140, s6;
	[sflag:s26] =	ssyncadd.s32 $0xFFFFEE00  }
0x1ca: {  	[tilespmem:s7], [sflag:$0x4] =	stream.indirect.gather [spmem:s2], $0x48, s19, s16, $0xb8;
	[tilespmem:$0x1F7D0] =	vst v63  }
0x1cb: {  	_ =	swait.ge [sflag:s29], $0x1200  }
0x1cc: {  	[sflag:s29] =	ssyncset.done $0x0  }
0x1cd: {  	[sflag:s29] =	ssyncadd.s32 $0xFFFFEE00  }
0x1ce: {  	[spmem:s22] =	stream.indirect.scatter.add.f32 [tilespmem:s8], [sflag:$0x10], $0x48, s18, s16, $0xb8;
	[tilespmem:$0x1F7D0] =	vst v63  }
0x1cf: {  	s18 =	simm.s32 $0xD  }
0x1d0: {  	_ =	swait.ge [sflag:s18], $0x1200  }
0x1d1: {  	[sflag:s18] =	ssyncset.done $0x0  }
0x1d2: {  	[sflag:s18] =	ssyncadd.s32 $0xFFFFEE00;
	s18 =	sor.u32 $0x540, s6  }
0x1d3: {  	[tilespmem:s0], [sflag:$0x5] =	stream.indirect.gather [spmem:s2], $0x48, s18, s16, $0xb8;
	[tilespmem:$0x1F7D0] =	vst v63  }
0x1d4: {  	_ =	swait.ge [sflag:s28], $0x1200  }
0x1d5: {  	[sflag:s28] =	ssyncset.done $0x0  }
0x1d6: {  	s29 =	simm.s32 $0xE;
	[sflag:s28] =	ssyncadd.s32 $0xFFFFEE00  }
0x1d7: {  	[spmem:s22] =	stream.indirect.scatter.add.f32 [tilespmem:s14], [sflag:$0x11], $0x48, s11, s16, $0xb8;
	[tilespmem:$0x1F7D0] =	vst v63  }
0x1d8: {  	_ =	swait.ge [sflag:s29], $0x1200  }
0x1d9: {  	[sflag:s29] =	ssyncset.done $0x0  }
0x1da: {  	s9 =	sor.u32 $0x180, s6;
	[sflag:s29] =	ssyncadd.s32 $0xFFFFEE00  }
0x1db: {  	[tilespmem:s10], [sflag:$0x6] =	stream.indirect.gather [spmem:s2], $0x48, s9, s16, $0xb8;
	[tilespmem:$0x1F7D0] =	vst v63  }
0x1dc: {  	_ =	swait.ge [sflag:s25], $0x1200  }
0x1dd: {  	[sflag:s25] =	ssyncset.done $0x0  }
0x1de: {  	s10 =	simm.s32 $0xF;
	[sflag:s25] =	ssyncadd.s32 $0xFFFFEE00  }
0x1df: {  	[spmem:s22] =	stream.indirect.scatter.add.f32 [tilespmem:s30], [sflag:$0xA], $0x48, s24, s16, $0xb8;
	[tilespmem:$0x1F7D0] =	vst v63  }
0x1e0: {  	_ =	swait.ge [sflag:s10], $0x1200  }
0x1e1: {  	[sflag:s10] =	ssyncset.done $0x0  }
0x1e2: {  	s11 =	sor.u32 $0x580, s6;
	[sflag:s10] =	ssyncadd.s32 $0xFFFFEE00  }
0x1e3: {  	[tilespmem:s12], [sflag:$0x7] =	stream.indirect.gather [spmem:s2], $0x48, s11, s16, $0xb8;
	[tilespmem:$0x1F7D0] =	vst v63  }
0x1e4: {  	_ =	swait.ge [sflag:s1], $0x1200  }
0x1e5: {  	[sflag:s1] =	ssyncset.done $0x0  }
0x1e6: {  	s30 =	simm.s32 $0x10;
	[sflag:s1] =	ssyncadd.s32 $0xFFFFEE00  }
0x1e7: {  	[spmem:s22] =	stream.indirect.scatter.add.f32 [tilespmem:s23], [sflag:$0xB], $0x48, s5, s16, $0xb8;
	[tilespmem:$0x1F7D0] =	vst v63  }
0x1e8: {  	_ =	swait.ge [sflag:s30], $0x1200  }
0x1e9: {  	[sflag:s30] =	ssyncset.done $0x0  }
0x1ea: {  	s24 =	sor.u32 $0x1C0, s6;
	[sflag:s30] =	ssyncadd.s32 $0xFFFFEE00  }
0x1eb: {  	[tilespmem:s8], [sflag:$0x8] =	stream.indirect.gather [spmem:s2], $0x48, s24, s16, $0xb8;
	[tilespmem:$0x1F7D0] =	vst v63  }
0x1ec: {  	_ =	swait.ge [sflag:s13], $0x1200  }
0x1ed: {  	[sflag:s13] =	ssyncset.done $0x0  }
0x1ee: {  	[sflag:s13] =	ssyncadd.s32 $0xFFFFEE00;
	s13 =	simm.s32 $0x11  }
0x1ef: {  	[spmem:s22] =	stream.indirect.scatter.add.f32 [tilespmem:s7], [sflag:$0xC], $0x48, s18, s16, $0xb8;
	[tilespmem:$0x1F7D0] =	vst v63  }
0x1f0: {  	_ =	swait.ge [sflag:s13], $0x1200  }
0x1f1: {  	[sflag:s13] =	ssyncset.done $0x0  }
0x1f2: {  	s6 =	sor.u32 $0x5C0, s6;
	[sflag:s13] =	ssyncadd.s32 $0xFFFFEE00  }
0x1f3: {  	[tilespmem:s14], [sflag:$0x9] =	stream.indirect.gather [spmem:s2], $0x48, s6, s16, $0xb8;
	[tilespmem:$0x1F7D0] =	vst v63  }
0x1f4: {  	_ =	swait.ge [sflag:s31], $0x1200  }
0x1f5: {  	[sflag:s31] =	ssyncset.done $0x0  }
0x1f6: {  	[sflag:s31] =	ssyncadd.s32 $0xFFFFEE00  }
0x1f7: {  	[spmem:s22] =	stream.indirect.scatter.add.f32 [tilespmem:s0], [sflag:$0xD], $0x48, s19, s16, $0xb8;
	[tilespmem:$0x1F7D0] =	vst v63  }
0x1f8: {  	_ =	swait.ge [sflag:s17], $0x1200  }
0x1f9: {  	[sflag:s17] =	ssyncset.done $0x0  }
0x1fa: {  	s15 =	simm.s32 @p1 $0x6;
	[sflag:s17] =	ssyncadd.s32 $0xFFFFEE00  }
0x1fb: {  	_ =	swait.ge @p1 [sflag:s15], $0x1200  }
0x1fc: {  	s18 =	simm.s32 @p1 $0xB;
	[sflag:s15] =	ssyncset.done @p1 $0x0  }
0x1fd: {  	s19 =	simm.s32 @p1 $0x5040;
	[sflag:s15] =	ssyncadd.s32 @p1 $0xFFFFEE00;
	s15 =	simm.s32 @p1 $0x40  }
0x1fe: {  	[spmem:s22] =	stream.indirect.scatter.add.f32 @p1 [tilespmem:s19], [sflag:$0xE], $0x48, s11, s15, $0xb8;
	[tilespmem:$0x1F7D0] =	vst v63  }
0x1ff: {  	_ =	swait.ge @p1 [sflag:s18], $0x1200  }
0x200: {  	[sflag:s18] =	ssyncset.done @p1 $0x0  }
0x201: {  	[sflag:s18] =	ssyncadd.s32 @p1 $0xFFFFEE00;
	s18 =	simm.s32 @!p1 $0x1  }
0x202: {  	_ =	swait.ge @!p1 [sflag:s18], $0x200  }
0x203: {  	[sflag:s18] =	ssyncset.done @!p1 $0x0  }
0x204: {  	[sflag:s18] =	ssyncadd.s32 @!p1 $0xFFFFFE00  }
0x205: {  	_ =	swait.ge @!p1 [sflag:s18], $0x200  }
0x206: {  	[sflag:s18] =	ssyncset.done @!p1 $0x0  }
0x207: {  	s19 =	simm.s32 @!p1 $0x840;
	[sflag:s18] =	ssyncadd.s32 @!p1 $0xFFFFFE00;
	s18 =	simm.s32 @!p1 $0x40  }
0x208: {  	[tilespmem:s19], [sflag:$0x2] =	stream.indirect.gather @!p1 [spmem:s2], $0x48, s3, s18, $0xb8;
	[tilespmem:$0x1F7D0] =	vst v63  }
0x209: {  	s19 =	simm.s32 @!p1 $0x6  }
0x20a: {  	_ =	swait.ge @!p1 [sflag:s19], $0x1200  }
0x20b: {  	[sflag:s19] =	ssyncset.done @!p1 $0x0  }
0x20c: {  	[sflag:s19] =	ssyncadd.s32 @!p1 $0xFFFFEE00;
	s19 =	simm.s32 @!p1 $0x5040  }
0x20d: {  	[spmem:s22] =	stream.indirect.scatter.add.f32 @!p1 [tilespmem:s19], [sflag:$0xE], $0x48, s11, s18, $0xb8;
	[tilespmem:$0x1F7D0] =	vst v63  }
0x20e: {  	s11 =	simm.s32 @!p1 $0xB  }
0x20f: {  	_ =	swait.ge @!p1 [sflag:s11], $0x1200  }
0x210: {  	[sflag:s11] =	ssyncset.done @!p1 $0x0  }
0x211: {  	[sflag:s11] =	ssyncadd.s32 @!p1 $0xFFFFEE00;
	s11 =	simm.s32 @!p1 $0x1A40  }
0x212: {  	[tilespmem:s11], [sflag:$0x3] =	stream.indirect.gather @!p1 [spmem:s2], $0x48, s4, s18, $0xb8;
	[tilespmem:$0x1F7D0] =	vst v63  }
0x213: {  	_ =	swait.ge [sflag:s21], $0x1200  }
0x214: {  	[sflag:s21] =	ssyncset.done $0x0  }
0x215: {  	[sflag:s21] =	ssyncadd.s32 $0xFFFFEE00  }
0x216: {  	[spmem:s22] =	stream.indirect.scatter.add.f32 [tilespmem:s12], [sflag:$0xF], $0x48, s9, s16, $0xb8;
	[tilespmem:$0x1F7D0] =	vst v63  }
0x217: {  	_ =	swait.ge [sflag:s26], $0x1200  }
0x218: {  	[sflag:s26] =	ssyncset.done $0x0  }
0x219: {  	s4 =	simm.s32 @p1 $0x8;
	[sflag:s26] =	ssyncadd.s32 $0xFFFFEE00  }
0x21a: {  	_ =	swait.ge @p1 [sflag:s4], $0x1200  }
0x21b: {  	[sflag:s4] =	ssyncset.done @p1 $0x0  }
0x21c: {  	[sflag:s4] =	ssyncadd.s32 @p1 $0xFFFFEE00;
	s4 =	simm.s32 @p1 $0x7440  }
0x21d: {  	[spmem:s22] =	stream.indirect.scatter.add.f32 @p1 [tilespmem:s4], [sflag:$0x10], $0x48, s6, s15, $0xb8;
	[tilespmem:$0x1F7D0] =	vst v63  }
0x21e: {  	s4 =	simm.s32 @p1 $0xD  }
0x21f: {  	_ =	swait.ge @p1 [sflag:s4], $0x1200  }
0x220: {  	[sflag:s4] =	ssyncset.done @p1 $0x0  }
0x221: {  	s9 =	sor.u32 @!p1 $0x40, s3;
	[sflag:s4] =	ssyncadd.s32 @p1 $0xFFFFEE00;
	s4 =	simm.s32 @!p1 $0x2C40  }
0x222: {  	[tilespmem:s4], [sflag:$0x4] =	stream.indirect.gather @!p1 [spmem:s2], $0x48, s9, s18, $0xb8;
	[tilespmem:$0x1F7D0] =	vst v63  }
0x223: {  	s4 =	simm.s32 @!p1 $0x8  }
0x224: {  	_ =	swait.ge @!p1 [sflag:s4], $0x1200  }
0x225: {  	[sflag:s4] =	ssyncset.done @!p1 $0x0  }
0x226: {  	[sflag:s4] =	ssyncadd.s32 @!p1 $0xFFFFEE00;
	s4 =	simm.s32 @!p1 $0x7440  }
0x227: {  	[spmem:s22] =	stream.indirect.scatter.add.f32 @!p1 [tilespmem:s4], [sflag:$0x10], $0x48, s6, s18, $0xb8;
	[tilespmem:$0x1F7D0] =	vst v63  }
0x228: {  	s4 =	simm.s32 @!p1 $0xD  }
0x229: {  	_ =	swait.ge @!p1 [sflag:s4], $0x1200  }
0x22a: {  	[sflag:s4] =	ssyncset.done @!p1 $0x0  }
0x22b: {  	s3 =	sor.u32 @!p1 $0x440, s3;
	[sflag:s4] =	ssyncadd.s32 @!p1 $0xFFFFEE00;
	s4 =	simm.s32 @!p1 $0x3E40  }
0x22c: {  	[tilespmem:s4], [sflag:$0x5] =	stream.indirect.gather @!p1 [spmem:s2], $0x48, s3, s18, $0xb8;
	[tilespmem:$0x1F7D0] =	vst v63  }
0x22d: {  	_ =	swait.ge [sflag:s28], $0x1200  }
0x22e: {  	[sflag:s28] =	ssyncset.done $0x0  }
0x22f: {  	[sflag:s28] =	ssyncadd.s32 $0xFFFFEE00  }
0x230: {  	[spmem:s22] =	stream.indirect.scatter.add.f32 [tilespmem:s14], [sflag:$0x11], $0x48, s24, s16, $0xb8;
	[tilespmem:$0x1F7D0] =	vst v63  }
0x231: {  	_ =	swait.ge [sflag:s29], $0x1200  }
0x232: {  	[sflag:s29] =	ssyncset.done $0x0  }
0x233: {  	[sflag:s29] =	ssyncadd.s32 $0xFFFFEE00  }
0x234: {  	_ =	swait.ge [sflag:s10], $0x1200  }
0x235: {  	[sflag:s10] =	ssyncset.done $0x0  }
0x236: {  	[sflag:s10] =	ssyncadd.s32 $0xFFFFEE00  }
0x237: {  	_ =	swait.ge [sflag:s30], $0x1200  }
0x238: {  	[sflag:s30] =	ssyncset.done $0x0  }
0x239: {  	[sflag:s30] =	ssyncadd.s32 $0xFFFFEE00  }
0x23a: {  	_ =	swait.ge [sflag:s13], $0x1200  }
0x23b: {  	s19 =	simm.s32 $0x800;
	s21 =	simm.s32 $0x12;
	[sflag:s13] =	ssyncset.done $0x0  }
0x23c: {  	s15 =	simm.s32 $0x0;
	s18 =	rddreg [dreg:$0x12];
	[sflag:s13] =	ssyncadd.s32 $0xFFFFEE00  }
0x23d: {  	[tilespmem:s19], [sflag:$0x12] =	stream.linear.gather [hbm4b:s18+s15], $0x20, $0x38;
	[tilespmem:$0x1F7D0] =	vst v63  }
0x23e: {  	_ =	swait.ge [sflag:s21], $0x20  }
0x23f: {  	[sflag:s21] =	ssyncset.done $0x0  }
0x240: {  	s26 =	simm.s32 $0x820;
	s24 =	rddreg [dreg:$0x13];
	[sflag:s21] =	ssyncadd.s32 $0xFFFFFFE0  }
0x241: {  	[tilespmem:s26], [sflag:$0x12] =	stream.linear.gather [hbm4b:s24+s15], $0x20, $0x38;
	[tilespmem:$0x1F7D0] =	vst v63  }
0x242: {  	_ =	swait.ge [sflag:s21], $0x20  }
0x243: {  	[sflag:s21] =	ssyncset.done $0x0  }
0x244: {  	s28 =	simm.s32 $0x20;
	s29 =	simm.s32 $0x840;
	[sflag:s21] =	ssyncadd.s32 $0xFFFFFFE0  }
0x245: {  	[tilespmem:s29], [sflag:$0x2] =	stream.indirect.gather [spmem:s2], $0x48, s19, s28, $0xb8;
	[tilespmem:$0x1F7D0] =	vst v63  }
0x246: {  	_ = 	snop  }
0x247: {  	[tilespmem:s23], [sflag:$0x3] =	stream.indirect.gather [spmem:s2], $0x48, s26, s28, $0xb8;
	[tilespmem:$0x1F7D0] =	vst v63  }
0x248: {  	_ =	swait.ge [sflag:s25], $0x900  }
0x249: {  	[sflag:s25] =	ssyncset.done $0x0  }
0x24a: {  	[sflag:s25] =	ssyncadd.s32 $0xFFFFF700  }
0x24b: {  	[spmem:s22] =	stream.indirect.scatter.add.f32 [tilespmem:s29], [sflag:$0xA], $0x48, s26, s28, $0xb8;
	[tilespmem:$0x1F7D0] =	vst v63  }
0x24c: {  	_ =	swait.ge [sflag:s1], $0x900  }
0x24d: {  	[sflag:s1] =	ssyncset.done $0x0  }
0x24e: {  	[sflag:s1] =	ssyncadd.s32 $0xFFFFF700  }
0x24f: {  	[spmem:s22] =	stream.indirect.scatter.add.f32 [tilespmem:s23], [sflag:$0xB], $0x48, s19, s28, $0xb8;
	[tilespmem:$0x1F7D0] =	vst v63  }
0x250: {  	_ =	swait.ge [sflag:s17], $0x900  }
0x251: {  	[sflag:s17] =	ssyncset.done $0x0  }
0x252: {  	[sflag:s17] =	ssyncadd.s32 $0xFFFFF700  }
0x253: {  	_ =	swait.ge [sflag:s20], $0x900  }
0x254: {  	[sflag:s20] =	ssyncset.done $0x0  }
0x255: {  	[sflag:s20] =	ssyncadd.s32 $0xFFFFF700  }
0x256: {  	[bflag:$0x0] =	sbarrier.arrive $0xFFFF  }
0x257: {  	s4 =	rddreg [dreg:$0x15]  }
0x258: {  	s3 =	simm.s32 @p0 $0x1FD2;
	s5 =	rddreg [dreg:$0x19]  }
0x259: {  	[hbm:s4], [sflag:s3] =	dma.local @p0 [spmem:s5], $0x1248  }
0x25a: {  	s3 =	simm.s32 @p0 $0x12  }
0x25b: {  	_ =	swait.ge @p0 [sflag:s3], $0x1248  }
0x25c: {  	s0 =	rddreg [dreg:$0x1b]  }
0x25d: {  	[sflag:s3] =	ssyncset.done @p0 $0x0;
	s1 =	rddreg [dreg:$0x1c]  }
0x25e: {  	[sflag:s3] =	ssyncadd.s32 @p0 $0xFFFFEDB8;
	s3 =	rddreg [dreg:$0x14]  }
0x25f: {  	[hbm:s3], [sflag:s0] =	dma.local @!p0 [spmem:s1], $0x1638  }
0x260: {  	s3 =	simm.s32 @!p0 $0x12  }
0x261: {  	_ =	swait.ge @!p0 [sflag:s3], $0x1638  }
0x262: {  	s30 =	rddreg [dreg:$0x1a]  }
0x263: {  	s31 =	rddreg [dreg:$0x16];
	s0 =	sadd.s32 $0x1, s30  }
0x264: {  	p1 =	sne.s32 s0, s31  }
.Ltmp1:
0x265: {  	_ = 	snop;
	(pc) =	sbr.rel @p1 .LBB2_1-.Ltmp1, $3  }
0x266: {  	_ =	sdelay $0x1  }
0x267: {  	[sflag:s3] =	ssyncset.done @!p0 $0x0  }
0x268: {  	[sflag:s3] =	ssyncadd.s32 @!p0 $0xFFFFE9C8  }
0x269: {  	_ =	sfence.sel $0x180000  }
0x26a: {  	[bflag:$0x0] =	sbarrier.arrive $0xFFFF  }
0x26b: {  	_ =	strace $0x90000047  }
0x26c: {  	s0 =	stileid.u32;
	[bflag:$0x2] =	sbarrier.arrive $0xFFFF  }
0x26d: {  	p0 =	sne.s32 s0, $0x0;
	s0 =	rddreg [dreg:$0x5]  }
0x26e: {  	s0 =	sadd.s32 @!p0 $0x100000, s0  }
0x26f: {  	[sflag:s0] =	ssyncadd.tile.s32 @!p0 $0x1;
	_ =	shalt  }
.Lfunc_end2:
_tile_overlayer_lowered:
.L_overlay_start_2:
0x270: {  	(tag) =	ssettag $0x2  }
0x271: {  	s0 =	rddreg [dreg:$0x0];
	s2 =	stileid.u32  }
0x272: {  	s1 =	rddreg [dreg:$0x1];
	p0 =	sne.s32 s2, $0x0  }
0x273: {  	s3 =	rddreg [dreg:$0x2];
	[bflag:$0x3] =	sbarrier.arrive $0xFFFF;
	s2 =	simm.s32 @!p0 $0x1C12  }
0x274: {  	[timem:s3], [sflag:s2] =	dma.local @!p0 [hbm:s0], s1  }
0x275: {  	s0 =	simm.s32 @!p0 $0x12  }
0x276: {  	_ =	swait.ge @!p0 [sflag:s0], s1  }
0x277: {  	s1 =	ssub.s32 @!p0 $0x0, s1;
	[sflag:s0] =	ssyncset.done @!p0 $0x0  }
0x278: {  	[sflag:s0] =	ssyncadd.s32 @!p0 s1  }
0x279: {  	[bflag:$0x3] =	sbarrier.arrive $0xFFFF  }
0x27a: {  	_ =	shalt  }

</sc_bundles>
